<compile_context>
chip_gen: v7x
topology: tpu7x:2x2x1
jax: 0.10.2.dev20260603
libtpu: 0.0.44.dev20260713+nightly
codegen_flags: <defaults>
</compile_context>

<pallas_src>
import functools

import jax
import jax.numpy as jnp
from jax import lax
from jax.experimental import pallas as pl
from jax.experimental.pallas import tpu as pltpu
from jax.experimental.pallas import tpu_sc as plsc

BATCH = 1024
HIST = 200
EMB_DIM = 512
B = BATCH * HIST
NC = 2
NS = 16
NW = NC * NS
BPW = B // NW
C = 16
NBUF = 8
SKEW = NBUF // 2
G = BPW // C
R = G // NBUF

_mesh = plsc.VectorSubcoreMesh(
    core_axis_name="c", subcore_axis_name="s", num_cores=NC, num_subcores=NS
)


@functools.partial(
    pl.kernel,
    out_type=jax.ShapeDtypeStruct((B, EMB_DIM), jnp.float32),
    mesh=_mesh,
    scratch_types=[
        pltpu.VMEM((BPW,), jnp.int32),
        pltpu.VMEM((NBUF, C, EMB_DIM), jnp.float32),
        [pltpu.SemaphoreType.DMA] * NBUF,
        [pltpu.SemaphoreType.DMA] * NBUF,
    ],
)
def _emb_lookup(idx_hbm, table_hbm, out_hbm, idx_v, rows_v, gsem, ssem):
    wid = lax.axis_index("s") * NC + lax.axis_index("c")
    base = wid * BPW
    pltpu.sync_copy(idx_hbm.at[pl.ds(base, BPW)], idx_v)

    def issue_gather(g, b):
        pltpu.async_copy(
            table_hbm.at[idx_v.at[pl.ds(g * C, C)]], rows_v.at[b], gsem[b]
        )

    def wait_gather(b):
        pltpu.make_async_copy(
            table_hbm.at[pl.ds(0, C)], rows_v.at[b], gsem[b]
        ).wait()

    def issue_scatter(g, b):
        pltpu.async_copy(
            rows_v.at[b], out_hbm.at[pl.ds(base + g * C, C)], ssem[b]
        )

    def wait_scatter(b):
        pltpu.make_async_copy(rows_v.at[b], out_hbm.at[pl.ds(0, C)], ssem[b]).wait()

    for j in range(SKEW):
        issue_gather(j, j)

    for j in range(NBUF):
        wait_gather(j)
        issue_scatter(j, j)
        if j >= SKEW:
            wait_scatter((j + SKEW) % NBUF)
        issue_gather(j + SKEW, (j + SKEW) % NBUF)

    @pl.loop(1, R - 1)
    def _round(o):
        gbase = o * NBUF
        for j in range(NBUF):
            b = j
            bh = (j + SKEW) % NBUF
            wait_gather(b)
            issue_scatter(gbase + j, b)
            wait_scatter(bh)
            issue_gather(gbase + j + SKEW, bh)

    gbase = G - NBUF
    for j in range(NBUF):
        b = j
        bh = (j + SKEW) % NBUF
        wait_gather(b)
        issue_scatter(gbase + j, b)
        if j < NBUF - SKEW:
            wait_scatter(bh)
            issue_gather(gbase + j + SKEW, bh)

    for b in range(NBUF):
        wait_scatter(b)


def kernel(input, table):
    flat_idx = input.reshape(B)
    out = _emb_lookup(flat_idx, table)
    return out.reshape(BATCH, HIST, EMB_DIM)

# --- scband reference (transcript-rebuilt; emitter-appended) ---
"""Pipeline reference for scband-discocat-embedding-6133213299310 (READ-ONLY COPY).

The authoritative reference and input builder live on the scoring server;
editing this copy changes nothing except your own understanding.
"""

import jax, jax.numpy as jnp
import numpy as np

VOCAB = 100000
EMB_DIM = 512  # mode='cat' -> vector_size = 512
PAD_IDX = 0
BATCH = 1024
HIST = 200


def setup_inputs(seed: int = 0) -> dict:
    key = jax.random.key(seed)
    k_idx, k_tab = jax.random.split(key)
    indices = jax.random.randint(k_idx, (BATCH, HIST), 0, VOCAB, dtype=jnp.int32)
    # Pretrained-style embedding table (DisCoCat real+imag concatenation);
    # padding row zeroed, matching embs[vocab['[PAD]']] = 0.
    table = jax.random.uniform(k_tab, (VOCAB, EMB_DIM), dtype=jnp.float32, minval=-0.5, maxval=0.5)
    table = table.at[PAD_IDX].set(0.0)
    return {"input": indices, "table": table}


def reference(input, table):
    # forward: output = self.embs(input)  -> plain embedding lookup (gather)
    output = jnp.take(table, input, axis=0)
    return output

if __name__ == "__main__":
    import jax
    _d = setup_inputs()
    print(jax.jit(kernel)(*tuple(_d.values())))

</pallas_src>

<mosaic_0001>
#map = affine_map<(d0, d1) -> (0)>
#map1 = affine_map<(d0, d1) -> (0, 0)>
module attributes {stable_mosaic.version = 14 : i64} {
  func.func @_emb_lookup(%arg0: i32, %arg1: i32, %arg2: memref<204800xi32, #tpu.memory_space<hbm>>, %arg3: memref<100000x512xf32, #tpu.memory_space<hbm>>, %arg4: memref<204800x512xf32, #tpu.memory_space<hbm>>, %arg5: memref<6400xi32, #tpu.memory_space<vmem>>, %arg6: memref<8x16x512xf32, #tpu.memory_space<vmem>>, %arg7: memref<!tpu.dma_semaphore, #tpu.memory_space<semaphore_mem>>, %arg8: memref<!tpu.dma_semaphore, #tpu.memory_space<semaphore_mem>>, %arg9: memref<!tpu.dma_semaphore, #tpu.memory_space<semaphore_mem>>, %arg10: memref<!tpu.dma_semaphore, #tpu.memory_space<semaphore_mem>>, %arg11: memref<!tpu.dma_semaphore, #tpu.memory_space<semaphore_mem>>, %arg12: memref<!tpu.dma_semaphore, #tpu.memory_space<semaphore_mem>>, %arg13: memref<!tpu.dma_semaphore, #tpu.memory_space<semaphore_mem>>, %arg14: memref<!tpu.dma_semaphore, #tpu.memory_space<semaphore_mem>>, %arg15: memref<!tpu.dma_semaphore, #tpu.memory_space<semaphore_mem>>, %arg16: memref<!tpu.dma_semaphore, #tpu.memory_space<semaphore_mem>>, %arg17: memref<!tpu.dma_semaphore, #tpu.memory_space<semaphore_mem>>, %arg18: memref<!tpu.dma_semaphore, #tpu.memory_space<semaphore_mem>>, %arg19: memref<!tpu.dma_semaphore, #tpu.memory_space<semaphore_mem>>, %arg20: memref<!tpu.dma_semaphore, #tpu.memory_space<semaphore_mem>>, %arg21: memref<!tpu.dma_semaphore, #tpu.memory_space<semaphore_mem>>, %arg22: memref<!tpu.dma_semaphore, #tpu.memory_space<semaphore_mem>>) attributes {dimension_semantics = [#tpu.dimension_semantics<core_parallel>, #tpu.dimension_semantics<subcore_parallel>], iteration_bounds = array<i64: 2, 16>, scalar_prefetch = 0 : i64, scratch_operands = 18 : i64, tpu.core_type = #tpu.core_type<sc_vector_subcore>, window_params = [{transform_indices = #map}, {transform_indices = #map1}, {transform_indices = #map1}]} {
    %mul3A = arith.constant 2 : i32
    %mul3A_0 = arith.muli %arg1, %mul3A : i32
    %add3A = arith.addi %mul3A_0, %arg0 : i32
    %mul3A_1 = arith.constant 6400 : i32
    %mul3A_2 = arith.muli %add3A, %mul3A_1 : i32
    "tpu.region"() ({
      %run_scoped3A = tpu.sem_alloc : memref<!tpu.dma_semaphore, #tpu.memory_space<semaphore_mem>>
      %dma_start3A_885 = tpu.memref_slice %arg2[%mul3A_2] : memref<204800xi32, #tpu.memory_space<hbm>> -> memref<6400xi32, #tpu.memory_space<hbm>>
      %dma_start3A_886 = tpu.memref_slice %arg2[%mul3A_2] : memref<204800xi32, #tpu.memory_space<hbm>> -> memref<6400xi32, #tpu.memory_space<hbm>>
      tpu.enqueue_dma source(%dma_start3A_886 : memref<6400xi32, #tpu.memory_space<hbm>>) target(%arg5 : memref<6400xi32, #tpu.memory_space<vmem>>) target_semaphore(%run_scoped3A : memref<!tpu.dma_semaphore, #tpu.memory_space<semaphore_mem>>)
      %dma_wait3A_887 = tpu.memref_slice %arg2[%mul3A_2] : memref<204800xi32, #tpu.memory_space<hbm>> -> memref<6400xi32, #tpu.memory_space<hbm>>
      %dma_wait3A_888 = tpu.memref_slice %arg2[%mul3A_2] : memref<204800xi32, #tpu.memory_space<hbm>> -> memref<6400xi32, #tpu.memory_space<hbm>>
      tpu.wait_dma2 semaphore(%run_scoped3A : memref<!tpu.dma_semaphore, #tpu.memory_space<semaphore_mem>>) src(%dma_wait3A_888 : memref<6400xi32, #tpu.memory_space<hbm>>) dst(%arg5 : memref<6400xi32, #tpu.memory_space<vmem>>)
      tpu.yield
    }) : () -> ()
    %dma_start3A = arith.constant 0 : i32
    %dma_start3A_3 = arith.constant 0 : i32
    %dma_start3A_4 = arith.constant 0 : i32
    %dma_start3A_5 = tpu.memref_slice %arg6[%dma_start3A, %dma_start3A_3, %dma_start3A_4] : memref<8x16x512xf32, #tpu.memory_space<vmem>> -> memref<1x16x512xf32, #tpu.memory_space<vmem>>
    %dma_start3A_6 = tpu.memref_squeeze %dma_start3A_5 : memref<1x16x512xf32, #tpu.memory_space<vmem>> -> memref<16x512xf32, #tpu.memory_space<vmem>>
    %dma_start3A_7 = arith.constant 0 : i32
    %dma_start3A_8 = tpu.memref_slice %arg5[%dma_start3A_7] : memref<6400xi32, #tpu.memory_space<vmem>> -> memref<16xi32, #tpu.memory_space<vmem>>
    %dma_start3A_9 = arith.constant 0 : i32
    %dma_start3A_10 = arith.constant 0 : i32
    %dma_start3A_11 = tpu.memref_slice %arg3[%dma_start3A_9, %dma_start3A_10] : memref<100000x512xf32, #tpu.memory_space<hbm>> -> memref<100000x512xf32, #tpu.memory_space<hbm>>
    tpu.enqueue_indirect_dma source(%dma_start3A_11 : memref<100000x512xf32, #tpu.memory_space<hbm>>) target(%dma_start3A_6 : memref<16x512xf32, #tpu.memory_space<vmem>>) offsets(%dma_start3A_8 : memref<16xi32, #tpu.memory_space<vmem>>) semaphore(%arg7 : memref<!tpu.dma_semaphore, #tpu.memory_space<semaphore_mem>>)
    %dma_start3A_12 = arith.constant 1 : i32
    %dma_start3A_13 = arith.constant 0 : i32
    %dma_start3A_14 = arith.constant 0 : i32
    %dma_start3A_15 = tpu.memref_slice %arg6[%dma_start3A_12, %dma_start3A_13, %dma_start3A_14] : memref<8x16x512xf32, #tpu.memory_space<vmem>> -> memref<1x16x512xf32, #tpu.memory_space<vmem>>
    %dma_start3A_16 = tpu.memref_squeeze %dma_start3A_15 : memref<1x16x512xf32, #tpu.memory_space<vmem>> -> memref<16x512xf32, #tpu.memory_space<vmem>>
    %dma_start3A_17 = arith.constant 16 : i32
    %dma_start3A_18 = tpu.memref_slice %arg5[%dma_start3A_17] : memref<6400xi32, #tpu.memory_space<vmem>> -> memref<16xi32, #tpu.memory_space<vmem>>
    %dma_start3A_19 = arith.constant 0 : i32
    %dma_start3A_20 = arith.constant 0 : i32
    %dma_start3A_21 = tpu.memref_slice %arg3[%dma_start3A_19, %dma_start3A_20] : memref<100000x512xf32, #tpu.memory_space<hbm>> -> memref<100000x512xf32, #tpu.memory_space<hbm>>
    tpu.enqueue_indirect_dma source(%dma_start3A_21 : memref<100000x512xf32, #tpu.memory_space<hbm>>) target(%dma_start3A_16 : memref<16x512xf32, #tpu.memory_space<vmem>>) offsets(%dma_start3A_18 : memref<16xi32, #tpu.memory_space<vmem>>) semaphore(%arg8 : memref<!tpu.dma_semaphore, #tpu.memory_space<semaphore_mem>>)
    %dma_start3A_22 = arith.constant 2 : i32
    %dma_start3A_23 = arith.constant 0 : i32
    %dma_start3A_24 = arith.constant 0 : i32
    %dma_start3A_25 = tpu.memref_slice %arg6[%dma_start3A_22, %dma_start3A_23, %dma_start3A_24] : memref<8x16x512xf32, #tpu.memory_space<vmem>> -> memref<1x16x512xf32, #tpu.memory_space<vmem>>
    %dma_start3A_26 = tpu.memref_squeeze %dma_start3A_25 : memref<1x16x512xf32, #tpu.memory_space<vmem>> -> memref<16x512xf32, #tpu.memory_space<vmem>>
    %dma_start3A_27 = arith.constant 32 : i32
    %dma_start3A_28 = tpu.memref_slice %arg5[%dma_start3A_27] : memref<6400xi32, #tpu.memory_space<vmem>> -> memref<16xi32, #tpu.memory_space<vmem>>
    %dma_start3A_29 = arith.constant 0 : i32
    %dma_start3A_30 = arith.constant 0 : i32
    %dma_start3A_31 = tpu.memref_slice %arg3[%dma_start3A_29, %dma_start3A_30] : memref<100000x512xf32, #tpu.memory_space<hbm>> -> memref<100000x512xf32, #tpu.memory_space<hbm>>
    tpu.enqueue_indirect_dma source(%dma_start3A_31 : memref<100000x512xf32, #tpu.memory_space<hbm>>) target(%dma_start3A_26 : memref<16x512xf32, #tpu.memory_space<vmem>>) offsets(%dma_start3A_28 : memref<16xi32, #tpu.memory_space<vmem>>) semaphore(%arg9 : memref<!tpu.dma_semaphore, #tpu.memory_space<semaphore_mem>>)
    %dma_start3A_32 = arith.constant 3 : i32
    %dma_start3A_33 = arith.constant 0 : i32
    %dma_start3A_34 = arith.constant 0 : i32
    %dma_start3A_35 = tpu.memref_slice %arg6[%dma_start3A_32, %dma_start3A_33, %dma_start3A_34] : memref<8x16x512xf32, #tpu.memory_space<vmem>> -> memref<1x16x512xf32, #tpu.memory_space<vmem>>
    %dma_start3A_36 = tpu.memref_squeeze %dma_start3A_35 : memref<1x16x512xf32, #tpu.memory_space<vmem>> -> memref<16x512xf32, #tpu.memory_space<vmem>>
    %dma_start3A_37 = arith.constant 48 : i32
    %dma_start3A_38 = tpu.memref_slice %arg5[%dma_start3A_37] : memref<6400xi32, #tpu.memory_space<vmem>> -> memref<16xi32, #tpu.memory_space<vmem>>
    %dma_start3A_39 = arith.constant 0 : i32
    %dma_start3A_40 = arith.constant 0 : i32
    %dma_start3A_41 = tpu.memref_slice %arg3[%dma_start3A_39, %dma_start3A_40] : memref<100000x512xf32, #tpu.memory_space<hbm>> -> memref<100000x512xf32, #tpu.memory_space<hbm>>
    tpu.enqueue_indirect_dma source(%dma_start3A_41 : memref<100000x512xf32, #tpu.memory_space<hbm>>) target(%dma_start3A_36 : memref<16x512xf32, #tpu.memory_space<vmem>>) offsets(%dma_start3A_38 : memref<16xi32, #tpu.memory_space<vmem>>) semaphore(%arg10 : memref<!tpu.dma_semaphore, #tpu.memory_space<semaphore_mem>>)
    %dma_wait3A = arith.constant 0 : i32
    %dma_wait3A_42 = arith.constant 0 : i32
    %dma_wait3A_43 = arith.constant 0 : i32
    %dma_wait3A_44 = tpu.memref_slice %arg6[%dma_wait3A, %dma_wait3A_42, %dma_wait3A_43] : memref<8x16x512xf32, #tpu.memory_space<vmem>> -> memref<1x16x512xf32, #tpu.memory_space<vmem>>
    %dma_wait3A_45 = tpu.memref_squeeze %dma_wait3A_44 : memref<1x16x512xf32, #tpu.memory_space<vmem>> -> memref<16x512xf32, #tpu.memory_space<vmem>>
    %dma_wait3A_46 = arith.constant 0 : i32
    %dma_wait3A_47 = arith.constant 0 : i32
    %dma_wait3A_48 = tpu.memref_slice %arg3[%dma_wait3A_46, %dma_wait3A_47] : memref<100000x512xf32, #tpu.memory_space<hbm>> -> memref<16x512xf32, #tpu.memory_space<hbm>>
    %dma_wait3A_49 = arith.constant 0 : i32
    %dma_wait3A_50 = arith.constant 0 : i32
    %dma_wait3A_51 = tpu.memref_slice %arg6[%dma_wait3A, %dma_wait3A_49, %dma_wait3A_50] : memref<8x16x512xf32, #tpu.memory_space<vmem>> -> memref<1x16x512xf32, #tpu.memory_space<vmem>>
    %dma_wait3A_52 = tpu.memref_squeeze %dma_wait3A_51 : memref<1x16x512xf32, #tpu.memory_space<vmem>> -> memref<16x512xf32, #tpu.memory_space<vmem>>
    %dma_wait3A_53 = arith.constant 0 : i32
    %dma_wait3A_54 = arith.constant 0 : i32
    %dma_wait3A_55 = tpu.memref_slice %arg3[%dma_wait3A_53, %dma_wait3A_54] : memref<100000x512xf32, #tpu.memory_space<hbm>> -> memref<16x512xf32, #tpu.memory_space<hbm>>
    tpu.wait_dma2 semaphore(%arg7 : memref<!tpu.dma_semaphore, #tpu.memory_space<semaphore_mem>>) src(%dma_wait3A_55 : memref<16x512xf32, #tpu.memory_space<hbm>>) dst(%dma_wait3A_52 : memref<16x512xf32, #tpu.memory_space<vmem>>)
    %add3A_56 = arith.constant 0 : i32
    %add3A_57 = arith.addi %mul3A_2, %add3A_56 : i32
    %dma_start3A_58 = arith.constant 0 : i32
    %dma_start3A_59 = arith.constant 0 : i32
    %dma_start3A_60 = arith.constant 0 : i32
    %dma_start3A_61 = tpu.memref_slice %arg6[%dma_start3A_58, %dma_start3A_59, %dma_start3A_60] : memref<8x16x512xf32, #tpu.memory_space<vmem>> -> memref<1x16x512xf32, #tpu.memory_space<vmem>>
    %dma_start3A_62 = tpu.memref_squeeze %dma_start3A_61 : memref<1x16x512xf32, #tpu.memory_space<vmem>> -> memref<16x512xf32, #tpu.memory_space<vmem>>
    %dma_start3A_63 = arith.constant 0 : i32
    %dma_start3A_64 = tpu.memref_slice %arg4[%add3A_57, %dma_start3A_63] : memref<204800x512xf32, #tpu.memory_space<hbm>> -> memref<16x512xf32, #tpu.memory_space<hbm>>
    %dma_start3A_65 = arith.constant 0 : i32
    %dma_start3A_66 = tpu.memref_slice %arg4[%add3A_57, %dma_start3A_65] : memref<204800x512xf32, #tpu.memory_space<hbm>> -> memref<16x512xf32, #tpu.memory_space<hbm>>
    %dma_start3A_67 = arith.constant 0 : i32
    %dma_start3A_68 = arith.constant 0 : i32
    %dma_start3A_69 = tpu.memref_slice %arg6[%dma_start3A_58, %dma_start3A_67, %dma_start3A_68] : memref<8x16x512xf32, #tpu.memory_space<vmem>> -> memref<1x16x512xf32, #tpu.memory_space<vmem>>
    %dma_start3A_70 = tpu.memref_squeeze %dma_start3A_69 : memref<1x16x512xf32, #tpu.memory_space<vmem>> -> memref<16x512xf32, #tpu.memory_space<vmem>>
    tpu.enqueue_dma source(%dma_start3A_70 : memref<16x512xf32, #tpu.memory_space<vmem>>) target(%dma_start3A_66 : memref<16x512xf32, #tpu.memory_space<hbm>>) target_semaphore(%arg15 : memref<!tpu.dma_semaphore, #tpu.memory_space<semaphore_mem>>)
    %dma_start3A_71 = arith.constant 4 : i32
    %dma_start3A_72 = arith.constant 0 : i32
    %dma_start3A_73 = arith.constant 0 : i32
    %dma_start3A_74 = tpu.memref_slice %arg6[%dma_start3A_71, %dma_start3A_72, %dma_start3A_73] : memref<8x16x512xf32, #tpu.memory_space<vmem>> -> memref<1x16x512xf32, #tpu.memory_space<vmem>>
    %dma_start3A_75 = tpu.memref_squeeze %dma_start3A_74 : memref<1x16x512xf32, #tpu.memory_space<vmem>> -> memref<16x512xf32, #tpu.memory_space<vmem>>
    %dma_start3A_76 = arith.constant 64 : i32
    %dma_start3A_77 = tpu.memref_slice %arg5[%dma_start3A_76] : memref<6400xi32, #tpu.memory_space<vmem>> -> memref<16xi32, #tpu.memory_space<vmem>>
    %dma_start3A_78 = arith.constant 0 : i32
    %dma_start3A_79 = arith.constant 0 : i32
    %dma_start3A_80 = tpu.memref_slice %arg3[%dma_start3A_78, %dma_start3A_79] : memref<100000x512xf32, #tpu.memory_space<hbm>> -> memref<100000x512xf32, #tpu.memory_space<hbm>>
    tpu.enqueue_indirect_dma source(%dma_start3A_80 : memref<100000x512xf32, #tpu.memory_space<hbm>>) target(%dma_start3A_75 : memref<16x512xf32, #tpu.memory_space<vmem>>) offsets(%dma_start3A_77 : memref<16xi32, #tpu.memory_space<vmem>>) semaphore(%arg11 : memref<!tpu.dma_semaphore, #tpu.memory_space<semaphore_mem>>)
    %dma_wait3A_81 = arith.constant 1 : i32
    %dma_wait3A_82 = arith.constant 0 : i32
    %dma_wait3A_83 = arith.constant 0 : i32
    %dma_wait3A_84 = tpu.memref_slice %arg6[%dma_wait3A_81, %dma_wait3A_82, %dma_wait3A_83] : memref<8x16x512xf32, #tpu.memory_space<vmem>> -> memref<1x16x512xf32, #tpu.memory_space<vmem>>
    %dma_wait3A_85 = tpu.memref_squeeze %dma_wait3A_84 : memref<1x16x512xf32, #tpu.memory_space<vmem>> -> memref<16x512xf32, #tpu.memory_space<vmem>>
    %dma_wait3A_86 = arith.constant 0 : i32
    %dma_wait3A_87 = arith.constant 0 : i32
    %dma_wait3A_88 = tpu.memref_slice %arg3[%dma_wait3A_86, %dma_wait3A_87] : memref<100000x512xf32, #tpu.memory_space<hbm>> -> memref<16x512xf32, #tpu.memory_space<hbm>>
    %dma_wait3A_89 = arith.constant 0 : i32
    %dma_wait3A_90 = arith.constant 0 : i32
    %dma_wait3A_91 = tpu.memref_slice %arg6[%dma_wait3A_81, %dma_wait3A_89, %dma_wait3A_90] : memref<8x16x512xf32, #tpu.memory_space<vmem>> -> memref<1x16x512xf32, #tpu.memory_space<vmem>>
    %dma_wait3A_92 = tpu.memref_squeeze %dma_wait3A_91 : memref<1x16x512xf32, #tpu.memory_space<vmem>> -> memref<16x512xf32, #tpu.memory_space<vmem>>
    %dma_wait3A_93 = arith.constant 0 : i32
    %dma_wait3A_94 = arith.constant 0 : i32
    %dma_wait3A_95 = tpu.memref_slice %arg3[%dma_wait3A_93, %dma_wait3A_94] : memref<100000x512xf32, #tpu.memory_space<hbm>> -> memref<16x512xf32, #tpu.memory_space<hbm>>
    tpu.wait_dma2 semaphore(%arg8 : memref<!tpu.dma_semaphore, #tpu.memory_space<semaphore_mem>>) src(%dma_wait3A_95 : memref<16x512xf32, #tpu.memory_space<hbm>>) dst(%dma_wait3A_92 : memref<16x512xf32, #tpu.memory_space<vmem>>)
    %add3A_96 = arith.constant 16 : i32
    %add3A_97 = arith.addi %mul3A_2, %add3A_96 : i32
    %dma_start3A_98 = arith.constant 1 : i32
    %dma_start3A_99 = arith.constant 0 : i32
    %dma_start3A_100 = arith.constant 0 : i32
    %dma_start3A_101 = tpu.memref_slice %arg6[%dma_start3A_98, %dma_start3A_99, %dma_start3A_100] : memref<8x16x512xf32, #tpu.memory_space<vmem>> -> memref<1x16x512xf32, #tpu.memory_space<vmem>>
    %dma_start3A_102 = tpu.memref_squeeze %dma_start3A_101 : memref<1x16x512xf32, #tpu.memory_space<vmem>> -> memref<16x512xf32, #tpu.memory_space<vmem>>
    %dma_start3A_103 = arith.constant 0 : i32
    %dma_start3A_104 = tpu.memref_slice %arg4[%add3A_97, %dma_start3A_103] : memref<204800x512xf32, #tpu.memory_space<hbm>> -> memref<16x512xf32, #tpu.memory_space<hbm>>
    %dma_start3A_105 = arith.constant 0 : i32
    %dma_start3A_106 = tpu.memref_slice %arg4[%add3A_97, %dma_start3A_105] : memref<204800x512xf32, #tpu.memory_space<hbm>> -> memref<16x512xf32, #tpu.memory_space<hbm>>
    %dma_start3A_107 = arith.constant 0 : i32
    %dma_start3A_108 = arith.constant 0 : i32
    %dma_start3A_109 = tpu.memref_slice %arg6[%dma_start3A_98, %dma_start3A_107, %dma_start3A_108] : memref<8x16x512xf32, #tpu.memory_space<vmem>> -> memref<1x16x512xf32, #tpu.memory_space<vmem>>
    %dma_start3A_110 = tpu.memref_squeeze %dma_start3A_109 : memref<1x16x512xf32, #tpu.memory_space<vmem>> -> memref<16x512xf32, #tpu.memory_space<vmem>>
    tpu.enqueue_dma source(%dma_start3A_110 : memref<16x512xf32, #tpu.memory_space<vmem>>) target(%dma_start3A_106 : memref<16x512xf32, #tpu.memory_space<hbm>>) target_semaphore(%arg16 : memref<!tpu.dma_semaphore, #tpu.memory_space<semaphore_mem>>)
    %dma_start3A_111 = arith.constant 5 : i32
    %dma_start3A_112 = arith.constant 0 : i32
    %dma_start3A_113 = arith.constant 0 : i32
    %dma_start3A_114 = tpu.memref_slice %arg6[%dma_start3A_111, %dma_start3A_112, %dma_start3A_113] : memref<8x16x512xf32, #tpu.memory_space<vmem>> -> memref<1x16x512xf32, #tpu.memory_space<vmem>>
    %dma_start3A_115 = tpu.memref_squeeze %dma_start3A_114 : memref<1x16x512xf32, #tpu.memory_space<vmem>> -> memref<16x512xf32, #tpu.memory_space<vmem>>
    %dma_start3A_116 = arith.constant 80 : i32
    %dma_start3A_117 = tpu.memref_slice %arg5[%dma_start3A_116] : memref<6400xi32, #tpu.memory_space<vmem>> -> memref<16xi32, #tpu.memory_space<vmem>>
    %dma_start3A_118 = arith.constant 0 : i32
    %dma_start3A_119 = arith.constant 0 : i32
    %dma_start3A_120 = tpu.memref_slice %arg3[%dma_start3A_118, %dma_start3A_119] : memref<100000x512xf32, #tpu.memory_space<hbm>> -> memref<100000x512xf32, #tpu.memory_space<hbm>>
    tpu.enqueue_indirect_dma source(%dma_start3A_120 : memref<100000x512xf32, #tpu.memory_space<hbm>>) target(%dma_start3A_115 : memref<16x512xf32, #tpu.memory_space<vmem>>) offsets(%dma_start3A_117 : memref<16xi32, #tpu.memory_space<vmem>>) semaphore(%arg12 : memref<!tpu.dma_semaphore, #tpu.memory_space<semaphore_mem>>)
    %dma_wait3A_121 = arith.constant 2 : i32
    %dma_wait3A_122 = arith.constant 0 : i32
    %dma_wait3A_123 = arith.constant 0 : i32
    %dma_wait3A_124 = tpu.memref_slice %arg6[%dma_wait3A_121, %dma_wait3A_122, %dma_wait3A_123] : memref<8x16x512xf32, #tpu.memory_space<vmem>> -> memref<1x16x512xf32, #tpu.memory_space<vmem>>
    %dma_wait3A_125 = tpu.memref_squeeze %dma_wait3A_124 : memref<1x16x512xf32, #tpu.memory_space<vmem>> -> memref<16x512xf32, #tpu.memory_space<vmem>>
    %dma_wait3A_126 = arith.constant 0 : i32
    %dma_wait3A_127 = arith.constant 0 : i32
    %dma_wait3A_128 = tpu.memref_slice %arg3[%dma_wait3A_126, %dma_wait3A_127] : memref<100000x512xf32, #tpu.memory_space<hbm>> -> memref<16x512xf32, #tpu.memory_space<hbm>>
    %dma_wait3A_129 = arith.constant 0 : i32
    %dma_wait3A_130 = arith.constant 0 : i32
    %dma_wait3A_131 = tpu.memref_slice %arg6[%dma_wait3A_121, %dma_wait3A_129, %dma_wait3A_130] : memref<8x16x512xf32, #tpu.memory_space<vmem>> -> memref<1x16x512xf32, #tpu.memory_space<vmem>>
    %dma_wait3A_132 = tpu.memref_squeeze %dma_wait3A_131 : memref<1x16x512xf32, #tpu.memory_space<vmem>> -> memref<16x512xf32, #tpu.memory_space<vmem>>
    %dma_wait3A_133 = arith.constant 0 : i32
    %dma_wait3A_134 = arith.constant 0 : i32
    %dma_wait3A_135 = tpu.memref_slice %arg3[%dma_wait3A_133, %dma_wait3A_134] : memref<100000x512xf32, #tpu.memory_space<hbm>> -> memref<16x512xf32, #tpu.memory_space<hbm>>
    tpu.wait_dma2 semaphore(%arg9 : memref<!tpu.dma_semaphore, #tpu.memory_space<semaphore_mem>>) src(%dma_wait3A_135 : memref<16x512xf32, #tpu.memory_space<hbm>>) dst(%dma_wait3A_132 : memref<16x512xf32, #tpu.memory_space<vmem>>)
    %add3A_136 = arith.constant 32 : i32
    %add3A_137 = arith.addi %mul3A_2, %add3A_136 : i32
    %dma_start3A_138 = arith.constant 2 : i32
    %dma_start3A_139 = arith.constant 0 : i32
    %dma_start3A_140 = arith.constant 0 : i32
    %dma_start3A_141 = tpu.memref_slice %arg6[%dma_start3A_138, %dma_start3A_139, %dma_start3A_140] : memref<8x16x512xf32, #tpu.memory_space<vmem>> -> memref<1x16x512xf32, #tpu.memory_space<vmem>>
    %dma_start3A_142 = tpu.memref_squeeze %dma_start3A_141 : memref<1x16x512xf32, #tpu.memory_space<vmem>> -> memref<16x512xf32, #tpu.memory_space<vmem>>
    %dma_start3A_143 = arith.constant 0 : i32
    %dma_start3A_144 = tpu.memref_slice %arg4[%add3A_137, %dma_start3A_143] : memref<204800x512xf32, #tpu.memory_space<hbm>> -> memref<16x512xf32, #tpu.memory_space<hbm>>
    %dma_start3A_145 = arith.constant 0 : i32
    %dma_start3A_146 = tpu.memref_slice %arg4[%add3A_137, %dma_start3A_145] : memref<204800x512xf32, #tpu.memory_space<hbm>> -> memref<16x512xf32, #tpu.memory_space<hbm>>
    %dma_start3A_147 = arith.constant 0 : i32
    %dma_start3A_148 = arith.constant 0 : i32
    %dma_start3A_149 = tpu.memref_slice %arg6[%dma_start3A_138, %dma_start3A_147, %dma_start3A_148] : memref<8x16x512xf32, #tpu.memory_space<vmem>> -> memref<1x16x512xf32, #tpu.memory_space<vmem>>
    %dma_start3A_150 = tpu.memref_squeeze %dma_start3A_149 : memref<1x16x512xf32, #tpu.memory_space<vmem>> -> memref<16x512xf32, #tpu.memory_space<vmem>>
    tpu.enqueue_dma source(%dma_start3A_150 : memref<16x512xf32, #tpu.memory_space<vmem>>) target(%dma_start3A_146 : memref<16x512xf32, #tpu.memory_space<hbm>>) target_semaphore(%arg17 : memref<!tpu.dma_semaphore, #tpu.memory_space<semaphore_mem>>)
    %dma_start3A_151 = arith.constant 6 : i32
    %dma_start3A_152 = arith.constant 0 : i32
    %dma_start3A_153 = arith.constant 0 : i32
    %dma_start3A_154 = tpu.memref_slice %arg6[%dma_start3A_151, %dma_start3A_152, %dma_start3A_153] : memref<8x16x512xf32, #tpu.memory_space<vmem>> -> memref<1x16x512xf32, #tpu.memory_space<vmem>>
    %dma_start3A_155 = tpu.memref_squeeze %dma_start3A_154 : memref<1x16x512xf32, #tpu.memory_space<vmem>> -> memref<16x512xf32, #tpu.memory_space<vmem>>
    %dma_start3A_156 = arith.constant 96 : i32
    %dma_start3A_157 = tpu.memref_slice %arg5[%dma_start3A_156] : memref<6400xi32, #tpu.memory_space<vmem>> -> memref<16xi32, #tpu.memory_space<vmem>>
    %dma_start3A_158 = arith.constant 0 : i32
    %dma_start3A_159 = arith.constant 0 : i32
    %dma_start3A_160 = tpu.memref_slice %arg3[%dma_start3A_158, %dma_start3A_159] : memref<100000x512xf32, #tpu.memory_space<hbm>> -> memref<100000x512xf32, #tpu.memory_space<hbm>>
    tpu.enqueue_indirect_dma source(%dma_start3A_160 : memref<100000x512xf32, #tpu.memory_space<hbm>>) target(%dma_start3A_155 : memref<16x512xf32, #tpu.memory_space<vmem>>) offsets(%dma_start3A_157 : memref<16xi32, #tpu.memory_space<vmem>>) semaphore(%arg13 : memref<!tpu.dma_semaphore, #tpu.memory_space<semaphore_mem>>)
    %dma_wait3A_161 = arith.constant 3 : i32
    %dma_wait3A_162 = arith.constant 0 : i32
    %dma_wait3A_163 = arith.constant 0 : i32
    %dma_wait3A_164 = tpu.memref_slice %arg6[%dma_wait3A_161, %dma_wait3A_162, %dma_wait3A_163] : memref<8x16x512xf32, #tpu.memory_space<vmem>> -> memref<1x16x512xf32, #tpu.memory_space<vmem>>
    %dma_wait3A_165 = tpu.memref_squeeze %dma_wait3A_164 : memref<1x16x512xf32, #tpu.memory_space<vmem>> -> memref<16x512xf32, #tpu.memory_space<vmem>>
    %dma_wait3A_166 = arith.constant 0 : i32
    %dma_wait3A_167 = arith.constant 0 : i32
    %dma_wait3A_168 = tpu.memref_slice %arg3[%dma_wait3A_166, %dma_wait3A_167] : memref<100000x512xf32, #tpu.memory_space<hbm>> -> memref<16x512xf32, #tpu.memory_space<hbm>>
    %dma_wait3A_169 = arith.constant 0 : i32
    %dma_wait3A_170 = arith.constant 0 : i32
    %dma_wait3A_171 = tpu.memref_slice %arg6[%dma_wait3A_161, %dma_wait3A_169, %dma_wait3A_170] : memref<8x16x512xf32, #tpu.memory_space<vmem>> -> memref<1x16x512xf32, #tpu.memory_space<vmem>>
    %dma_wait3A_172 = tpu.memref_squeeze %dma_wait3A_171 : memref<1x16x512xf32, #tpu.memory_space<vmem>> -> memref<16x512xf32, #tpu.memory_space<vmem>>
    %dma_wait3A_173 = arith.constant 0 : i32
    %dma_wait3A_174 = arith.constant 0 : i32
    %dma_wait3A_175 = tpu.memref_slice %arg3[%dma_wait3A_173, %dma_wait3A_174] : memref<100000x512xf32, #tpu.memory_space<hbm>> -> memref<16x512xf32, #tpu.memory_space<hbm>>
    tpu.wait_dma2 semaphore(%arg10 : memref<!tpu.dma_semaphore, #tpu.memory_space<semaphore_mem>>) src(%dma_wait3A_175 : memref<16x512xf32, #tpu.memory_space<hbm>>) dst(%dma_wait3A_172 : memref<16x512xf32, #tpu.memory_space<vmem>>)
    %add3A_176 = arith.constant 48 : i32
    %add3A_177 = arith.addi %mul3A_2, %add3A_176 : i32
    %dma_start3A_178 = arith.constant 3 : i32
    %dma_start3A_179 = arith.constant 0 : i32
    %dma_start3A_180 = arith.constant 0 : i32
    %dma_start3A_181 = tpu.memref_slice %arg6[%dma_start3A_178, %dma_start3A_179, %dma_start3A_180] : memref<8x16x512xf32, #tpu.memory_space<vmem>> -> memref<1x16x512xf32, #tpu.memory_space<vmem>>
    %dma_start3A_182 = tpu.memref_squeeze %dma_start3A_181 : memref<1x16x512xf32, #tpu.memory_space<vmem>> -> memref<16x512xf32, #tpu.memory_space<vmem>>
    %dma_start3A_183 = arith.constant 0 : i32
    %dma_start3A_184 = tpu.memref_slice %arg4[%add3A_177, %dma_start3A_183] : memref<204800x512xf32, #tpu.memory_space<hbm>> -> memref<16x512xf32, #tpu.memory_space<hbm>>
    %dma_start3A_185 = arith.constant 0 : i32
    %dma_start3A_186 = tpu.memref_slice %arg4[%add3A_177, %dma_start3A_185] : memref<204800x512xf32, #tpu.memory_space<hbm>> -> memref<16x512xf32, #tpu.memory_space<hbm>>
    %dma_start3A_187 = arith.constant 0 : i32
    %dma_start3A_188 = arith.constant 0 : i32
    %dma_start3A_189 = tpu.memref_slice %arg6[%dma_start3A_178, %dma_start3A_187, %dma_start3A_188] : memref<8x16x512xf32, #tpu.memory_space<vmem>> -> memref<1x16x512xf32, #tpu.memory_space<vmem>>
    %dma_start3A_190 = tpu.memref_squeeze %dma_start3A_189 : memref<1x16x512xf32, #tpu.memory_space<vmem>> -> memref<16x512xf32, #tpu.memory_space<vmem>>
    tpu.enqueue_dma source(%dma_start3A_190 : memref<16x512xf32, #tpu.memory_space<vmem>>) target(%dma_start3A_186 : memref<16x512xf32, #tpu.memory_space<hbm>>) target_semaphore(%arg18 : memref<!tpu.dma_semaphore, #tpu.memory_space<semaphore_mem>>)
    %dma_start3A_191 = arith.constant 7 : i32
    %dma_start3A_192 = arith.constant 0 : i32
    %dma_start3A_193 = arith.constant 0 : i32
    %dma_start3A_194 = tpu.memref_slice %arg6[%dma_start3A_191, %dma_start3A_192, %dma_start3A_193] : memref<8x16x512xf32, #tpu.memory_space<vmem>> -> memref<1x16x512xf32, #tpu.memory_space<vmem>>
    %dma_start3A_195 = tpu.memref_squeeze %dma_start3A_194 : memref<1x16x512xf32, #tpu.memory_space<vmem>> -> memref<16x512xf32, #tpu.memory_space<vmem>>
    %dma_start3A_196 = arith.constant 112 : i32
    %dma_start3A_197 = tpu.memref_slice %arg5[%dma_start3A_196] : memref<6400xi32, #tpu.memory_space<vmem>> -> memref<16xi32, #tpu.memory_space<vmem>>
    %dma_start3A_198 = arith.constant 0 : i32
    %dma_start3A_199 = arith.constant 0 : i32
    %dma_start3A_200 = tpu.memref_slice %arg3[%dma_start3A_198, %dma_start3A_199] : memref<100000x512xf32, #tpu.memory_space<hbm>> -> memref<100000x512xf32, #tpu.memory_space<hbm>>
    tpu.enqueue_indirect_dma source(%dma_start3A_200 : memref<100000x512xf32, #tpu.memory_space<hbm>>) target(%dma_start3A_195 : memref<16x512xf32, #tpu.memory_space<vmem>>) offsets(%dma_start3A_197 : memref<16xi32, #tpu.memory_space<vmem>>) semaphore(%arg14 : memref<!tpu.dma_semaphore, #tpu.memory_space<semaphore_mem>>)
    %dma_wait3A_201 = arith.constant 4 : i32
    %dma_wait3A_202 = arith.constant 0 : i32
    %dma_wait3A_203 = arith.constant 0 : i32
    %dma_wait3A_204 = tpu.memref_slice %arg6[%dma_wait3A_201, %dma_wait3A_202, %dma_wait3A_203] : memref<8x16x512xf32, #tpu.memory_space<vmem>> -> memref<1x16x512xf32, #tpu.memory_space<vmem>>
    %dma_wait3A_205 = tpu.memref_squeeze %dma_wait3A_204 : memref<1x16x512xf32, #tpu.memory_space<vmem>> -> memref<16x512xf32, #tpu.memory_space<vmem>>
    %dma_wait3A_206 = arith.constant 0 : i32
    %dma_wait3A_207 = arith.constant 0 : i32
    %dma_wait3A_208 = tpu.memref_slice %arg3[%dma_wait3A_206, %dma_wait3A_207] : memref<100000x512xf32, #tpu.memory_space<hbm>> -> memref<16x512xf32, #tpu.memory_space<hbm>>
    %dma_wait3A_209 = arith.constant 0 : i32
    %dma_wait3A_210 = arith.constant 0 : i32
    %dma_wait3A_211 = tpu.memref_slice %arg6[%dma_wait3A_201, %dma_wait3A_209, %dma_wait3A_210] : memref<8x16x512xf32, #tpu.memory_space<vmem>> -> memref<1x16x512xf32, #tpu.memory_space<vmem>>
    %dma_wait3A_212 = tpu.memref_squeeze %dma_wait3A_211 : memref<1x16x512xf32, #tpu.memory_space<vmem>> -> memref<16x512xf32, #tpu.memory_space<vmem>>
    %dma_wait3A_213 = arith.constant 0 : i32
    %dma_wait3A_214 = arith.constant 0 : i32
    %dma_wait3A_215 = tpu.memref_slice %arg3[%dma_wait3A_213, %dma_wait3A_214] : memref<100000x512xf32, #tpu.memory_space<hbm>> -> memref<16x512xf32, #tpu.memory_space<hbm>>
    tpu.wait_dma2 semaphore(%arg11 : memref<!tpu.dma_semaphore, #tpu.memory_space<semaphore_mem>>) src(%dma_wait3A_215 : memref<16x512xf32, #tpu.memory_space<hbm>>) dst(%dma_wait3A_212 : memref<16x512xf32, #tpu.memory_space<vmem>>)
    %add3A_216 = arith.constant 64 : i32
    %add3A_217 = arith.addi %mul3A_2, %add3A_216 : i32
    %dma_start3A_218 = arith.constant 4 : i32
    %dma_start3A_219 = arith.constant 0 : i32
    %dma_start3A_220 = arith.constant 0 : i32
    %dma_start3A_221 = tpu.memref_slice %arg6[%dma_start3A_218, %dma_start3A_219, %dma_start3A_220] : memref<8x16x512xf32, #tpu.memory_space<vmem>> -> memref<1x16x512xf32, #tpu.memory_space<vmem>>
    %dma_start3A_222 = tpu.memref_squeeze %dma_start3A_221 : memref<1x16x512xf32, #tpu.memory_space<vmem>> -> memref<16x512xf32, #tpu.memory_space<vmem>>
    %dma_start3A_223 = arith.constant 0 : i32
    %dma_start3A_224 = tpu.memref_slice %arg4[%add3A_217, %dma_start3A_223] : memref<204800x512xf32, #tpu.memory_space<hbm>> -> memref<16x512xf32, #tpu.memory_space<hbm>>
    %dma_start3A_225 = arith.constant 0 : i32
    %dma_start3A_226 = tpu.memref_slice %arg4[%add3A_217, %dma_start3A_225] : memref<204800x512xf32, #tpu.memory_space<hbm>> -> memref<16x512xf32, #tpu.memory_space<hbm>>
    %dma_start3A_227 = arith.constant 0 : i32
    %dma_start3A_228 = arith.constant 0 : i32
    %dma_start3A_229 = tpu.memref_slice %arg6[%dma_start3A_218, %dma_start3A_227, %dma_start3A_228] : memref<8x16x512xf32, #tpu.memory_space<vmem>> -> memref<1x16x512xf32, #tpu.memory_space<vmem>>
    %dma_start3A_230 = tpu.memref_squeeze %dma_start3A_229 : memref<1x16x512xf32, #tpu.memory_space<vmem>> -> memref<16x512xf32, #tpu.memory_space<vmem>>
    tpu.enqueue_dma source(%dma_start3A_230 : memref<16x512xf32, #tpu.memory_space<vmem>>) target(%dma_start3A_226 : memref<16x512xf32, #tpu.memory_space<hbm>>) target_semaphore(%arg19 : memref<!tpu.dma_semaphore, #tpu.memory_space<semaphore_mem>>)
    %dma_wait3A_231 = arith.constant 0 : i32
    %dma_wait3A_232 = arith.constant 0 : i32
    %dma_wait3A_233 = arith.constant 0 : i32
    %dma_wait3A_234 = tpu.memref_slice %arg6[%dma_wait3A_231, %dma_wait3A_232, %dma_wait3A_233] : memref<8x16x512xf32, #tpu.memory_space<vmem>> -> memref<1x16x512xf32, #tpu.memory_space<vmem>>
    %dma_wait3A_235 = tpu.memref_squeeze %dma_wait3A_234 : memref<1x16x512xf32, #tpu.memory_space<vmem>> -> memref<16x512xf32, #tpu.memory_space<vmem>>
    %dma_wait3A_236 = arith.constant 0 : i32
    %dma_wait3A_237 = arith.constant 0 : i32
    %dma_wait3A_238 = tpu.memref_slice %arg4[%dma_wait3A_236, %dma_wait3A_237] : memref<204800x512xf32, #tpu.memory_space<hbm>> -> memref<16x512xf32, #tpu.memory_space<hbm>>
    %dma_wait3A_239 = arith.constant 0 : i32
    %dma_wait3A_240 = arith.constant 0 : i32
    %dma_wait3A_241 = tpu.memref_slice %arg4[%dma_wait3A_239, %dma_wait3A_240] : memref<204800x512xf32, #tpu.memory_space<hbm>> -> memref<16x512xf32, #tpu.memory_space<hbm>>
    %dma_wait3A_242 = arith.constant 0 : i32
    %dma_wait3A_243 = arith.constant 0 : i32
    %dma_wait3A_244 = tpu.memref_slice %arg6[%dma_wait3A_231, %dma_wait3A_242, %dma_wait3A_243] : memref<8x16x512xf32, #tpu.memory_space<vmem>> -> memref<1x16x512xf32, #tpu.memory_space<vmem>>
    %dma_wait3A_245 = tpu.memref_squeeze %dma_wait3A_244 : memref<1x16x512xf32, #tpu.memory_space<vmem>> -> memref<16x512xf32, #tpu.memory_space<vmem>>
    tpu.wait_dma2 semaphore(%arg15 : memref<!tpu.dma_semaphore, #tpu.memory_space<semaphore_mem>>) src(%dma_wait3A_245 : memref<16x512xf32, #tpu.memory_space<vmem>>) dst(%dma_wait3A_241 : memref<16x512xf32, #tpu.memory_space<hbm>>)
    %dma_start3A_246 = arith.constant 0 : i32
    %dma_start3A_247 = arith.constant 0 : i32
    %dma_start3A_248 = arith.constant 0 : i32
    %dma_start3A_249 = tpu.memref_slice %arg6[%dma_start3A_246, %dma_start3A_247, %dma_start3A_248] : memref<8x16x512xf32, #tpu.memory_space<vmem>> -> memref<1x16x512xf32, #tpu.memory_space<vmem>>
    %dma_start3A_250 = tpu.memref_squeeze %dma_start3A_249 : memref<1x16x512xf32, #tpu.memory_space<vmem>> -> memref<16x512xf32, #tpu.memory_space<vmem>>
    %dma_start3A_251 = arith.constant 128 : i32
    %dma_start3A_252 = tpu.memref_slice %arg5[%dma_start3A_251] : memref<6400xi32, #tpu.memory_space<vmem>> -> memref<16xi32, #tpu.memory_space<vmem>>
    %dma_start3A_253 = arith.constant 0 : i32
    %dma_start3A_254 = arith.constant 0 : i32
    %dma_start3A_255 = tpu.memref_slice %arg3[%dma_start3A_253, %dma_start3A_254] : memref<100000x512xf32, #tpu.memory_space<hbm>> -> memref<100000x512xf32, #tpu.memory_space<hbm>>
    tpu.enqueue_indirect_dma source(%dma_start3A_255 : memref<100000x512xf32, #tpu.memory_space<hbm>>) target(%dma_start3A_250 : memref<16x512xf32, #tpu.memory_space<vmem>>) offsets(%dma_start3A_252 : memref<16xi32, #tpu.memory_space<vmem>>) semaphore(%arg7 : memref<!tpu.dma_semaphore, #tpu.memory_space<semaphore_mem>>)
    %dma_wait3A_256 = arith.constant 5 : i32
    %dma_wait3A_257 = arith.constant 0 : i32
    %dma_wait3A_258 = arith.constant 0 : i32
    %dma_wait3A_259 = tpu.memref_slice %arg6[%dma_wait3A_256, %dma_wait3A_257, %dma_wait3A_258] : memref<8x16x512xf32, #tpu.memory_space<vmem>> -> memref<1x16x512xf32, #tpu.memory_space<vmem>>
    %dma_wait3A_260 = tpu.memref_squeeze %dma_wait3A_259 : memref<1x16x512xf32, #tpu.memory_space<vmem>> -> memref<16x512xf32, #tpu.memory_space<vmem>>
    %dma_wait3A_261 = arith.constant 0 : i32
    %dma_wait3A_262 = arith.constant 0 : i32
    %dma_wait3A_263 = tpu.memref_slice %arg3[%dma_wait3A_261, %dma_wait3A_262] : memref<100000x512xf32, #tpu.memory_space<hbm>> -> memref<16x512xf32, #tpu.memory_space<hbm>>
    %dma_wait3A_264 = arith.constant 0 : i32
    %dma_wait3A_265 = arith.constant 0 : i32
    %dma_wait3A_266 = tpu.memref_slice %arg6[%dma_wait3A_256, %dma_wait3A_264, %dma_wait3A_265] : memref<8x16x512xf32, #tpu.memory_space<vmem>> -> memref<1x16x512xf32, #tpu.memory_space<vmem>>
    %dma_wait3A_267 = tpu.memref_squeeze %dma_wait3A_266 : memref<1x16x512xf32, #tpu.memory_space<vmem>> -> memref<16x512xf32, #tpu.memory_space<vmem>>
    %dma_wait3A_268 = arith.constant 0 : i32
    %dma_wait3A_269 = arith.constant 0 : i32
    %dma_wait3A_270 = tpu.memref_slice %arg3[%dma_wait3A_268, %dma_wait3A_269] : memref<100000x512xf32, #tpu.memory_space<hbm>> -> memref<16x512xf32, #tpu.memory_space<hbm>>
    tpu.wait_dma2 semaphore(%arg12 : memref<!tpu.dma_semaphore, #tpu.memory_space<semaphore_mem>>) src(%dma_wait3A_270 : memref<16x512xf32, #tpu.memory_space<hbm>>) dst(%dma_wait3A_267 : memref<16x512xf32, #tpu.memory_space<vmem>>)
    %add3A_271 = arith.constant 80 : i32
    %add3A_272 = arith.addi %mul3A_2, %add3A_271 : i32
    %dma_start3A_273 = arith.constant 5 : i32
    %dma_start3A_274 = arith.constant 0 : i32
    %dma_start3A_275 = arith.constant 0 : i32
    %dma_start3A_276 = tpu.memref_slice %arg6[%dma_start3A_273, %dma_start3A_274, %dma_start3A_275] : memref<8x16x512xf32, #tpu.memory_space<vmem>> -> memref<1x16x512xf32, #tpu.memory_space<vmem>>
    %dma_start3A_277 = tpu.memref_squeeze %dma_start3A_276 : memref<1x16x512xf32, #tpu.memory_space<vmem>> -> memref<16x512xf32, #tpu.memory_space<vmem>>
    %dma_start3A_278 = arith.constant 0 : i32
    %dma_start3A_279 = tpu.memref_slice %arg4[%add3A_272, %dma_start3A_278] : memref<204800x512xf32, #tpu.memory_space<hbm>> -> memref<16x512xf32, #tpu.memory_space<hbm>>
    %dma_start3A_280 = arith.constant 0 : i32
    %dma_start3A_281 = tpu.memref_slice %arg4[%add3A_272, %dma_start3A_280] : memref<204800x512xf32, #tpu.memory_space<hbm>> -> memref<16x512xf32, #tpu.memory_space<hbm>>
    %dma_start3A_282 = arith.constant 0 : i32
    %dma_start3A_283 = arith.constant 0 : i32
    %dma_start3A_284 = tpu.memref_slice %arg6[%dma_start3A_273, %dma_start3A_282, %dma_start3A_283] : memref<8x16x512xf32, #tpu.memory_space<vmem>> -> memref<1x16x512xf32, #tpu.memory_space<vmem>>
    %dma_start3A_285 = tpu.memref_squeeze %dma_start3A_284 : memref<1x16x512xf32, #tpu.memory_space<vmem>> -> memref<16x512xf32, #tpu.memory_space<vmem>>
    tpu.enqueue_dma source(%dma_start3A_285 : memref<16x512xf32, #tpu.memory_space<vmem>>) target(%dma_start3A_281 : memref<16x512xf32, #tpu.memory_space<hbm>>) target_semaphore(%arg20 : memref<!tpu.dma_semaphore, #tpu.memory_space<semaphore_mem>>)
    %dma_wait3A_286 = arith.constant 1 : i32
    %dma_wait3A_287 = arith.constant 0 : i32
    %dma_wait3A_288 = arith.constant 0 : i32
    %dma_wait3A_289 = tpu.memref_slice %arg6[%dma_wait3A_286, %dma_wait3A_287, %dma_wait3A_288] : memref<8x16x512xf32, #tpu.memory_space<vmem>> -> memref<1x16x512xf32, #tpu.memory_space<vmem>>
    %dma_wait3A_290 = tpu.memref_squeeze %dma_wait3A_289 : memref<1x16x512xf32, #tpu.memory_space<vmem>> -> memref<16x512xf32, #tpu.memory_space<vmem>>
    %dma_wait3A_291 = arith.constant 0 : i32
    %dma_wait3A_292 = arith.constant 0 : i32
    %dma_wait3A_293 = tpu.memref_slice %arg4[%dma_wait3A_291, %dma_wait3A_292] : memref<204800x512xf32, #tpu.memory_space<hbm>> -> memref<16x512xf32, #tpu.memory_space<hbm>>
    %dma_wait3A_294 = arith.constant 0 : i32
    %dma_wait3A_295 = arith.constant 0 : i32
    %dma_wait3A_296 = tpu.memref_slice %arg4[%dma_wait3A_294, %dma_wait3A_295] : memref<204800x512xf32, #tpu.memory_space<hbm>> -> memref<16x512xf32, #tpu.memory_space<hbm>>
    %dma_wait3A_297 = arith.constant 0 : i32
    %dma_wait3A_298 = arith.constant 0 : i32
    %dma_wait3A_299 = tpu.memref_slice %arg6[%dma_wait3A_286, %dma_wait3A_297, %dma_wait3A_298] : memref<8x16x512xf32, #tpu.memory_space<vmem>> -> memref<1x16x512xf32, #tpu.memory_space<vmem>>
    %dma_wait3A_300 = tpu.memref_squeeze %dma_wait3A_299 : memref<1x16x512xf32, #tpu.memory_space<vmem>> -> memref<16x512xf32, #tpu.memory_space<vmem>>
    tpu.wait_dma2 semaphore(%arg16 : memref<!tpu.dma_semaphore, #tpu.memory_space<semaphore_mem>>) src(%dma_wait3A_300 : memref<16x512xf32, #tpu.memory_space<vmem>>) dst(%dma_wait3A_296 : memref<16x512xf32, #tpu.memory_space<hbm>>)
    %dma_start3A_301 = arith.constant 1 : i32
    %dma_start3A_302 = arith.constant 0 : i32
    %dma_start3A_303 = arith.constant 0 : i32
    %dma_start3A_304 = tpu.memref_slice %arg6[%dma_start3A_301, %dma_start3A_302, %dma_start3A_303] : memref<8x16x512xf32, #tpu.memory_space<vmem>> -> memref<1x16x512xf32, #tpu.memory_space<vmem>>
    %dma_start3A_305 = tpu.memref_squeeze %dma_start3A_304 : memref<1x16x512xf32, #tpu.memory_space<vmem>> -> memref<16x512xf32, #tpu.memory_space<vmem>>
    %dma_start3A_306 = arith.constant 144 : i32
    %dma_start3A_307 = tpu.memref_slice %arg5[%dma_start3A_306] : memref<6400xi32, #tpu.memory_space<vmem>> -> memref<16xi32, #tpu.memory_space<vmem>>
    %dma_start3A_308 = arith.constant 0 : i32
    %dma_start3A_309 = arith.constant 0 : i32
    %dma_start3A_310 = tpu.memref_slice %arg3[%dma_start3A_308, %dma_start3A_309] : memref<100000x512xf32, #tpu.memory_space<hbm>> -> memref<100000x512xf32, #tpu.memory_space<hbm>>
    tpu.enqueue_indirect_dma source(%dma_start3A_310 : memref<100000x512xf32, #tpu.memory_space<hbm>>) target(%dma_start3A_305 : memref<16x512xf32, #tpu.memory_space<vmem>>) offsets(%dma_start3A_307 : memref<16xi32, #tpu.memory_space<vmem>>) semaphore(%arg8 : memref<!tpu.dma_semaphore, #tpu.memory_space<semaphore_mem>>)
    %dma_wait3A_311 = arith.constant 6 : i32
    %dma_wait3A_312 = arith.constant 0 : i32
    %dma_wait3A_313 = arith.constant 0 : i32
    %dma_wait3A_314 = tpu.memref_slice %arg6[%dma_wait3A_311, %dma_wait3A_312, %dma_wait3A_313] : memref<8x16x512xf32, #tpu.memory_space<vmem>> -> memref<1x16x512xf32, #tpu.memory_space<vmem>>
    %dma_wait3A_315 = tpu.memref_squeeze %dma_wait3A_314 : memref<1x16x512xf32, #tpu.memory_space<vmem>> -> memref<16x512xf32, #tpu.memory_space<vmem>>
    %dma_wait3A_316 = arith.constant 0 : i32
    %dma_wait3A_317 = arith.constant 0 : i32
    %dma_wait3A_318 = tpu.memref_slice %arg3[%dma_wait3A_316, %dma_wait3A_317] : memref<100000x512xf32, #tpu.memory_space<hbm>> -> memref<16x512xf32, #tpu.memory_space<hbm>>
    %dma_wait3A_319 = arith.constant 0 : i32
    %dma_wait3A_320 = arith.constant 0 : i32
    %dma_wait3A_321 = tpu.memref_slice %arg6[%dma_wait3A_311, %dma_wait3A_319, %dma_wait3A_320] : memref<8x16x512xf32, #tpu.memory_space<vmem>> -> memref<1x16x512xf32, #tpu.memory_space<vmem>>
    %dma_wait3A_322 = tpu.memref_squeeze %dma_wait3A_321 : memref<1x16x512xf32, #tpu.memory_space<vmem>> -> memref<16x512xf32, #tpu.memory_space<vmem>>
    %dma_wait3A_323 = arith.constant 0 : i32
    %dma_wait3A_324 = arith.constant 0 : i32
    %dma_wait3A_325 = tpu.memref_slice %arg3[%dma_wait3A_323, %dma_wait3A_324] : memref<100000x512xf32, #tpu.memory_space<hbm>> -> memref<16x512xf32, #tpu.memory_space<hbm>>
    tpu.wait_dma2 semaphore(%arg13 : memref<!tpu.dma_semaphore, #tpu.memory_space<semaphore_mem>>) src(%dma_wait3A_325 : memref<16x512xf32, #tpu.memory_space<hbm>>) dst(%dma_wait3A_322 : memref<16x512xf32, #tpu.memory_space<vmem>>)
    %add3A_326 = arith.constant 96 : i32
    %add3A_327 = arith.addi %mul3A_2, %add3A_326 : i32
    %dma_start3A_328 = arith.constant 6 : i32
    %dma_start3A_329 = arith.constant 0 : i32
    %dma_start3A_330 = arith.constant 0 : i32
    %dma_start3A_331 = tpu.memref_slice %arg6[%dma_start3A_328, %dma_start3A_329, %dma_start3A_330] : memref<8x16x512xf32, #tpu.memory_space<vmem>> -> memref<1x16x512xf32, #tpu.memory_space<vmem>>
    %dma_start3A_332 = tpu.memref_squeeze %dma_start3A_331 : memref<1x16x512xf32, #tpu.memory_space<vmem>> -> memref<16x512xf32, #tpu.memory_space<vmem>>
    %dma_start3A_333 = arith.constant 0 : i32
    %dma_start3A_334 = tpu.memref_slice %arg4[%add3A_327, %dma_start3A_333] : memref<204800x512xf32, #tpu.memory_space<hbm>> -> memref<16x512xf32, #tpu.memory_space<hbm>>
    %dma_start3A_335 = arith.constant 0 : i32
    %dma_start3A_336 = tpu.memref_slice %arg4[%add3A_327, %dma_start3A_335] : memref<204800x512xf32, #tpu.memory_space<hbm>> -> memref<16x512xf32, #tpu.memory_space<hbm>>
    %dma_start3A_337 = arith.constant 0 : i32
    %dma_start3A_338 = arith.constant 0 : i32
    %dma_start3A_339 = tpu.memref_slice %arg6[%dma_start3A_328, %dma_start3A_337, %dma_start3A_338] : memref<8x16x512xf32, #tpu.memory_space<vmem>> -> memref<1x16x512xf32, #tpu.memory_space<vmem>>
    %dma_start3A_340 = tpu.memref_squeeze %dma_start3A_339 : memref<1x16x512xf32, #tpu.memory_space<vmem>> -> memref<16x512xf32, #tpu.memory_space<vmem>>
    tpu.enqueue_dma source(%dma_start3A_340 : memref<16x512xf32, #tpu.memory_space<vmem>>) target(%dma_start3A_336 : memref<16x512xf32, #tpu.memory_space<hbm>>) target_semaphore(%arg21 : memref<!tpu.dma_semaphore, #tpu.memory_space<semaphore_mem>>)
    %dma_wait3A_341 = arith.constant 2 : i32
    %dma_wait3A_342 = arith.constant 0 : i32
    %dma_wait3A_343 = arith.constant 0 : i32
    %dma_wait3A_344 = tpu.memref_slice %arg6[%dma_wait3A_341, %dma_wait3A_342, %dma_wait3A_343] : memref<8x16x512xf32, #tpu.memory_space<vmem>> -> memref<1x16x512xf32, #tpu.memory_space<vmem>>
    %dma_wait3A_345 = tpu.memref_squeeze %dma_wait3A_344 : memref<1x16x512xf32, #tpu.memory_space<vmem>> -> memref<16x512xf32, #tpu.memory_space<vmem>>
    %dma_wait3A_346 = arith.constant 0 : i32
    %dma_wait3A_347 = arith.constant 0 : i32
    %dma_wait3A_348 = tpu.memref_slice %arg4[%dma_wait3A_346, %dma_wait3A_347] : memref<204800x512xf32, #tpu.memory_space<hbm>> -> memref<16x512xf32, #tpu.memory_space<hbm>>
    %dma_wait3A_349 = arith.constant 0 : i32
    %dma_wait3A_350 = arith.constant 0 : i32
    %dma_wait3A_351 = tpu.memref_slice %arg4[%dma_wait3A_349, %dma_wait3A_350] : memref<204800x512xf32, #tpu.memory_space<hbm>> -> memref<16x512xf32, #tpu.memory_space<hbm>>
    %dma_wait3A_352 = arith.constant 0 : i32
    %dma_wait3A_353 = arith.constant 0 : i32
    %dma_wait3A_354 = tpu.memref_slice %arg6[%dma_wait3A_341, %dma_wait3A_352, %dma_wait3A_353] : memref<8x16x512xf32, #tpu.memory_space<vmem>> -> memref<1x16x512xf32, #tpu.memory_space<vmem>>
    %dma_wait3A_355 = tpu.memref_squeeze %dma_wait3A_354 : memref<1x16x512xf32, #tpu.memory_space<vmem>> -> memref<16x512xf32, #tpu.memory_space<vmem>>
    tpu.wait_dma2 semaphore(%arg17 : memref<!tpu.dma_semaphore, #tpu.memory_space<semaphore_mem>>) src(%dma_wait3A_355 : memref<16x512xf32, #tpu.memory_space<vmem>>) dst(%dma_wait3A_351 : memref<16x512xf32, #tpu.memory_space<hbm>>)
    %dma_start3A_356 = arith.constant 2 : i32
    %dma_start3A_357 = arith.constant 0 : i32
    %dma_start3A_358 = arith.constant 0 : i32
    %dma_start3A_359 = tpu.memref_slice %arg6[%dma_start3A_356, %dma_start3A_357, %dma_start3A_358] : memref<8x16x512xf32, #tpu.memory_space<vmem>> -> memref<1x16x512xf32, #tpu.memory_space<vmem>>
    %dma_start3A_360 = tpu.memref_squeeze %dma_start3A_359 : memref<1x16x512xf32, #tpu.memory_space<vmem>> -> memref<16x512xf32, #tpu.memory_space<vmem>>
    %dma_start3A_361 = arith.constant 160 : i32
    %dma_start3A_362 = tpu.memref_slice %arg5[%dma_start3A_361] : memref<6400xi32, #tpu.memory_space<vmem>> -> memref<16xi32, #tpu.memory_space<vmem>>
    %dma_start3A_363 = arith.constant 0 : i32
    %dma_start3A_364 = arith.constant 0 : i32
    %dma_start3A_365 = tpu.memref_slice %arg3[%dma_start3A_363, %dma_start3A_364] : memref<100000x512xf32, #tpu.memory_space<hbm>> -> memref<100000x512xf32, #tpu.memory_space<hbm>>
    tpu.enqueue_indirect_dma source(%dma_start3A_365 : memref<100000x512xf32, #tpu.memory_space<hbm>>) target(%dma_start3A_360 : memref<16x512xf32, #tpu.memory_space<vmem>>) offsets(%dma_start3A_362 : memref<16xi32, #tpu.memory_space<vmem>>) semaphore(%arg9 : memref<!tpu.dma_semaphore, #tpu.memory_space<semaphore_mem>>)
    %dma_wait3A_366 = arith.constant 7 : i32
    %dma_wait3A_367 = arith.constant 0 : i32
    %dma_wait3A_368 = arith.constant 0 : i32
    %dma_wait3A_369 = tpu.memref_slice %arg6[%dma_wait3A_366, %dma_wait3A_367, %dma_wait3A_368] : memref<8x16x512xf32, #tpu.memory_space<vmem>> -> memref<1x16x512xf32, #tpu.memory_space<vmem>>
    %dma_wait3A_370 = tpu.memref_squeeze %dma_wait3A_369 : memref<1x16x512xf32, #tpu.memory_space<vmem>> -> memref<16x512xf32, #tpu.memory_space<vmem>>
    %dma_wait3A_371 = arith.constant 0 : i32
    %dma_wait3A_372 = arith.constant 0 : i32
    %dma_wait3A_373 = tpu.memref_slice %arg3[%dma_wait3A_371, %dma_wait3A_372] : memref<100000x512xf32, #tpu.memory_space<hbm>> -> memref<16x512xf32, #tpu.memory_space<hbm>>
    %dma_wait3A_374 = arith.constant 0 : i32
    %dma_wait3A_375 = arith.constant 0 : i32
    %dma_wait3A_376 = tpu.memref_slice %arg6[%dma_wait3A_366, %dma_wait3A_374, %dma_wait3A_375] : memref<8x16x512xf32, #tpu.memory_space<vmem>> -> memref<1x16x512xf32, #tpu.memory_space<vmem>>
    %dma_wait3A_377 = tpu.memref_squeeze %dma_wait3A_376 : memref<1x16x512xf32, #tpu.memory_space<vmem>> -> memref<16x512xf32, #tpu.memory_space<vmem>>
    %dma_wait3A_378 = arith.constant 0 : i32
    %dma_wait3A_379 = arith.constant 0 : i32
    %dma_wait3A_380 = tpu.memref_slice %arg3[%dma_wait3A_378, %dma_wait3A_379] : memref<100000x512xf32, #tpu.memory_space<hbm>> -> memref<16x512xf32, #tpu.memory_space<hbm>>
    tpu.wait_dma2 semaphore(%arg14 : memref<!tpu.dma_semaphore, #tpu.memory_space<semaphore_mem>>) src(%dma_wait3A_380 : memref<16x512xf32, #tpu.memory_space<hbm>>) dst(%dma_wait3A_377 : memref<16x512xf32, #tpu.memory_space<vmem>>)
    %add3A_381 = arith.constant 112 : i32
    %add3A_382 = arith.addi %mul3A_2, %add3A_381 : i32
    %dma_start3A_383 = arith.constant 7 : i32
    %dma_start3A_384 = arith.constant 0 : i32
    %dma_start3A_385 = arith.constant 0 : i32
    %dma_start3A_386 = tpu.memref_slice %arg6[%dma_start3A_383, %dma_start3A_384, %dma_start3A_385] : memref<8x16x512xf32, #tpu.memory_space<vmem>> -> memref<1x16x512xf32, #tpu.memory_space<vmem>>
    %dma_start3A_387 = tpu.memref_squeeze %dma_start3A_386 : memref<1x16x512xf32, #tpu.memory_space<vmem>> -> memref<16x512xf32, #tpu.memory_space<vmem>>
    %dma_start3A_388 = arith.constant 0 : i32
    %dma_start3A_389 = tpu.memref_slice %arg4[%add3A_382, %dma_start3A_388] : memref<204800x512xf32, #tpu.memory_space<hbm>> -> memref<16x512xf32, #tpu.memory_space<hbm>>
    %dma_start3A_390 = arith.constant 0 : i32
    %dma_start3A_391 = tpu.memref_slice %arg4[%add3A_382, %dma_start3A_390] : memref<204800x512xf32, #tpu.memory_space<hbm>> -> memref<16x512xf32, #tpu.memory_space<hbm>>
    %dma_start3A_392 = arith.constant 0 : i32
    %dma_start3A_393 = arith.constant 0 : i32
    %dma_start3A_394 = tpu.memref_slice %arg6[%dma_start3A_383, %dma_start3A_392, %dma_start3A_393] : memref<8x16x512xf32, #tpu.memory_space<vmem>> -> memref<1x16x512xf32, #tpu.memory_space<vmem>>
    %dma_start3A_395 = tpu.memref_squeeze %dma_start3A_394 : memref<1x16x512xf32, #tpu.memory_space<vmem>> -> memref<16x512xf32, #tpu.memory_space<vmem>>
    tpu.enqueue_dma source(%dma_start3A_395 : memref<16x512xf32, #tpu.memory_space<vmem>>) target(%dma_start3A_391 : memref<16x512xf32, #tpu.memory_space<hbm>>) target_semaphore(%arg22 : memref<!tpu.dma_semaphore, #tpu.memory_space<semaphore_mem>>)
    %dma_wait3A_396 = arith.constant 3 : i32
    %dma_wait3A_397 = arith.constant 0 : i32
    %dma_wait3A_398 = arith.constant 0 : i32
    %dma_wait3A_399 = tpu.memref_slice %arg6[%dma_wait3A_396, %dma_wait3A_397, %dma_wait3A_398] : memref<8x16x512xf32, #tpu.memory_space<vmem>> -> memref<1x16x512xf32, #tpu.memory_space<vmem>>
    %dma_wait3A_400 = tpu.memref_squeeze %dma_wait3A_399 : memref<1x16x512xf32, #tpu.memory_space<vmem>> -> memref<16x512xf32, #tpu.memory_space<vmem>>
    %dma_wait3A_401 = arith.constant 0 : i32
    %dma_wait3A_402 = arith.constant 0 : i32
    %dma_wait3A_403 = tpu.memref_slice %arg4[%dma_wait3A_401, %dma_wait3A_402] : memref<204800x512xf32, #tpu.memory_space<hbm>> -> memref<16x512xf32, #tpu.memory_space<hbm>>
    %dma_wait3A_404 = arith.constant 0 : i32
    %dma_wait3A_405 = arith.constant 0 : i32
    %dma_wait3A_406 = tpu.memref_slice %arg4[%dma_wait3A_404, %dma_wait3A_405] : memref<204800x512xf32, #tpu.memory_space<hbm>> -> memref<16x512xf32, #tpu.memory_space<hbm>>
    %dma_wait3A_407 = arith.constant 0 : i32
    %dma_wait3A_408 = arith.constant 0 : i32
    %dma_wait3A_409 = tpu.memref_slice %arg6[%dma_wait3A_396, %dma_wait3A_407, %dma_wait3A_408] : memref<8x16x512xf32, #tpu.memory_space<vmem>> -> memref<1x16x512xf32, #tpu.memory_space<vmem>>
    %dma_wait3A_410 = tpu.memref_squeeze %dma_wait3A_409 : memref<1x16x512xf32, #tpu.memory_space<vmem>> -> memref<16x512xf32, #tpu.memory_space<vmem>>
    tpu.wait_dma2 semaphore(%arg18 : memref<!tpu.dma_semaphore, #tpu.memory_space<semaphore_mem>>) src(%dma_wait3A_410 : memref<16x512xf32, #tpu.memory_space<vmem>>) dst(%dma_wait3A_406 : memref<16x512xf32, #tpu.memory_space<hbm>>)
    %dma_start3A_411 = arith.constant 3 : i32
    %dma_start3A_412 = arith.constant 0 : i32
    %dma_start3A_413 = arith.constant 0 : i32
    %dma_start3A_414 = tpu.memref_slice %arg6[%dma_start3A_411, %dma_start3A_412, %dma_start3A_413] : memref<8x16x512xf32, #tpu.memory_space<vmem>> -> memref<1x16x512xf32, #tpu.memory_space<vmem>>
    %dma_start3A_415 = tpu.memref_squeeze %dma_start3A_414 : memref<1x16x512xf32, #tpu.memory_space<vmem>> -> memref<16x512xf32, #tpu.memory_space<vmem>>
    %dma_start3A_416 = arith.constant 176 : i32
    %dma_start3A_417 = tpu.memref_slice %arg5[%dma_start3A_416] : memref<6400xi32, #tpu.memory_space<vmem>> -> memref<16xi32, #tpu.memory_space<vmem>>
    %dma_start3A_418 = arith.constant 0 : i32
    %dma_start3A_419 = arith.constant 0 : i32
    %dma_start3A_420 = tpu.memref_slice %arg3[%dma_start3A_418, %dma_start3A_419] : memref<100000x512xf32, #tpu.memory_space<hbm>> -> memref<100000x512xf32, #tpu.memory_space<hbm>>
    tpu.enqueue_indirect_dma source(%dma_start3A_420 : memref<100000x512xf32, #tpu.memory_space<hbm>>) target(%dma_start3A_415 : memref<16x512xf32, #tpu.memory_space<vmem>>) offsets(%dma_start3A_417 : memref<16xi32, #tpu.memory_space<vmem>>) semaphore(%arg10 : memref<!tpu.dma_semaphore, #tpu.memory_space<semaphore_mem>>)
    %scan3A = arith.constant 0 : i32
    %scan3A_421 = arith.constant 48 : i32
    %scan3A_422 = arith.addi %scan3A, %scan3A_421 : i32
    %scan3A_423 = arith.constant 1 : i32
    scf.for %scan3A_885 = %scan3A to %scan3A_422 step %scan3A_423  : i32 {
      %mul3A_886 = arith.constant 1 : i32
      %mul3A_887 = arith.muli %scan3A_885, %mul3A_886 : i32
      %add3A_888 = arith.constant 1 : i32
      %add3A_889 = arith.addi %add3A_888, %mul3A_887 : i32
      %mul3A_890 = arith.constant 8 : i32
      %mul3A_891 = arith.muli %add3A_889, %mul3A_890 : i32
      %dma_wait3A_892 = arith.constant 0 : i32
      %dma_wait3A_893 = arith.constant 0 : i32
      %dma_wait3A_894 = arith.constant 0 : i32
      %dma_wait3A_895 = tpu.memref_slice %arg6[%dma_wait3A_892, %dma_wait3A_893, %dma_wait3A_894] : memref<8x16x512xf32, #tpu.memory_space<vmem>> -> memref<1x16x512xf32, #tpu.memory_space<vmem>>
      %dma_wait3A_896 = tpu.memref_squeeze %dma_wait3A_895 : memref<1x16x512xf32, #tpu.memory_space<vmem>> -> memref<16x512xf32, #tpu.memory_space<vmem>>
      %dma_wait3A_897 = arith.constant 0 : i32
      %dma_wait3A_898 = arith.constant 0 : i32
      %dma_wait3A_899 = tpu.memref_slice %arg3[%dma_wait3A_897, %dma_wait3A_898] : memref<100000x512xf32, #tpu.memory_space<hbm>> -> memref<16x512xf32, #tpu.memory_space<hbm>>
      %dma_wait3A_900 = arith.constant 0 : i32
      %dma_wait3A_901 = arith.constant 0 : i32
      %dma_wait3A_902 = tpu.memref_slice %arg6[%dma_wait3A_892, %dma_wait3A_900, %dma_wait3A_901] : memref<8x16x512xf32, #tpu.memory_space<vmem>> -> memref<1x16x512xf32, #tpu.memory_space<vmem>>
      %dma_wait3A_903 = tpu.memref_squeeze %dma_wait3A_902 : memref<1x16x512xf32, #tpu.memory_space<vmem>> -> memref<16x512xf32, #tpu.memory_space<vmem>>
      %dma_wait3A_904 = arith.constant 0 : i32
      %dma_wait3A_905 = arith.constant 0 : i32
      %dma_wait3A_906 = tpu.memref_slice %arg3[%dma_wait3A_904, %dma_wait3A_905] : memref<100000x512xf32, #tpu.memory_space<hbm>> -> memref<16x512xf32, #tpu.memory_space<hbm>>
      tpu.wait_dma2 semaphore(%arg7 : memref<!tpu.dma_semaphore, #tpu.memory_space<semaphore_mem>>) src(%dma_wait3A_906 : memref<16x512xf32, #tpu.memory_space<hbm>>) dst(%dma_wait3A_903 : memref<16x512xf32, #tpu.memory_space<vmem>>)
      %add3A_907 = arith.constant 0 : i32
      %add3A_908 = arith.addi %mul3A_891, %add3A_907 : i32
      %mul3A_909 = arith.constant 16 : i32
      %mul3A_910 = arith.muli %add3A_908, %mul3A_909 : i32
      %add3A_911 = arith.addi %mul3A_2, %mul3A_910 : i32
      %dma_start3A_912 = arith.constant 0 : i32
      %dma_start3A_913 = arith.constant 0 : i32
      %dma_start3A_914 = arith.constant 0 : i32
      %dma_start3A_915 = tpu.memref_slice %arg6[%dma_start3A_912, %dma_start3A_913, %dma_start3A_914] : memref<8x16x512xf32, #tpu.memory_space<vmem>> -> memref<1x16x512xf32, #tpu.memory_space<vmem>>
      %dma_start3A_916 = tpu.memref_squeeze %dma_start3A_915 : memref<1x16x512xf32, #tpu.memory_space<vmem>> -> memref<16x512xf32, #tpu.memory_space<vmem>>
      %dma_start3A_917 = arith.constant 0 : i32
      %dma_start3A_918 = tpu.memref_slice %arg4[%add3A_911, %dma_start3A_917] : memref<204800x512xf32, #tpu.memory_space<hbm>> -> memref<16x512xf32, #tpu.memory_space<hbm>>
      %dma_start3A_919 = arith.constant 0 : i32
      %dma_start3A_920 = tpu.memref_slice %arg4[%add3A_911, %dma_start3A_919] : memref<204800x512xf32, #tpu.memory_space<hbm>> -> memref<16x512xf32, #tpu.memory_space<hbm>>
      %dma_start3A_921 = arith.constant 0 : i32
      %dma_start3A_922 = arith.constant 0 : i32
      %dma_start3A_923 = tpu.memref_slice %arg6[%dma_start3A_912, %dma_start3A_921, %dma_start3A_922] : memref<8x16x512xf32, #tpu.memory_space<vmem>> -> memref<1x16x512xf32, #tpu.memory_space<vmem>>
      %dma_start3A_924 = tpu.memref_squeeze %dma_start3A_923 : memref<1x16x512xf32, #tpu.memory_space<vmem>> -> memref<16x512xf32, #tpu.memory_space<vmem>>
      tpu.enqueue_dma source(%dma_start3A_924 : memref<16x512xf32, #tpu.memory_space<vmem>>) target(%dma_start3A_920 : memref<16x512xf32, #tpu.memory_space<hbm>>) target_semaphore(%arg15 : memref<!tpu.dma_semaphore, #tpu.memory_space<semaphore_mem>>)
      %dma_wait3A_925 = arith.constant 4 : i32
      %dma_wait3A_926 = arith.constant 0 : i32
      %dma_wait3A_927 = arith.constant 0 : i32
      %dma_wait3A_928 = tpu.memref_slice %arg6[%dma_wait3A_925, %dma_wait3A_926, %dma_wait3A_927] : memref<8x16x512xf32, #tpu.memory_space<vmem>> -> memref<1x16x512xf32, #tpu.memory_space<vmem>>
      %dma_wait3A_929 = tpu.memref_squeeze %dma_wait3A_928 : memref<1x16x512xf32, #tpu.memory_space<vmem>> -> memref<16x512xf32, #tpu.memory_space<vmem>>
      %dma_wait3A_930 = arith.constant 0 : i32
      %dma_wait3A_931 = arith.constant 0 : i32
      %dma_wait3A_932 = tpu.memref_slice %arg4[%dma_wait3A_930, %dma_wait3A_931] : memref<204800x512xf32, #tpu.memory_space<hbm>> -> memref<16x512xf32, #tpu.memory_space<hbm>>
      %dma_wait3A_933 = arith.constant 0 : i32
      %dma_wait3A_934 = arith.constant 0 : i32
      %dma_wait3A_935 = tpu.memref_slice %arg4[%dma_wait3A_933, %dma_wait3A_934] : memref<204800x512xf32, #tpu.memory_space<hbm>> -> memref<16x512xf32, #tpu.memory_space<hbm>>
      %dma_wait3A_936 = arith.constant 0 : i32
      %dma_wait3A_937 = arith.constant 0 : i32
      %dma_wait3A_938 = tpu.memref_slice %arg6[%dma_wait3A_925, %dma_wait3A_936, %dma_wait3A_937] : memref<8x16x512xf32, #tpu.memory_space<vmem>> -> memref<1x16x512xf32, #tpu.memory_space<vmem>>
      %dma_wait3A_939 = tpu.memref_squeeze %dma_wait3A_938 : memref<1x16x512xf32, #tpu.memory_space<vmem>> -> memref<16x512xf32, #tpu.memory_space<vmem>>
      tpu.wait_dma2 semaphore(%arg19 : memref<!tpu.dma_semaphore, #tpu.memory_space<semaphore_mem>>) src(%dma_wait3A_939 : memref<16x512xf32, #tpu.memory_space<vmem>>) dst(%dma_wait3A_935 : memref<16x512xf32, #tpu.memory_space<hbm>>)
      %add3A_940 = arith.constant 0 : i32
      %add3A_941 = arith.addi %mul3A_891, %add3A_940 : i32
      %add3A_942 = arith.constant 4 : i32
      %add3A_943 = arith.addi %add3A_941, %add3A_942 : i32
      %mul3A_944 = arith.constant 16 : i32
      %mul3A_945 = arith.muli %add3A_943, %mul3A_944 : i32
      %dma_start3A_946 = arith.constant 4 : i32
      %dma_start3A_947 = arith.constant 0 : i32
      %dma_start3A_948 = arith.constant 0 : i32
      %dma_start3A_949 = tpu.memref_slice %arg6[%dma_start3A_946, %dma_start3A_947, %dma_start3A_948] : memref<8x16x512xf32, #tpu.memory_space<vmem>> -> memref<1x16x512xf32, #tpu.memory_space<vmem>>
      %dma_start3A_950 = tpu.memref_squeeze %dma_start3A_949 : memref<1x16x512xf32, #tpu.memory_space<vmem>> -> memref<16x512xf32, #tpu.memory_space<vmem>>
      %dma_start3A_951 = tpu.memref_slice %arg5[%mul3A_945] : memref<6400xi32, #tpu.memory_space<vmem>> -> memref<16xi32, #tpu.memory_space<vmem>>
      %dma_start3A_952 = arith.constant 0 : i32
      %dma_start3A_953 = arith.constant 0 : i32
      %dma_start3A_954 = tpu.memref_slice %arg3[%dma_start3A_952, %dma_start3A_953] : memref<100000x512xf32, #tpu.memory_space<hbm>> -> memref<100000x512xf32, #tpu.memory_space<hbm>>
      tpu.enqueue_indirect_dma source(%dma_start3A_954 : memref<100000x512xf32, #tpu.memory_space<hbm>>) target(%dma_start3A_950 : memref<16x512xf32, #tpu.memory_space<vmem>>) offsets(%dma_start3A_951 : memref<16xi32, #tpu.memory_space<vmem>>) semaphore(%arg11 : memref<!tpu.dma_semaphore, #tpu.memory_space<semaphore_mem>>)
      %dma_wait3A_955 = arith.constant 1 : i32
      %dma_wait3A_956 = arith.constant 0 : i32
      %dma_wait3A_957 = arith.constant 0 : i32
      %dma_wait3A_958 = tpu.memref_slice %arg6[%dma_wait3A_955, %dma_wait3A_956, %dma_wait3A_957] : memref<8x16x512xf32, #tpu.memory_space<vmem>> -> memref<1x16x512xf32, #tpu.memory_space<vmem>>
      %dma_wait3A_959 = tpu.memref_squeeze %dma_wait3A_958 : memref<1x16x512xf32, #tpu.memory_space<vmem>> -> memref<16x512xf32, #tpu.memory_space<vmem>>
      %dma_wait3A_960 = arith.constant 0 : i32
      %dma_wait3A_961 = arith.constant 0 : i32
      %dma_wait3A_962 = tpu.memref_slice %arg3[%dma_wait3A_960, %dma_wait3A_961] : memref<100000x512xf32, #tpu.memory_space<hbm>> -> memref<16x512xf32, #tpu.memory_space<hbm>>
      %dma_wait3A_963 = arith.constant 0 : i32
      %dma_wait3A_964 = arith.constant 0 : i32
      %dma_wait3A_965 = tpu.memref_slice %arg6[%dma_wait3A_955, %dma_wait3A_963, %dma_wait3A_964] : memref<8x16x512xf32, #tpu.memory_space<vmem>> -> memref<1x16x512xf32, #tpu.memory_space<vmem>>
      %dma_wait3A_966 = tpu.memref_squeeze %dma_wait3A_965 : memref<1x16x512xf32, #tpu.memory_space<vmem>> -> memref<16x512xf32, #tpu.memory_space<vmem>>
      %dma_wait3A_967 = arith.constant 0 : i32
      %dma_wait3A_968 = arith.constant 0 : i32
      %dma_wait3A_969 = tpu.memref_slice %arg3[%dma_wait3A_967, %dma_wait3A_968] : memref<100000x512xf32, #tpu.memory_space<hbm>> -> memref<16x512xf32, #tpu.memory_space<hbm>>
      tpu.wait_dma2 semaphore(%arg8 : memref<!tpu.dma_semaphore, #tpu.memory_space<semaphore_mem>>) src(%dma_wait3A_969 : memref<16x512xf32, #tpu.memory_space<hbm>>) dst(%dma_wait3A_966 : memref<16x512xf32, #tpu.memory_space<vmem>>)
      %add3A_970 = arith.constant 1 : i32
      %add3A_971 = arith.addi %mul3A_891, %add3A_970 : i32
      %mul3A_972 = arith.constant 16 : i32
      %mul3A_973 = arith.muli %add3A_971, %mul3A_972 : i32
      %add3A_974 = arith.addi %mul3A_2, %mul3A_973 : i32
      %dma_start3A_975 = arith.constant 1 : i32
      %dma_start3A_976 = arith.constant 0 : i32
      %dma_start3A_977 = arith.constant 0 : i32
      %dma_start3A_978 = tpu.memref_slice %arg6[%dma_start3A_975, %dma_start3A_976, %dma_start3A_977] : memref<8x16x512xf32, #tpu.memory_space<vmem>> -> memref<1x16x512xf32, #tpu.memory_space<vmem>>
      %dma_start3A_979 = tpu.memref_squeeze %dma_start3A_978 : memref<1x16x512xf32, #tpu.memory_space<vmem>> -> memref<16x512xf32, #tpu.memory_space<vmem>>
      %dma_start3A_980 = arith.constant 0 : i32
      %dma_start3A_981 = tpu.memref_slice %arg4[%add3A_974, %dma_start3A_980] : memref<204800x512xf32, #tpu.memory_space<hbm>> -> memref<16x512xf32, #tpu.memory_space<hbm>>
      %dma_start3A_982 = arith.constant 0 : i32
      %dma_start3A_983 = tpu.memref_slice %arg4[%add3A_974, %dma_start3A_982] : memref<204800x512xf32, #tpu.memory_space<hbm>> -> memref<16x512xf32, #tpu.memory_space<hbm>>
      %dma_start3A_984 = arith.constant 0 : i32
      %dma_start3A_985 = arith.constant 0 : i32
      %dma_start3A_986 = tpu.memref_slice %arg6[%dma_start3A_975, %dma_start3A_984, %dma_start3A_985] : memref<8x16x512xf32, #tpu.memory_space<vmem>> -> memref<1x16x512xf32, #tpu.memory_space<vmem>>
      %dma_start3A_987 = tpu.memref_squeeze %dma_start3A_986 : memref<1x16x512xf32, #tpu.memory_space<vmem>> -> memref<16x512xf32, #tpu.memory_space<vmem>>
      tpu.enqueue_dma source(%dma_start3A_987 : memref<16x512xf32, #tpu.memory_space<vmem>>) target(%dma_start3A_983 : memref<16x512xf32, #tpu.memory_space<hbm>>) target_semaphore(%arg16 : memref<!tpu.dma_semaphore, #tpu.memory_space<semaphore_mem>>)
      %dma_wait3A_988 = arith.constant 5 : i32
      %dma_wait3A_989 = arith.constant 0 : i32
      %dma_wait3A_990 = arith.constant 0 : i32
      %dma_wait3A_991 = tpu.memref_slice %arg6[%dma_wait3A_988, %dma_wait3A_989, %dma_wait3A_990] : memref<8x16x512xf32, #tpu.memory_space<vmem>> -> memref<1x16x512xf32, #tpu.memory_space<vmem>>
      %dma_wait3A_992 = tpu.memref_squeeze %dma_wait3A_991 : memref<1x16x512xf32, #tpu.memory_space<vmem>> -> memref<16x512xf32, #tpu.memory_space<vmem>>
      %dma_wait3A_993 = arith.constant 0 : i32
      %dma_wait3A_994 = arith.constant 0 : i32
      %dma_wait3A_995 = tpu.memref_slice %arg4[%dma_wait3A_993, %dma_wait3A_994] : memref<204800x512xf32, #tpu.memory_space<hbm>> -> memref<16x512xf32, #tpu.memory_space<hbm>>
      %dma_wait3A_996 = arith.constant 0 : i32
      %dma_wait3A_997 = arith.constant 0 : i32
      %dma_wait3A_998 = tpu.memref_slice %arg4[%dma_wait3A_996, %dma_wait3A_997] : memref<204800x512xf32, #tpu.memory_space<hbm>> -> memref<16x512xf32, #tpu.memory_space<hbm>>
      %dma_wait3A_999 = arith.constant 0 : i32
      %dma_wait3A_1000 = arith.constant 0 : i32
      %dma_wait3A_1001 = tpu.memref_slice %arg6[%dma_wait3A_988, %dma_wait3A_999, %dma_wait3A_1000] : memref<8x16x512xf32, #tpu.memory_space<vmem>> -> memref<1x16x512xf32, #tpu.memory_space<vmem>>
      %dma_wait3A_1002 = tpu.memref_squeeze %dma_wait3A_1001 : memref<1x16x512xf32, #tpu.memory_space<vmem>> -> memref<16x512xf32, #tpu.memory_space<vmem>>
      tpu.wait_dma2 semaphore(%arg20 : memref<!tpu.dma_semaphore, #tpu.memory_space<semaphore_mem>>) src(%dma_wait3A_1002 : memref<16x512xf32, #tpu.memory_space<vmem>>) dst(%dma_wait3A_998 : memref<16x512xf32, #tpu.memory_space<hbm>>)
      %add3A_1003 = arith.constant 1 : i32
      %add3A_1004 = arith.addi %mul3A_891, %add3A_1003 : i32
      %add3A_1005 = arith.constant 4 : i32
      %add3A_1006 = arith.addi %add3A_1004, %add3A_1005 : i32
      %mul3A_1007 = arith.constant 16 : i32
      %mul3A_1008 = arith.muli %add3A_1006, %mul3A_1007 : i32
      %dma_start3A_1009 = arith.constant 5 : i32
      %dma_start3A_1010 = arith.constant 0 : i32
      %dma_start3A_1011 = arith.constant 0 : i32
      %dma_start3A_1012 = tpu.memref_slice %arg6[%dma_start3A_1009, %dma_start3A_1010, %dma_start3A_1011] : memref<8x16x512xf32, #tpu.memory_space<vmem>> -> memref<1x16x512xf32, #tpu.memory_space<vmem>>
      %dma_start3A_1013 = tpu.memref_squeeze %dma_start3A_1012 : memref<1x16x512xf32, #tpu.memory_space<vmem>> -> memref<16x512xf32, #tpu.memory_space<vmem>>
      %dma_start3A_1014 = tpu.memref_slice %arg5[%mul3A_1008] : memref<6400xi32, #tpu.memory_space<vmem>> -> memref<16xi32, #tpu.memory_space<vmem>>
      %dma_start3A_1015 = arith.constant 0 : i32
      %dma_start3A_1016 = arith.constant 0 : i32
      %dma_start3A_1017 = tpu.memref_slice %arg3[%dma_start3A_1015, %dma_start3A_1016] : memref<100000x512xf32, #tpu.memory_space<hbm>> -> memref<100000x512xf32, #tpu.memory_space<hbm>>
      tpu.enqueue_indirect_dma source(%dma_start3A_1017 : memref<100000x512xf32, #tpu.memory_space<hbm>>) target(%dma_start3A_1013 : memref<16x512xf32, #tpu.memory_space<vmem>>) offsets(%dma_start3A_1014 : memref<16xi32, #tpu.memory_space<vmem>>) semaphore(%arg12 : memref<!tpu.dma_semaphore, #tpu.memory_space<semaphore_mem>>)
      %dma_wait3A_1018 = arith.constant 2 : i32
      %dma_wait3A_1019 = arith.constant 0 : i32
      %dma_wait3A_1020 = arith.constant 0 : i32
      %dma_wait3A_1021 = tpu.memref_slice %arg6[%dma_wait3A_1018, %dma_wait3A_1019, %dma_wait3A_1020] : memref<8x16x512xf32, #tpu.memory_space<vmem>> -> memref<1x16x512xf32, #tpu.memory_space<vmem>>
      %dma_wait3A_1022 = tpu.memref_squeeze %dma_wait3A_1021 : memref<1x16x512xf32, #tpu.memory_space<vmem>> -> memref<16x512xf32, #tpu.memory_space<vmem>>
      %dma_wait3A_1023 = arith.constant 0 : i32
      %dma_wait3A_1024 = arith.constant 0 : i32
      %dma_wait3A_1025 = tpu.memref_slice %arg3[%dma_wait3A_1023, %dma_wait3A_1024] : memref<100000x512xf32, #tpu.memory_space<hbm>> -> memref<16x512xf32, #tpu.memory_space<hbm>>
      %dma_wait3A_1026 = arith.constant 0 : i32
      %dma_wait3A_1027 = arith.constant 0 : i32
      %dma_wait3A_1028 = tpu.memref_slice %arg6[%dma_wait3A_1018, %dma_wait3A_1026, %dma_wait3A_1027] : memref<8x16x512xf32, #tpu.memory_space<vmem>> -> memref<1x16x512xf32, #tpu.memory_space<vmem>>
      %dma_wait3A_1029 = tpu.memref_squeeze %dma_wait3A_1028 : memref<1x16x512xf32, #tpu.memory_space<vmem>> -> memref<16x512xf32, #tpu.memory_space<vmem>>
      %dma_wait3A_1030 = arith.constant 0 : i32
      %dma_wait3A_1031 = arith.constant 0 : i32
      %dma_wait3A_1032 = tpu.memref_slice %arg3[%dma_wait3A_1030, %dma_wait3A_1031] : memref<100000x512xf32, #tpu.memory_space<hbm>> -> memref<16x512xf32, #tpu.memory_space<hbm>>
      tpu.wait_dma2 semaphore(%arg9 : memref<!tpu.dma_semaphore, #tpu.memory_space<semaphore_mem>>) src(%dma_wait3A_1032 : memref<16x512xf32, #tpu.memory_space<hbm>>) dst(%dma_wait3A_1029 : memref<16x512xf32, #tpu.memory_space<vmem>>)
      %add3A_1033 = arith.constant 2 : i32
      %add3A_1034 = arith.addi %mul3A_891, %add3A_1033 : i32
      %mul3A_1035 = arith.constant 16 : i32
      %mul3A_1036 = arith.muli %add3A_1034, %mul3A_1035 : i32
      %add3A_1037 = arith.addi %mul3A_2, %mul3A_1036 : i32
      %dma_start3A_1038 = arith.constant 2 : i32
      %dma_start3A_1039 = arith.constant 0 : i32
      %dma_start3A_1040 = arith.constant 0 : i32
      %dma_start3A_1041 = tpu.memref_slice %arg6[%dma_start3A_1038, %dma_start3A_1039, %dma_start3A_1040] : memref<8x16x512xf32, #tpu.memory_space<vmem>> -> memref<1x16x512xf32, #tpu.memory_space<vmem>>
      %dma_start3A_1042 = tpu.memref_squeeze %dma_start3A_1041 : memref<1x16x512xf32, #tpu.memory_space<vmem>> -> memref<16x512xf32, #tpu.memory_space<vmem>>
      %dma_start3A_1043 = arith.constant 0 : i32
      %dma_start3A_1044 = tpu.memref_slice %arg4[%add3A_1037, %dma_start3A_1043] : memref<204800x512xf32, #tpu.memory_space<hbm>> -> memref<16x512xf32, #tpu.memory_space<hbm>>
      %dma_start3A_1045 = arith.constant 0 : i32
      %dma_start3A_1046 = tpu.memref_slice %arg4[%add3A_1037, %dma_start3A_1045] : memref<204800x512xf32, #tpu.memory_space<hbm>> -> memref<16x512xf32, #tpu.memory_space<hbm>>
      %dma_start3A_1047 = arith.constant 0 : i32
      %dma_start3A_1048 = arith.constant 0 : i32
      %dma_start3A_1049 = tpu.memref_slice %arg6[%dma_start3A_1038, %dma_start3A_1047, %dma_start3A_1048] : memref<8x16x512xf32, #tpu.memory_space<vmem>> -> memref<1x16x512xf32, #tpu.memory_space<vmem>>
      %dma_start3A_1050 = tpu.memref_squeeze %dma_start3A_1049 : memref<1x16x512xf32, #tpu.memory_space<vmem>> -> memref<16x512xf32, #tpu.memory_space<vmem>>
      tpu.enqueue_dma source(%dma_start3A_1050 : memref<16x512xf32, #tpu.memory_space<vmem>>) target(%dma_start3A_1046 : memref<16x512xf32, #tpu.memory_space<hbm>>) target_semaphore(%arg17 : memref<!tpu.dma_semaphore, #tpu.memory_space<semaphore_mem>>)
      %dma_wait3A_1051 = arith.constant 6 : i32
      %dma_wait3A_1052 = arith.constant 0 : i32
      %dma_wait3A_1053 = arith.constant 0 : i32
      %dma_wait3A_1054 = tpu.memref_slice %arg6[%dma_wait3A_1051, %dma_wait3A_1052, %dma_wait3A_1053] : memref<8x16x512xf32, #tpu.memory_space<vmem>> -> memref<1x16x512xf32, #tpu.memory_space<vmem>>
      %dma_wait3A_1055 = tpu.memref_squeeze %dma_wait3A_1054 : memref<1x16x512xf32, #tpu.memory_space<vmem>> -> memref<16x512xf32, #tpu.memory_space<vmem>>
      %dma_wait3A_1056 = arith.constant 0 : i32
      %dma_wait3A_1057 = arith.constant 0 : i32
      %dma_wait3A_1058 = tpu.memref_slice %arg4[%dma_wait3A_1056, %dma_wait3A_1057] : memref<204800x512xf32, #tpu.memory_space<hbm>> -> memref<16x512xf32, #tpu.memory_space<hbm>>
      %dma_wait3A_1059 = arith.constant 0 : i32
      %dma_wait3A_1060 = arith.constant 0 : i32
      %dma_wait3A_1061 = tpu.memref_slice %arg4[%dma_wait3A_1059, %dma_wait3A_1060] : memref<204800x512xf32, #tpu.memory_space<hbm>> -> memref<16x512xf32, #tpu.memory_space<hbm>>
      %dma_wait3A_1062 = arith.constant 0 : i32
      %dma_wait3A_1063 = arith.constant 0 : i32
      %dma_wait3A_1064 = tpu.memref_slice %arg6[%dma_wait3A_1051, %dma_wait3A_1062, %dma_wait3A_1063] : memref<8x16x512xf32, #tpu.memory_space<vmem>> -> memref<1x16x512xf32, #tpu.memory_space<vmem>>
      %dma_wait3A_1065 = tpu.memref_squeeze %dma_wait3A_1064 : memref<1x16x512xf32, #tpu.memory_space<vmem>> -> memref<16x512xf32, #tpu.memory_space<vmem>>
      tpu.wait_dma2 semaphore(%arg21 : memref<!tpu.dma_semaphore, #tpu.memory_space<semaphore_mem>>) src(%dma_wait3A_1065 : memref<16x512xf32, #tpu.memory_space<vmem>>) dst(%dma_wait3A_1061 : memref<16x512xf32, #tpu.memory_space<hbm>>)
      %add3A_1066 = arith.constant 2 : i32
      %add3A_1067 = arith.addi %mul3A_891, %add3A_1066 : i32
      %add3A_1068 = arith.constant 4 : i32
      %add3A_1069 = arith.addi %add3A_1067, %add3A_1068 : i32
      %mul3A_1070 = arith.constant 16 : i32
      %mul3A_1071 = arith.muli %add3A_1069, %mul3A_1070 : i32
      %dma_start3A_1072 = arith.constant 6 : i32
      %dma_start3A_1073 = arith.constant 0 : i32
      %dma_start3A_1074 = arith.constant 0 : i32
      %dma_start3A_1075 = tpu.memref_slice %arg6[%dma_start3A_1072, %dma_start3A_1073, %dma_start3A_1074] : memref<8x16x512xf32, #tpu.memory_space<vmem>> -> memref<1x16x512xf32, #tpu.memory_space<vmem>>
      %dma_start3A_1076 = tpu.memref_squeeze %dma_start3A_1075 : memref<1x16x512xf32, #tpu.memory_space<vmem>> -> memref<16x512xf32, #tpu.memory_space<vmem>>
      %dma_start3A_1077 = tpu.memref_slice %arg5[%mul3A_1071] : memref<6400xi32, #tpu.memory_space<vmem>> -> memref<16xi32, #tpu.memory_space<vmem>>
      %dma_start3A_1078 = arith.constant 0 : i32
      %dma_start3A_1079 = arith.constant 0 : i32
      %dma_start3A_1080 = tpu.memref_slice %arg3[%dma_start3A_1078, %dma_start3A_1079] : memref<100000x512xf32, #tpu.memory_space<hbm>> -> memref<100000x512xf32, #tpu.memory_space<hbm>>
      tpu.enqueue_indirect_dma source(%dma_start3A_1080 : memref<100000x512xf32, #tpu.memory_space<hbm>>) target(%dma_start3A_1076 : memref<16x512xf32, #tpu.memory_space<vmem>>) offsets(%dma_start3A_1077 : memref<16xi32, #tpu.memory_space<vmem>>) semaphore(%arg13 : memref<!tpu.dma_semaphore, #tpu.memory_space<semaphore_mem>>)
      %dma_wait3A_1081 = arith.constant 3 : i32
      %dma_wait3A_1082 = arith.constant 0 : i32
      %dma_wait3A_1083 = arith.constant 0 : i32
      %dma_wait3A_1084 = tpu.memref_slice %arg6[%dma_wait3A_1081, %dma_wait3A_1082, %dma_wait3A_1083] : memref<8x16x512xf32, #tpu.memory_space<vmem>> -> memref<1x16x512xf32, #tpu.memory_space<vmem>>
      %dma_wait3A_1085 = tpu.memref_squeeze %dma_wait3A_1084 : memref<1x16x512xf32, #tpu.memory_space<vmem>> -> memref<16x512xf32, #tpu.memory_space<vmem>>
      %dma_wait3A_1086 = arith.constant 0 : i32
      %dma_wait3A_1087 = arith.constant 0 : i32
      %dma_wait3A_1088 = tpu.memref_slice %arg3[%dma_wait3A_1086, %dma_wait3A_1087] : memref<100000x512xf32, #tpu.memory_space<hbm>> -> memref<16x512xf32, #tpu.memory_space<hbm>>
      %dma_wait3A_1089 = arith.constant 0 : i32
      %dma_wait3A_1090 = arith.constant 0 : i32
      %dma_wait3A_1091 = tpu.memref_slice %arg6[%dma_wait3A_1081, %dma_wait3A_1089, %dma_wait3A_1090] : memref<8x16x512xf32, #tpu.memory_space<vmem>> -> memref<1x16x512xf32, #tpu.memory_space<vmem>>
      %dma_wait3A_1092 = tpu.memref_squeeze %dma_wait3A_1091 : memref<1x16x512xf32, #tpu.memory_space<vmem>> -> memref<16x512xf32, #tpu.memory_space<vmem>>
      %dma_wait3A_1093 = arith.constant 0 : i32
      %dma_wait3A_1094 = arith.constant 0 : i32
      %dma_wait3A_1095 = tpu.memref_slice %arg3[%dma_wait3A_1093, %dma_wait3A_1094] : memref<100000x512xf32, #tpu.memory_space<hbm>> -> memref<16x512xf32, #tpu.memory_space<hbm>>
      tpu.wait_dma2 semaphore(%arg10 : memref<!tpu.dma_semaphore, #tpu.memory_space<semaphore_mem>>) src(%dma_wait3A_1095 : memref<16x512xf32, #tpu.memory_space<hbm>>) dst(%dma_wait3A_1092 : memref<16x512xf32, #tpu.memory_space<vmem>>)
      %add3A_1096 = arith.constant 3 : i32
      %add3A_1097 = arith.addi %mul3A_891, %add3A_1096 : i32
      %mul3A_1098 = arith.constant 16 : i32
      %mul3A_1099 = arith.muli %add3A_1097, %mul3A_1098 : i32
      %add3A_1100 = arith.addi %mul3A_2, %mul3A_1099 : i32
      %dma_start3A_1101 = arith.constant 3 : i32
      %dma_start3A_1102 = arith.constant 0 : i32
      %dma_start3A_1103 = arith.constant 0 : i32
      %dma_start3A_1104 = tpu.memref_slice %arg6[%dma_start3A_1101, %dma_start3A_1102, %dma_start3A_1103] : memref<8x16x512xf32, #tpu.memory_space<vmem>> -> memref<1x16x512xf32, #tpu.memory_space<vmem>>
      %dma_start3A_1105 = tpu.memref_squeeze %dma_start3A_1104 : memref<1x16x512xf32, #tpu.memory_space<vmem>> -> memref<16x512xf32, #tpu.memory_space<vmem>>
      %dma_start3A_1106 = arith.constant 0 : i32
      %dma_start3A_1107 = tpu.memref_slice %arg4[%add3A_1100, %dma_start3A_1106] : memref<204800x512xf32, #tpu.memory_space<hbm>> -> memref<16x512xf32, #tpu.memory_space<hbm>>
      %dma_start3A_1108 = arith.constant 0 : i32
      %dma_start3A_1109 = tpu.memref_slice %arg4[%add3A_1100, %dma_start3A_1108] : memref<204800x512xf32, #tpu.memory_space<hbm>> -> memref<16x512xf32, #tpu.memory_space<hbm>>
      %dma_start3A_1110 = arith.constant 0 : i32
      %dma_start3A_1111 = arith.constant 0 : i32
      %dma_start3A_1112 = tpu.memref_slice %arg6[%dma_start3A_1101, %dma_start3A_1110, %dma_start3A_1111] : memref<8x16x512xf32, #tpu.memory_space<vmem>> -> memref<1x16x512xf32, #tpu.memory_space<vmem>>
      %dma_start3A_1113 = tpu.memref_squeeze %dma_start3A_1112 : memref<1x16x512xf32, #tpu.memory_space<vmem>> -> memref<16x512xf32, #tpu.memory_space<vmem>>
      tpu.enqueue_dma source(%dma_start3A_1113 : memref<16x512xf32, #tpu.memory_space<vmem>>) target(%dma_start3A_1109 : memref<16x512xf32, #tpu.memory_space<hbm>>) target_semaphore(%arg18 : memref<!tpu.dma_semaphore, #tpu.memory_space<semaphore_mem>>)
      %dma_wait3A_1114 = arith.constant 7 : i32
      %dma_wait3A_1115 = arith.constant 0 : i32
      %dma_wait3A_1116 = arith.constant 0 : i32
      %dma_wait3A_1117 = tpu.memref_slice %arg6[%dma_wait3A_1114, %dma_wait3A_1115, %dma_wait3A_1116] : memref<8x16x512xf32, #tpu.memory_space<vmem>> -> memref<1x16x512xf32, #tpu.memory_space<vmem>>
      %dma_wait3A_1118 = tpu.memref_squeeze %dma_wait3A_1117 : memref<1x16x512xf32, #tpu.memory_space<vmem>> -> memref<16x512xf32, #tpu.memory_space<vmem>>
      %dma_wait3A_1119 = arith.constant 0 : i32
      %dma_wait3A_1120 = arith.constant 0 : i32
      %dma_wait3A_1121 = tpu.memref_slice %arg4[%dma_wait3A_1119, %dma_wait3A_1120] : memref<204800x512xf32, #tpu.memory_space<hbm>> -> memref<16x512xf32, #tpu.memory_space<hbm>>
      %dma_wait3A_1122 = arith.constant 0 : i32
      %dma_wait3A_1123 = arith.constant 0 : i32
      %dma_wait3A_1124 = tpu.memref_slice %arg4[%dma_wait3A_1122, %dma_wait3A_1123] : memref<204800x512xf32, #tpu.memory_space<hbm>> -> memref<16x512xf32, #tpu.memory_space<hbm>>
      %dma_wait3A_1125 = arith.constant 0 : i32
      %dma_wait3A_1126 = arith.constant 0 : i32
      %dma_wait3A_1127 = tpu.memref_slice %arg6[%dma_wait3A_1114, %dma_wait3A_1125, %dma_wait3A_1126] : memref<8x16x512xf32, #tpu.memory_space<vmem>> -> memref<1x16x512xf32, #tpu.memory_space<vmem>>
      %dma_wait3A_1128 = tpu.memref_squeeze %dma_wait3A_1127 : memref<1x16x512xf32, #tpu.memory_space<vmem>> -> memref<16x512xf32, #tpu.memory_space<vmem>>
      tpu.wait_dma2 semaphore(%arg22 : memref<!tpu.dma_semaphore, #tpu.memory_space<semaphore_mem>>) src(%dma_wait3A_1128 : memref<16x512xf32, #tpu.memory_space<vmem>>) dst(%dma_wait3A_1124 : memref<16x512xf32, #tpu.memory_space<hbm>>)
      %add3A_1129 = arith.constant 3 : i32
      %add3A_1130 = arith.addi %mul3A_891, %add3A_1129 : i32
      %add3A_1131 = arith.constant 4 : i32
      %add3A_1132 = arith.addi %add3A_1130, %add3A_1131 : i32
      %mul3A_1133 = arith.constant 16 : i32
      %mul3A_1134 = arith.muli %add3A_1132, %mul3A_1133 : i32
      %dma_start3A_1135 = arith.constant 7 : i32
      %dma_start3A_1136 = arith.constant 0 : i32
      %dma_start3A_1137 = arith.constant 0 : i32
      %dma_start3A_1138 = tpu.memref_slice %arg6[%dma_start3A_1135, %dma_start3A_1136, %dma_start3A_1137] : memref<8x16x512xf32, #tpu.memory_space<vmem>> -> memref<1x16x512xf32, #tpu.memory_space<vmem>>
      %dma_start3A_1139 = tpu.memref_squeeze %dma_start3A_1138 : memref<1x16x512xf32, #tpu.memory_space<vmem>> -> memref<16x512xf32, #tpu.memory_space<vmem>>
      %dma_start3A_1140 = tpu.memref_slice %arg5[%mul3A_1134] : memref<6400xi32, #tpu.memory_space<vmem>> -> memref<16xi32, #tpu.memory_space<vmem>>
      %dma_start3A_1141 = arith.constant 0 : i32
      %dma_start3A_1142 = arith.constant 0 : i32
      %dma_start3A_1143 = tpu.memref_slice %arg3[%dma_start3A_1141, %dma_start3A_1142] : memref<100000x512xf32, #tpu.memory_space<hbm>> -> memref<100000x512xf32, #tpu.memory_space<hbm>>
      tpu.enqueue_indirect_dma source(%dma_start3A_1143 : memref<100000x512xf32, #tpu.memory_space<hbm>>) target(%dma_start3A_1139 : memref<16x512xf32, #tpu.memory_space<vmem>>) offsets(%dma_start3A_1140 : memref<16xi32, #tpu.memory_space<vmem>>) semaphore(%arg14 : memref<!tpu.dma_semaphore, #tpu.memory_space<semaphore_mem>>)
      %dma_wait3A_1144 = arith.constant 4 : i32
      %dma_wait3A_1145 = arith.constant 0 : i32
      %dma_wait3A_1146 = arith.constant 0 : i32
      %dma_wait3A_1147 = tpu.memref_slice %arg6[%dma_wait3A_1144, %dma_wait3A_1145, %dma_wait3A_1146] : memref<8x16x512xf32, #tpu.memory_space<vmem>> -> memref<1x16x512xf32, #tpu.memory_space<vmem>>
      %dma_wait3A_1148 = tpu.memref_squeeze %dma_wait3A_1147 : memref<1x16x512xf32, #tpu.memory_space<vmem>> -> memref<16x512xf32, #tpu.memory_space<vmem>>
      %dma_wait3A_1149 = arith.constant 0 : i32
      %dma_wait3A_1150 = arith.constant 0 : i32
      %dma_wait3A_1151 = tpu.memref_slice %arg3[%dma_wait3A_1149, %dma_wait3A_1150] : memref<100000x512xf32, #tpu.memory_space<hbm>> -> memref<16x512xf32, #tpu.memory_space<hbm>>
      %dma_wait3A_1152 = arith.constant 0 : i32
      %dma_wait3A_1153 = arith.constant 0 : i32
      %dma_wait3A_1154 = tpu.memref_slice %arg6[%dma_wait3A_1144, %dma_wait3A_1152, %dma_wait3A_1153] : memref<8x16x512xf32, #tpu.memory_space<vmem>> -> memref<1x16x512xf32, #tpu.memory_space<vmem>>
      %dma_wait3A_1155 = tpu.memref_squeeze %dma_wait3A_1154 : memref<1x16x512xf32, #tpu.memory_space<vmem>> -> memref<16x512xf32, #tpu.memory_space<vmem>>
      %dma_wait3A_1156 = arith.constant 0 : i32
      %dma_wait3A_1157 = arith.constant 0 : i32
      %dma_wait3A_1158 = tpu.memref_slice %arg3[%dma_wait3A_1156, %dma_wait3A_1157] : memref<100000x512xf32, #tpu.memory_space<hbm>> -> memref<16x512xf32, #tpu.memory_space<hbm>>
      tpu.wait_dma2 semaphore(%arg11 : memref<!tpu.dma_semaphore, #tpu.memory_space<semaphore_mem>>) src(%dma_wait3A_1158 : memref<16x512xf32, #tpu.memory_space<hbm>>) dst(%dma_wait3A_1155 : memref<16x512xf32, #tpu.memory_space<vmem>>)
      %add3A_1159 = arith.constant 4 : i32
      %add3A_1160 = arith.addi %mul3A_891, %add3A_1159 : i32
      %mul3A_1161 = arith.constant 16 : i32
      %mul3A_1162 = arith.muli %add3A_1160, %mul3A_1161 : i32
      %add3A_1163 = arith.addi %mul3A_2, %mul3A_1162 : i32
      %dma_start3A_1164 = arith.constant 4 : i32
      %dma_start3A_1165 = arith.constant 0 : i32
      %dma_start3A_1166 = arith.constant 0 : i32
      %dma_start3A_1167 = tpu.memref_slice %arg6[%dma_start3A_1164, %dma_start3A_1165, %dma_start3A_1166] : memref<8x16x512xf32, #tpu.memory_space<vmem>> -> memref<1x16x512xf32, #tpu.memory_space<vmem>>
      %dma_start3A_1168 = tpu.memref_squeeze %dma_start3A_1167 : memref<1x16x512xf32, #tpu.memory_space<vmem>> -> memref<16x512xf32, #tpu.memory_space<vmem>>
      %dma_start3A_1169 = arith.constant 0 : i32
      %dma_start3A_1170 = tpu.memref_slice %arg4[%add3A_1163, %dma_start3A_1169] : memref<204800x512xf32, #tpu.memory_space<hbm>> -> memref<16x512xf32, #tpu.memory_space<hbm>>
      %dma_start3A_1171 = arith.constant 0 : i32
      %dma_start3A_1172 = tpu.memref_slice %arg4[%add3A_1163, %dma_start3A_1171] : memref<204800x512xf32, #tpu.memory_space<hbm>> -> memref<16x512xf32, #tpu.memory_space<hbm>>
      %dma_start3A_1173 = arith.constant 0 : i32
      %dma_start3A_1174 = arith.constant 0 : i32
      %dma_start3A_1175 = tpu.memref_slice %arg6[%dma_start3A_1164, %dma_start3A_1173, %dma_start3A_1174] : memref<8x16x512xf32, #tpu.memory_space<vmem>> -> memref<1x16x512xf32, #tpu.memory_space<vmem>>
      %dma_start3A_1176 = tpu.memref_squeeze %dma_start3A_1175 : memref<1x16x512xf32, #tpu.memory_space<vmem>> -> memref<16x512xf32, #tpu.memory_space<vmem>>
      tpu.enqueue_dma source(%dma_start3A_1176 : memref<16x512xf32, #tpu.memory_space<vmem>>) target(%dma_start3A_1172 : memref<16x512xf32, #tpu.memory_space<hbm>>) target_semaphore(%arg19 : memref<!tpu.dma_semaphore, #tpu.memory_space<semaphore_mem>>)
      %dma_wait3A_1177 = arith.constant 0 : i32
      %dma_wait3A_1178 = arith.constant 0 : i32
      %dma_wait3A_1179 = arith.constant 0 : i32
      %dma_wait3A_1180 = tpu.memref_slice %arg6[%dma_wait3A_1177, %dma_wait3A_1178, %dma_wait3A_1179] : memref<8x16x512xf32, #tpu.memory_space<vmem>> -> memref<1x16x512xf32, #tpu.memory_space<vmem>>
      %dma_wait3A_1181 = tpu.memref_squeeze %dma_wait3A_1180 : memref<1x16x512xf32, #tpu.memory_space<vmem>> -> memref<16x512xf32, #tpu.memory_space<vmem>>
      %dma_wait3A_1182 = arith.constant 0 : i32
      %dma_wait3A_1183 = arith.constant 0 : i32
      %dma_wait3A_1184 = tpu.memref_slice %arg4[%dma_wait3A_1182, %dma_wait3A_1183] : memref<204800x512xf32, #tpu.memory_space<hbm>> -> memref<16x512xf32, #tpu.memory_space<hbm>>
      %dma_wait3A_1185 = arith.constant 0 : i32
      %dma_wait3A_1186 = arith.constant 0 : i32
      %dma_wait3A_1187 = tpu.memref_slice %arg4[%dma_wait3A_1185, %dma_wait3A_1186] : memref<204800x512xf32, #tpu.memory_space<hbm>> -> memref<16x512xf32, #tpu.memory_space<hbm>>
      %dma_wait3A_1188 = arith.constant 0 : i32
      %dma_wait3A_1189 = arith.constant 0 : i32
      %dma_wait3A_1190 = tpu.memref_slice %arg6[%dma_wait3A_1177, %dma_wait3A_1188, %dma_wait3A_1189] : memref<8x16x512xf32, #tpu.memory_space<vmem>> -> memref<1x16x512xf32, #tpu.memory_space<vmem>>
      %dma_wait3A_1191 = tpu.memref_squeeze %dma_wait3A_1190 : memref<1x16x512xf32, #tpu.memory_space<vmem>> -> memref<16x512xf32, #tpu.memory_space<vmem>>
      tpu.wait_dma2 semaphore(%arg15 : memref<!tpu.dma_semaphore, #tpu.memory_space<semaphore_mem>>) src(%dma_wait3A_1191 : memref<16x512xf32, #tpu.memory_space<vmem>>) dst(%dma_wait3A_1187 : memref<16x512xf32, #tpu.memory_space<hbm>>)
      %add3A_1192 = arith.constant 4 : i32
      %add3A_1193 = arith.addi %mul3A_891, %add3A_1192 : i32
      %add3A_1194 = arith.constant 4 : i32
      %add3A_1195 = arith.addi %add3A_1193, %add3A_1194 : i32
      %mul3A_1196 = arith.constant 16 : i32
      %mul3A_1197 = arith.muli %add3A_1195, %mul3A_1196 : i32
      %dma_start3A_1198 = arith.constant 0 : i32
      %dma_start3A_1199 = arith.constant 0 : i32
      %dma_start3A_1200 = arith.constant 0 : i32
      %dma_start3A_1201 = tpu.memref_slice %arg6[%dma_start3A_1198, %dma_start3A_1199, %dma_start3A_1200] : memref<8x16x512xf32, #tpu.memory_space<vmem>> -> memref<1x16x512xf32, #tpu.memory_space<vmem>>
      %dma_start3A_1202 = tpu.memref_squeeze %dma_start3A_1201 : memref<1x16x512xf32, #tpu.memory_space<vmem>> -> memref<16x512xf32, #tpu.memory_space<vmem>>
      %dma_start3A_1203 = tpu.memref_slice %arg5[%mul3A_1197] : memref<6400xi32, #tpu.memory_space<vmem>> -> memref<16xi32, #tpu.memory_space<vmem>>
      %dma_start3A_1204 = arith.constant 0 : i32
      %dma_start3A_1205 = arith.constant 0 : i32
      %dma_start3A_1206 = tpu.memref_slice %arg3[%dma_start3A_1204, %dma_start3A_1205] : memref<100000x512xf32, #tpu.memory_space<hbm>> -> memref<100000x512xf32, #tpu.memory_space<hbm>>
      tpu.enqueue_indirect_dma source(%dma_start3A_1206 : memref<100000x512xf32, #tpu.memory_space<hbm>>) target(%dma_start3A_1202 : memref<16x512xf32, #tpu.memory_space<vmem>>) offsets(%dma_start3A_1203 : memref<16xi32, #tpu.memory_space<vmem>>) semaphore(%arg7 : memref<!tpu.dma_semaphore, #tpu.memory_space<semaphore_mem>>)
      %dma_wait3A_1207 = arith.constant 5 : i32
      %dma_wait3A_1208 = arith.constant 0 : i32
      %dma_wait3A_1209 = arith.constant 0 : i32
      %dma_wait3A_1210 = tpu.memref_slice %arg6[%dma_wait3A_1207, %dma_wait3A_1208, %dma_wait3A_1209] : memref<8x16x512xf32, #tpu.memory_space<vmem>> -> memref<1x16x512xf32, #tpu.memory_space<vmem>>
      %dma_wait3A_1211 = tpu.memref_squeeze %dma_wait3A_1210 : memref<1x16x512xf32, #tpu.memory_space<vmem>> -> memref<16x512xf32, #tpu.memory_space<vmem>>
      %dma_wait3A_1212 = arith.constant 0 : i32
      %dma_wait3A_1213 = arith.constant 0 : i32
      %dma_wait3A_1214 = tpu.memref_slice %arg3[%dma_wait3A_1212, %dma_wait3A_1213] : memref<100000x512xf32, #tpu.memory_space<hbm>> -> memref<16x512xf32, #tpu.memory_space<hbm>>
      %dma_wait3A_1215 = arith.constant 0 : i32
      %dma_wait3A_1216 = arith.constant 0 : i32
      %dma_wait3A_1217 = tpu.memref_slice %arg6[%dma_wait3A_1207, %dma_wait3A_1215, %dma_wait3A_1216] : memref<8x16x512xf32, #tpu.memory_space<vmem>> -> memref<1x16x512xf32, #tpu.memory_space<vmem>>
      %dma_wait3A_1218 = tpu.memref_squeeze %dma_wait3A_1217 : memref<1x16x512xf32, #tpu.memory_space<vmem>> -> memref<16x512xf32, #tpu.memory_space<vmem>>
      %dma_wait3A_1219 = arith.constant 0 : i32
      %dma_wait3A_1220 = arith.constant 0 : i32
      %dma_wait3A_1221 = tpu.memref_slice %arg3[%dma_wait3A_1219, %dma_wait3A_1220] : memref<100000x512xf32, #tpu.memory_space<hbm>> -> memref<16x512xf32, #tpu.memory_space<hbm>>
      tpu.wait_dma2 semaphore(%arg12 : memref<!tpu.dma_semaphore, #tpu.memory_space<semaphore_mem>>) src(%dma_wait3A_1221 : memref<16x512xf32, #tpu.memory_space<hbm>>) dst(%dma_wait3A_1218 : memref<16x512xf32, #tpu.memory_space<vmem>>)
      %add3A_1222 = arith.constant 5 : i32
      %add3A_1223 = arith.addi %mul3A_891, %add3A_1222 : i32
      %mul3A_1224 = arith.constant 16 : i32
      %mul3A_1225 = arith.muli %add3A_1223, %mul3A_1224 : i32
      %add3A_1226 = arith.addi %mul3A_2, %mul3A_1225 : i32
      %dma_start3A_1227 = arith.constant 5 : i32
      %dma_start3A_1228 = arith.constant 0 : i32
      %dma_start3A_1229 = arith.constant 0 : i32
      %dma_start3A_1230 = tpu.memref_slice %arg6[%dma_start3A_1227, %dma_start3A_1228, %dma_start3A_1229] : memref<8x16x512xf32, #tpu.memory_space<vmem>> -> memref<1x16x512xf32, #tpu.memory_space<vmem>>
      %dma_start3A_1231 = tpu.memref_squeeze %dma_start3A_1230 : memref<1x16x512xf32, #tpu.memory_space<vmem>> -> memref<16x512xf32, #tpu.memory_space<vmem>>
      %dma_start3A_1232 = arith.constant 0 : i32
      %dma_start3A_1233 = tpu.memref_slice %arg4[%add3A_1226, %dma_start3A_1232] : memref<204800x512xf32, #tpu.memory_space<hbm>> -> memref<16x512xf32, #tpu.memory_space<hbm>>
      %dma_start3A_1234 = arith.constant 0 : i32
      %dma_start3A_1235 = tpu.memref_slice %arg4[%add3A_1226, %dma_start3A_1234] : memref<204800x512xf32, #tpu.memory_space<hbm>> -> memref<16x512xf32, #tpu.memory_space<hbm>>
      %dma_start3A_1236 = arith.constant 0 : i32
      %dma_start3A_1237 = arith.constant 0 : i32
      %dma_start3A_1238 = tpu.memref_slice %arg6[%dma_start3A_1227, %dma_start3A_1236, %dma_start3A_1237] : memref<8x16x512xf32, #tpu.memory_space<vmem>> -> memref<1x16x512xf32, #tpu.memory_space<vmem>>
      %dma_start3A_1239 = tpu.memref_squeeze %dma_start3A_1238 : memref<1x16x512xf32, #tpu.memory_space<vmem>> -> memref<16x512xf32, #tpu.memory_space<vmem>>
      tpu.enqueue_dma source(%dma_start3A_1239 : memref<16x512xf32, #tpu.memory_space<vmem>>) target(%dma_start3A_1235 : memref<16x512xf32, #tpu.memory_space<hbm>>) target_semaphore(%arg20 : memref<!tpu.dma_semaphore, #tpu.memory_space<semaphore_mem>>)
      %dma_wait3A_1240 = arith.constant 1 : i32
      %dma_wait3A_1241 = arith.constant 0 : i32
      %dma_wait3A_1242 = arith.constant 0 : i32
      %dma_wait3A_1243 = tpu.memref_slice %arg6[%dma_wait3A_1240, %dma_wait3A_1241, %dma_wait3A_1242] : memref<8x16x512xf32, #tpu.memory_space<vmem>> -> memref<1x16x512xf32, #tpu.memory_space<vmem>>
      %dma_wait3A_1244 = tpu.memref_squeeze %dma_wait3A_1243 : memref<1x16x512xf32, #tpu.memory_space<vmem>> -> memref<16x512xf32, #tpu.memory_space<vmem>>
      %dma_wait3A_1245 = arith.constant 0 : i32
      %dma_wait3A_1246 = arith.constant 0 : i32
      %dma_wait3A_1247 = tpu.memref_slice %arg4[%dma_wait3A_1245, %dma_wait3A_1246] : memref<204800x512xf32, #tpu.memory_space<hbm>> -> memref<16x512xf32, #tpu.memory_space<hbm>>
      %dma_wait3A_1248 = arith.constant 0 : i32
      %dma_wait3A_1249 = arith.constant 0 : i32
      %dma_wait3A_1250 = tpu.memref_slice %arg4[%dma_wait3A_1248, %dma_wait3A_1249] : memref<204800x512xf32, #tpu.memory_space<hbm>> -> memref<16x512xf32, #tpu.memory_space<hbm>>
      %dma_wait3A_1251 = arith.constant 0 : i32
      %dma_wait3A_1252 = arith.constant 0 : i32
      %dma_wait3A_1253 = tpu.memref_slice %arg6[%dma_wait3A_1240, %dma_wait3A_1251, %dma_wait3A_1252] : memref<8x16x512xf32, #tpu.memory_space<vmem>> -> memref<1x16x512xf32, #tpu.memory_space<vmem>>
      %dma_wait3A_1254 = tpu.memref_squeeze %dma_wait3A_1253 : memref<1x16x512xf32, #tpu.memory_space<vmem>> -> memref<16x512xf32, #tpu.memory_space<vmem>>
      tpu.wait_dma2 semaphore(%arg16 : memref<!tpu.dma_semaphore, #tpu.memory_space<semaphore_mem>>) src(%dma_wait3A_1254 : memref<16x512xf32, #tpu.memory_space<vmem>>) dst(%dma_wait3A_1250 : memref<16x512xf32, #tpu.memory_space<hbm>>)
      %add3A_1255 = arith.constant 5 : i32
      %add3A_1256 = arith.addi %mul3A_891, %add3A_1255 : i32
      %add3A_1257 = arith.constant 4 : i32
      %add3A_1258 = arith.addi %add3A_1256, %add3A_1257 : i32
      %mul3A_1259 = arith.constant 16 : i32
      %mul3A_1260 = arith.muli %add3A_1258, %mul3A_1259 : i32
      %dma_start3A_1261 = arith.constant 1 : i32
      %dma_start3A_1262 = arith.constant 0 : i32
      %dma_start3A_1263 = arith.constant 0 : i32
      %dma_start3A_1264 = tpu.memref_slice %arg6[%dma_start3A_1261, %dma_start3A_1262, %dma_start3A_1263] : memref<8x16x512xf32, #tpu.memory_space<vmem>> -> memref<1x16x512xf32, #tpu.memory_space<vmem>>
      %dma_start3A_1265 = tpu.memref_squeeze %dma_start3A_1264 : memref<1x16x512xf32, #tpu.memory_space<vmem>> -> memref<16x512xf32, #tpu.memory_space<vmem>>
      %dma_start3A_1266 = tpu.memref_slice %arg5[%mul3A_1260] : memref<6400xi32, #tpu.memory_space<vmem>> -> memref<16xi32, #tpu.memory_space<vmem>>
      %dma_start3A_1267 = arith.constant 0 : i32
      %dma_start3A_1268 = arith.constant 0 : i32
      %dma_start3A_1269 = tpu.memref_slice %arg3[%dma_start3A_1267, %dma_start3A_1268] : memref<100000x512xf32, #tpu.memory_space<hbm>> -> memref<100000x512xf32, #tpu.memory_space<hbm>>
      tpu.enqueue_indirect_dma source(%dma_start3A_1269 : memref<100000x512xf32, #tpu.memory_space<hbm>>) target(%dma_start3A_1265 : memref<16x512xf32, #tpu.memory_space<vmem>>) offsets(%dma_start3A_1266 : memref<16xi32, #tpu.memory_space<vmem>>) semaphore(%arg8 : memref<!tpu.dma_semaphore, #tpu.memory_space<semaphore_mem>>)
      %dma_wait3A_1270 = arith.constant 6 : i32
      %dma_wait3A_1271 = arith.constant 0 : i32
      %dma_wait3A_1272 = arith.constant 0 : i32
      %dma_wait3A_1273 = tpu.memref_slice %arg6[%dma_wait3A_1270, %dma_wait3A_1271, %dma_wait3A_1272] : memref<8x16x512xf32, #tpu.memory_space<vmem>> -> memref<1x16x512xf32, #tpu.memory_space<vmem>>
      %dma_wait3A_1274 = tpu.memref_squeeze %dma_wait3A_1273 : memref<1x16x512xf32, #tpu.memory_space<vmem>> -> memref<16x512xf32, #tpu.memory_space<vmem>>
      %dma_wait3A_1275 = arith.constant 0 : i32
      %dma_wait3A_1276 = arith.constant 0 : i32
      %dma_wait3A_1277 = tpu.memref_slice %arg3[%dma_wait3A_1275, %dma_wait3A_1276] : memref<100000x512xf32, #tpu.memory_space<hbm>> -> memref<16x512xf32, #tpu.memory_space<hbm>>
      %dma_wait3A_1278 = arith.constant 0 : i32
      %dma_wait3A_1279 = arith.constant 0 : i32
      %dma_wait3A_1280 = tpu.memref_slice %arg6[%dma_wait3A_1270, %dma_wait3A_1278, %dma_wait3A_1279] : memref<8x16x512xf32, #tpu.memory_space<vmem>> -> memref<1x16x512xf32, #tpu.memory_space<vmem>>
      %dma_wait3A_1281 = tpu.memref_squeeze %dma_wait3A_1280 : memref<1x16x512xf32, #tpu.memory_space<vmem>> -> memref<16x512xf32, #tpu.memory_space<vmem>>
      %dma_wait3A_1282 = arith.constant 0 : i32
      %dma_wait3A_1283 = arith.constant 0 : i32
      %dma_wait3A_1284 = tpu.memref_slice %arg3[%dma_wait3A_1282, %dma_wait3A_1283] : memref<100000x512xf32, #tpu.memory_space<hbm>> -> memref<16x512xf32, #tpu.memory_space<hbm>>
      tpu.wait_dma2 semaphore(%arg13 : memref<!tpu.dma_semaphore, #tpu.memory_space<semaphore_mem>>) src(%dma_wait3A_1284 : memref<16x512xf32, #tpu.memory_space<hbm>>) dst(%dma_wait3A_1281 : memref<16x512xf32, #tpu.memory_space<vmem>>)
      %add3A_1285 = arith.constant 6 : i32
      %add3A_1286 = arith.addi %mul3A_891, %add3A_1285 : i32
      %mul3A_1287 = arith.constant 16 : i32
      %mul3A_1288 = arith.muli %add3A_1286, %mul3A_1287 : i32
      %add3A_1289 = arith.addi %mul3A_2, %mul3A_1288 : i32
      %dma_start3A_1290 = arith.constant 6 : i32
      %dma_start3A_1291 = arith.constant 0 : i32
      %dma_start3A_1292 = arith.constant 0 : i32
      %dma_start3A_1293 = tpu.memref_slice %arg6[%dma_start3A_1290, %dma_start3A_1291, %dma_start3A_1292] : memref<8x16x512xf32, #tpu.memory_space<vmem>> -> memref<1x16x512xf32, #tpu.memory_space<vmem>>
      %dma_start3A_1294 = tpu.memref_squeeze %dma_start3A_1293 : memref<1x16x512xf32, #tpu.memory_space<vmem>> -> memref<16x512xf32, #tpu.memory_space<vmem>>
      %dma_start3A_1295 = arith.constant 0 : i32
      %dma_start3A_1296 = tpu.memref_slice %arg4[%add3A_1289, %dma_start3A_1295] : memref<204800x512xf32, #tpu.memory_space<hbm>> -> memref<16x512xf32, #tpu.memory_space<hbm>>
      %dma_start3A_1297 = arith.constant 0 : i32
      %dma_start3A_1298 = tpu.memref_slice %arg4[%add3A_1289, %dma_start3A_1297] : memref<204800x512xf32, #tpu.memory_space<hbm>> -> memref<16x512xf32, #tpu.memory_space<hbm>>
      %dma_start3A_1299 = arith.constant 0 : i32
      %dma_start3A_1300 = arith.constant 0 : i32
      %dma_start3A_1301 = tpu.memref_slice %arg6[%dma_start3A_1290, %dma_start3A_1299, %dma_start3A_1300] : memref<8x16x512xf32, #tpu.memory_space<vmem>> -> memref<1x16x512xf32, #tpu.memory_space<vmem>>
      %dma_start3A_1302 = tpu.memref_squeeze %dma_start3A_1301 : memref<1x16x512xf32, #tpu.memory_space<vmem>> -> memref<16x512xf32, #tpu.memory_space<vmem>>
      tpu.enqueue_dma source(%dma_start3A_1302 : memref<16x512xf32, #tpu.memory_space<vmem>>) target(%dma_start3A_1298 : memref<16x512xf32, #tpu.memory_space<hbm>>) target_semaphore(%arg21 : memref<!tpu.dma_semaphore, #tpu.memory_space<semaphore_mem>>)
      %dma_wait3A_1303 = arith.constant 2 : i32
      %dma_wait3A_1304 = arith.constant 0 : i32
      %dma_wait3A_1305 = arith.constant 0 : i32
      %dma_wait3A_1306 = tpu.memref_slice %arg6[%dma_wait3A_1303, %dma_wait3A_1304, %dma_wait3A_1305] : memref<8x16x512xf32, #tpu.memory_space<vmem>> -> memref<1x16x512xf32, #tpu.memory_space<vmem>>
      %dma_wait3A_1307 = tpu.memref_squeeze %dma_wait3A_1306 : memref<1x16x512xf32, #tpu.memory_space<vmem>> -> memref<16x512xf32, #tpu.memory_space<vmem>>
      %dma_wait3A_1308 = arith.constant 0 : i32
      %dma_wait3A_1309 = arith.constant 0 : i32
      %dma_wait3A_1310 = tpu.memref_slice %arg4[%dma_wait3A_1308, %dma_wait3A_1309] : memref<204800x512xf32, #tpu.memory_space<hbm>> -> memref<16x512xf32, #tpu.memory_space<hbm>>
      %dma_wait3A_1311 = arith.constant 0 : i32
      %dma_wait3A_1312 = arith.constant 0 : i32
      %dma_wait3A_1313 = tpu.memref_slice %arg4[%dma_wait3A_1311, %dma_wait3A_1312] : memref<204800x512xf32, #tpu.memory_space<hbm>> -> memref<16x512xf32, #tpu.memory_space<hbm>>
      %dma_wait3A_1314 = arith.constant 0 : i32
      %dma_wait3A_1315 = arith.constant 0 : i32
      %dma_wait3A_1316 = tpu.memref_slice %arg6[%dma_wait3A_1303, %dma_wait3A_1314, %dma_wait3A_1315] : memref<8x16x512xf32, #tpu.memory_space<vmem>> -> memref<1x16x512xf32, #tpu.memory_space<vmem>>
      %dma_wait3A_1317 = tpu.memref_squeeze %dma_wait3A_1316 : memref<1x16x512xf32, #tpu.memory_space<vmem>> -> memref<16x512xf32, #tpu.memory_space<vmem>>
      tpu.wait_dma2 semaphore(%arg17 : memref<!tpu.dma_semaphore, #tpu.memory_space<semaphore_mem>>) src(%dma_wait3A_1317 : memref<16x512xf32, #tpu.memory_space<vmem>>) dst(%dma_wait3A_1313 : memref<16x512xf32, #tpu.memory_space<hbm>>)
      %add3A_1318 = arith.constant 6 : i32
      %add3A_1319 = arith.addi %mul3A_891, %add3A_1318 : i32
      %add3A_1320 = arith.constant 4 : i32
      %add3A_1321 = arith.addi %add3A_1319, %add3A_1320 : i32
      %mul3A_1322 = arith.constant 16 : i32
      %mul3A_1323 = arith.muli %add3A_1321, %mul3A_1322 : i32
      %dma_start3A_1324 = arith.constant 2 : i32
      %dma_start3A_1325 = arith.constant 0 : i32
      %dma_start3A_1326 = arith.constant 0 : i32
      %dma_start3A_1327 = tpu.memref_slice %arg6[%dma_start3A_1324, %dma_start3A_1325, %dma_start3A_1326] : memref<8x16x512xf32, #tpu.memory_space<vmem>> -> memref<1x16x512xf32, #tpu.memory_space<vmem>>
      %dma_start3A_1328 = tpu.memref_squeeze %dma_start3A_1327 : memref<1x16x512xf32, #tpu.memory_space<vmem>> -> memref<16x512xf32, #tpu.memory_space<vmem>>
      %dma_start3A_1329 = tpu.memref_slice %arg5[%mul3A_1323] : memref<6400xi32, #tpu.memory_space<vmem>> -> memref<16xi32, #tpu.memory_space<vmem>>
      %dma_start3A_1330 = arith.constant 0 : i32
      %dma_start3A_1331 = arith.constant 0 : i32
      %dma_start3A_1332 = tpu.memref_slice %arg3[%dma_start3A_1330, %dma_start3A_1331] : memref<100000x512xf32, #tpu.memory_space<hbm>> -> memref<100000x512xf32, #tpu.memory_space<hbm>>
      tpu.enqueue_indirect_dma source(%dma_start3A_1332 : memref<100000x512xf32, #tpu.memory_space<hbm>>) target(%dma_start3A_1328 : memref<16x512xf32, #tpu.memory_space<vmem>>) offsets(%dma_start3A_1329 : memref<16xi32, #tpu.memory_space<vmem>>) semaphore(%arg9 : memref<!tpu.dma_semaphore, #tpu.memory_space<semaphore_mem>>)
      %dma_wait3A_1333 = arith.constant 7 : i32
      %dma_wait3A_1334 = arith.constant 0 : i32
      %dma_wait3A_1335 = arith.constant 0 : i32
      %dma_wait3A_1336 = tpu.memref_slice %arg6[%dma_wait3A_1333, %dma_wait3A_1334, %dma_wait3A_1335] : memref<8x16x512xf32, #tpu.memory_space<vmem>> -> memref<1x16x512xf32, #tpu.memory_space<vmem>>
      %dma_wait3A_1337 = tpu.memref_squeeze %dma_wait3A_1336 : memref<1x16x512xf32, #tpu.memory_space<vmem>> -> memref<16x512xf32, #tpu.memory_space<vmem>>
      %dma_wait3A_1338 = arith.constant 0 : i32
      %dma_wait3A_1339 = arith.constant 0 : i32
      %dma_wait3A_1340 = tpu.memref_slice %arg3[%dma_wait3A_1338, %dma_wait3A_1339] : memref<100000x512xf32, #tpu.memory_space<hbm>> -> memref<16x512xf32, #tpu.memory_space<hbm>>
      %dma_wait3A_1341 = arith.constant 0 : i32
      %dma_wait3A_1342 = arith.constant 0 : i32
      %dma_wait3A_1343 = tpu.memref_slice %arg6[%dma_wait3A_1333, %dma_wait3A_1341, %dma_wait3A_1342] : memref<8x16x512xf32, #tpu.memory_space<vmem>> -> memref<1x16x512xf32, #tpu.memory_space<vmem>>
      %dma_wait3A_1344 = tpu.memref_squeeze %dma_wait3A_1343 : memref<1x16x512xf32, #tpu.memory_space<vmem>> -> memref<16x512xf32, #tpu.memory_space<vmem>>
      %dma_wait3A_1345 = arith.constant 0 : i32
      %dma_wait3A_1346 = arith.constant 0 : i32
      %dma_wait3A_1347 = tpu.memref_slice %arg3[%dma_wait3A_1345, %dma_wait3A_1346] : memref<100000x512xf32, #tpu.memory_space<hbm>> -> memref<16x512xf32, #tpu.memory_space<hbm>>
      tpu.wait_dma2 semaphore(%arg14 : memref<!tpu.dma_semaphore, #tpu.memory_space<semaphore_mem>>) src(%dma_wait3A_1347 : memref<16x512xf32, #tpu.memory_space<hbm>>) dst(%dma_wait3A_1344 : memref<16x512xf32, #tpu.memory_space<vmem>>)
      %add3A_1348 = arith.constant 7 : i32
      %add3A_1349 = arith.addi %mul3A_891, %add3A_1348 : i32
      %mul3A_1350 = arith.constant 16 : i32
      %mul3A_1351 = arith.muli %add3A_1349, %mul3A_1350 : i32
      %add3A_1352 = arith.addi %mul3A_2, %mul3A_1351 : i32
      %dma_start3A_1353 = arith.constant 7 : i32
      %dma_start3A_1354 = arith.constant 0 : i32
      %dma_start3A_1355 = arith.constant 0 : i32
      %dma_start3A_1356 = tpu.memref_slice %arg6[%dma_start3A_1353, %dma_start3A_1354, %dma_start3A_1355] : memref<8x16x512xf32, #tpu.memory_space<vmem>> -> memref<1x16x512xf32, #tpu.memory_space<vmem>>
      %dma_start3A_1357 = tpu.memref_squeeze %dma_start3A_1356 : memref<1x16x512xf32, #tpu.memory_space<vmem>> -> memref<16x512xf32, #tpu.memory_space<vmem>>
      %dma_start3A_1358 = arith.constant 0 : i32
      %dma_start3A_1359 = tpu.memref_slice %arg4[%add3A_1352, %dma_start3A_1358] : memref<204800x512xf32, #tpu.memory_space<hbm>> -> memref<16x512xf32, #tpu.memory_space<hbm>>
      %dma_start3A_1360 = arith.constant 0 : i32
      %dma_start3A_1361 = tpu.memref_slice %arg4[%add3A_1352, %dma_start3A_1360] : memref<204800x512xf32, #tpu.memory_space<hbm>> -> memref<16x512xf32, #tpu.memory_space<hbm>>
      %dma_start3A_1362 = arith.constant 0 : i32
      %dma_start3A_1363 = arith.constant 0 : i32
      %dma_start3A_1364 = tpu.memref_slice %arg6[%dma_start3A_1353, %dma_start3A_1362, %dma_start3A_1363] : memref<8x16x512xf32, #tpu.memory_space<vmem>> -> memref<1x16x512xf32, #tpu.memory_space<vmem>>
      %dma_start3A_1365 = tpu.memref_squeeze %dma_start3A_1364 : memref<1x16x512xf32, #tpu.memory_space<vmem>> -> memref<16x512xf32, #tpu.memory_space<vmem>>
      tpu.enqueue_dma source(%dma_start3A_1365 : memref<16x512xf32, #tpu.memory_space<vmem>>) target(%dma_start3A_1361 : memref<16x512xf32, #tpu.memory_space<hbm>>) target_semaphore(%arg22 : memref<!tpu.dma_semaphore, #tpu.memory_space<semaphore_mem>>)
      %dma_wait3A_1366 = arith.constant 3 : i32
      %dma_wait3A_1367 = arith.constant 0 : i32
      %dma_wait3A_1368 = arith.constant 0 : i32
      %dma_wait3A_1369 = tpu.memref_slice %arg6[%dma_wait3A_1366, %dma_wait3A_1367, %dma_wait3A_1368] : memref<8x16x512xf32, #tpu.memory_space<vmem>> -> memref<1x16x512xf32, #tpu.memory_space<vmem>>
      %dma_wait3A_1370 = tpu.memref_squeeze %dma_wait3A_1369 : memref<1x16x512xf32, #tpu.memory_space<vmem>> -> memref<16x512xf32, #tpu.memory_space<vmem>>
      %dma_wait3A_1371 = arith.constant 0 : i32
      %dma_wait3A_1372 = arith.constant 0 : i32
      %dma_wait3A_1373 = tpu.memref_slice %arg4[%dma_wait3A_1371, %dma_wait3A_1372] : memref<204800x512xf32, #tpu.memory_space<hbm>> -> memref<16x512xf32, #tpu.memory_space<hbm>>
      %dma_wait3A_1374 = arith.constant 0 : i32
      %dma_wait3A_1375 = arith.constant 0 : i32
      %dma_wait3A_1376 = tpu.memref_slice %arg4[%dma_wait3A_1374, %dma_wait3A_1375] : memref<204800x512xf32, #tpu.memory_space<hbm>> -> memref<16x512xf32, #tpu.memory_space<hbm>>
      %dma_wait3A_1377 = arith.constant 0 : i32
      %dma_wait3A_1378 = arith.constant 0 : i32
      %dma_wait3A_1379 = tpu.memref_slice %arg6[%dma_wait3A_1366, %dma_wait3A_1377, %dma_wait3A_1378] : memref<8x16x512xf32, #tpu.memory_space<vmem>> -> memref<1x16x512xf32, #tpu.memory_space<vmem>>
      %dma_wait3A_1380 = tpu.memref_squeeze %dma_wait3A_1379 : memref<1x16x512xf32, #tpu.memory_space<vmem>> -> memref<16x512xf32, #tpu.memory_space<vmem>>
      tpu.wait_dma2 semaphore(%arg18 : memref<!tpu.dma_semaphore, #tpu.memory_space<semaphore_mem>>) src(%dma_wait3A_1380 : memref<16x512xf32, #tpu.memory_space<vmem>>) dst(%dma_wait3A_1376 : memref<16x512xf32, #tpu.memory_space<hbm>>)
      %add3A_1381 = arith.constant 7 : i32
      %add3A_1382 = arith.addi %mul3A_891, %add3A_1381 : i32
      %add3A_1383 = arith.constant 4 : i32
      %add3A_1384 = arith.addi %add3A_1382, %add3A_1383 : i32
      %mul3A_1385 = arith.constant 16 : i32
      %mul3A_1386 = arith.muli %add3A_1384, %mul3A_1385 : i32
      %dma_start3A_1387 = arith.constant 3 : i32
      %dma_start3A_1388 = arith.constant 0 : i32
      %dma_start3A_1389 = arith.constant 0 : i32
      %dma_start3A_1390 = tpu.memref_slice %arg6[%dma_start3A_1387, %dma_start3A_1388, %dma_start3A_1389] : memref<8x16x512xf32, #tpu.memory_space<vmem>> -> memref<1x16x512xf32, #tpu.memory_space<vmem>>
      %dma_start3A_1391 = tpu.memref_squeeze %dma_start3A_1390 : memref<1x16x512xf32, #tpu.memory_space<vmem>> -> memref<16x512xf32, #tpu.memory_space<vmem>>
      %dma_start3A_1392 = tpu.memref_slice %arg5[%mul3A_1386] : memref<6400xi32, #tpu.memory_space<vmem>> -> memref<16xi32, #tpu.memory_space<vmem>>
      %dma_start3A_1393 = arith.constant 0 : i32
      %dma_start3A_1394 = arith.constant 0 : i32
      %dma_start3A_1395 = tpu.memref_slice %arg3[%dma_start3A_1393, %dma_start3A_1394] : memref<100000x512xf32, #tpu.memory_space<hbm>> -> memref<100000x512xf32, #tpu.memory_space<hbm>>
      tpu.enqueue_indirect_dma source(%dma_start3A_1395 : memref<100000x512xf32, #tpu.memory_space<hbm>>) target(%dma_start3A_1391 : memref<16x512xf32, #tpu.memory_space<vmem>>) offsets(%dma_start3A_1392 : memref<16xi32, #tpu.memory_space<vmem>>) semaphore(%arg10 : memref<!tpu.dma_semaphore, #tpu.memory_space<semaphore_mem>>)
    }
    %scan3A_424 = arith.constant 48 : i32
    %dma_wait3A_425 = arith.constant 0 : i32
    %dma_wait3A_426 = arith.constant 0 : i32
    %dma_wait3A_427 = arith.constant 0 : i32
    %dma_wait3A_428 = tpu.memref_slice %arg6[%dma_wait3A_425, %dma_wait3A_426, %dma_wait3A_427] : memref<8x16x512xf32, #tpu.memory_space<vmem>> -> memref<1x16x512xf32, #tpu.memory_space<vmem>>
    %dma_wait3A_429 = tpu.memref_squeeze %dma_wait3A_428 : memref<1x16x512xf32, #tpu.memory_space<vmem>> -> memref<16x512xf32, #tpu.memory_space<vmem>>
    %dma_wait3A_430 = arith.constant 0 : i32
    %dma_wait3A_431 = arith.constant 0 : i32
    %dma_wait3A_432 = tpu.memref_slice %arg3[%dma_wait3A_430, %dma_wait3A_431] : memref<100000x512xf32, #tpu.memory_space<hbm>> -> memref<16x512xf32, #tpu.memory_space<hbm>>
    %dma_wait3A_433 = arith.constant 0 : i32
    %dma_wait3A_434 = arith.constant 0 : i32
    %dma_wait3A_435 = tpu.memref_slice %arg6[%dma_wait3A_425, %dma_wait3A_433, %dma_wait3A_434] : memref<8x16x512xf32, #tpu.memory_space<vmem>> -> memref<1x16x512xf32, #tpu.memory_space<vmem>>
    %dma_wait3A_436 = tpu.memref_squeeze %dma_wait3A_435 : memref<1x16x512xf32, #tpu.memory_space<vmem>> -> memref<16x512xf32, #tpu.memory_space<vmem>>
    %dma_wait3A_437 = arith.constant 0 : i32
    %dma_wait3A_438 = arith.constant 0 : i32
    %dma_wait3A_439 = tpu.memref_slice %arg3[%dma_wait3A_437, %dma_wait3A_438] : memref<100000x512xf32, #tpu.memory_space<hbm>> -> memref<16x512xf32, #tpu.memory_space<hbm>>
    tpu.wait_dma2 semaphore(%arg7 : memref<!tpu.dma_semaphore, #tpu.memory_space<semaphore_mem>>) src(%dma_wait3A_439 : memref<16x512xf32, #tpu.memory_space<hbm>>) dst(%dma_wait3A_436 : memref<16x512xf32, #tpu.memory_space<vmem>>)
    %add3A_440 = arith.constant 6272 : i32
    %add3A_441 = arith.addi %mul3A_2, %add3A_440 : i32
    %dma_start3A_442 = arith.constant 0 : i32
    %dma_start3A_443 = arith.constant 0 : i32
    %dma_start3A_444 = arith.constant 0 : i32
    %dma_start3A_445 = tpu.memref_slice %arg6[%dma_start3A_442, %dma_start3A_443, %dma_start3A_444] : memref<8x16x512xf32, #tpu.memory_space<vmem>> -> memref<1x16x512xf32, #tpu.memory_space<vmem>>
    %dma_start3A_446 = tpu.memref_squeeze %dma_start3A_445 : memref<1x16x512xf32, #tpu.memory_space<vmem>> -> memref<16x512xf32, #tpu.memory_space<vmem>>
    %dma_start3A_447 = arith.constant 0 : i32
    %dma_start3A_448 = tpu.memref_slice %arg4[%add3A_441, %dma_start3A_447] : memref<204800x512xf32, #tpu.memory_space<hbm>> -> memref<16x512xf32, #tpu.memory_space<hbm>>
    %dma_start3A_449 = arith.constant 0 : i32
    %dma_start3A_450 = tpu.memref_slice %arg4[%add3A_441, %dma_start3A_449] : memref<204800x512xf32, #tpu.memory_space<hbm>> -> memref<16x512xf32, #tpu.memory_space<hbm>>
    %dma_start3A_451 = arith.constant 0 : i32
    %dma_start3A_452 = arith.constant 0 : i32
    %dma_start3A_453 = tpu.memref_slice %arg6[%dma_start3A_442, %dma_start3A_451, %dma_start3A_452] : memref<8x16x512xf32, #tpu.memory_space<vmem>> -> memref<1x16x512xf32, #tpu.memory_space<vmem>>
    %dma_start3A_454 = tpu.memref_squeeze %dma_start3A_453 : memref<1x16x512xf32, #tpu.memory_space<vmem>> -> memref<16x512xf32, #tpu.memory_space<vmem>>
    tpu.enqueue_dma source(%dma_start3A_454 : memref<16x512xf32, #tpu.memory_space<vmem>>) target(%dma_start3A_450 : memref<16x512xf32, #tpu.memory_space<hbm>>) target_semaphore(%arg15 : memref<!tpu.dma_semaphore, #tpu.memory_space<semaphore_mem>>)
    %dma_wait3A_455 = arith.constant 4 : i32
    %dma_wait3A_456 = arith.constant 0 : i32
    %dma_wait3A_457 = arith.constant 0 : i32
    %dma_wait3A_458 = tpu.memref_slice %arg6[%dma_wait3A_455, %dma_wait3A_456, %dma_wait3A_457] : memref<8x16x512xf32, #tpu.memory_space<vmem>> -> memref<1x16x512xf32, #tpu.memory_space<vmem>>
    %dma_wait3A_459 = tpu.memref_squeeze %dma_wait3A_458 : memref<1x16x512xf32, #tpu.memory_space<vmem>> -> memref<16x512xf32, #tpu.memory_space<vmem>>
    %dma_wait3A_460 = arith.constant 0 : i32
    %dma_wait3A_461 = arith.constant 0 : i32
    %dma_wait3A_462 = tpu.memref_slice %arg4[%dma_wait3A_460, %dma_wait3A_461] : memref<204800x512xf32, #tpu.memory_space<hbm>> -> memref<16x512xf32, #tpu.memory_space<hbm>>
    %dma_wait3A_463 = arith.constant 0 : i32
    %dma_wait3A_464 = arith.constant 0 : i32
    %dma_wait3A_465 = tpu.memref_slice %arg4[%dma_wait3A_463, %dma_wait3A_464] : memref<204800x512xf32, #tpu.memory_space<hbm>> -> memref<16x512xf32, #tpu.memory_space<hbm>>
    %dma_wait3A_466 = arith.constant 0 : i32
    %dma_wait3A_467 = arith.constant 0 : i32
    %dma_wait3A_468 = tpu.memref_slice %arg6[%dma_wait3A_455, %dma_wait3A_466, %dma_wait3A_467] : memref<8x16x512xf32, #tpu.memory_space<vmem>> -> memref<1x16x512xf32, #tpu.memory_space<vmem>>
    %dma_wait3A_469 = tpu.memref_squeeze %dma_wait3A_468 : memref<1x16x512xf32, #tpu.memory_space<vmem>> -> memref<16x512xf32, #tpu.memory_space<vmem>>
    tpu.wait_dma2 semaphore(%arg19 : memref<!tpu.dma_semaphore, #tpu.memory_space<semaphore_mem>>) src(%dma_wait3A_469 : memref<16x512xf32, #tpu.memory_space<vmem>>) dst(%dma_wait3A_465 : memref<16x512xf32, #tpu.memory_space<hbm>>)
    %dma_start3A_470 = arith.constant 4 : i32
    %dma_start3A_471 = arith.constant 0 : i32
    %dma_start3A_472 = arith.constant 0 : i32
    %dma_start3A_473 = tpu.memref_slice %arg6[%dma_start3A_470, %dma_start3A_471, %dma_start3A_472] : memref<8x16x512xf32, #tpu.memory_space<vmem>> -> memref<1x16x512xf32, #tpu.memory_space<vmem>>
    %dma_start3A_474 = tpu.memref_squeeze %dma_start3A_473 : memref<1x16x512xf32, #tpu.memory_space<vmem>> -> memref<16x512xf32, #tpu.memory_space<vmem>>
    %dma_start3A_475 = arith.constant 6336 : i32
    %dma_start3A_476 = tpu.memref_slice %arg5[%dma_start3A_475] : memref<6400xi32, #tpu.memory_space<vmem>> -> memref<16xi32, #tpu.memory_space<vmem>>
    %dma_start3A_477 = arith.constant 0 : i32
    %dma_start3A_478 = arith.constant 0 : i32
    %dma_start3A_479 = tpu.memref_slice %arg3[%dma_start3A_477, %dma_start3A_478] : memref<100000x512xf32, #tpu.memory_space<hbm>> -> memref<100000x512xf32, #tpu.memory_space<hbm>>
    tpu.enqueue_indirect_dma source(%dma_start3A_479 : memref<100000x512xf32, #tpu.memory_space<hbm>>) target(%dma_start3A_474 : memref<16x512xf32, #tpu.memory_space<vmem>>) offsets(%dma_start3A_476 : memref<16xi32, #tpu.memory_space<vmem>>) semaphore(%arg11 : memref<!tpu.dma_semaphore, #tpu.memory_space<semaphore_mem>>)
    %dma_wait3A_480 = arith.constant 1 : i32
    %dma_wait3A_481 = arith.constant 0 : i32
    %dma_wait3A_482 = arith.constant 0 : i32
    %dma_wait3A_483 = tpu.memref_slice %arg6[%dma_wait3A_480, %dma_wait3A_481, %dma_wait3A_482] : memref<8x16x512xf32, #tpu.memory_space<vmem>> -> memref<1x16x512xf32, #tpu.memory_space<vmem>>
    %dma_wait3A_484 = tpu.memref_squeeze %dma_wait3A_483 : memref<1x16x512xf32, #tpu.memory_space<vmem>> -> memref<16x512xf32, #tpu.memory_space<vmem>>
    %dma_wait3A_485 = arith.constant 0 : i32
    %dma_wait3A_486 = arith.constant 0 : i32
    %dma_wait3A_487 = tpu.memref_slice %arg3[%dma_wait3A_485, %dma_wait3A_486] : memref<100000x512xf32, #tpu.memory_space<hbm>> -> memref<16x512xf32, #tpu.memory_space<hbm>>
    %dma_wait3A_488 = arith.constant 0 : i32
    %dma_wait3A_489 = arith.constant 0 : i32
    %dma_wait3A_490 = tpu.memref_slice %arg6[%dma_wait3A_480, %dma_wait3A_488, %dma_wait3A_489] : memref<8x16x512xf32, #tpu.memory_space<vmem>> -> memref<1x16x512xf32, #tpu.memory_space<vmem>>
    %dma_wait3A_491 = tpu.memref_squeeze %dma_wait3A_490 : memref<1x16x512xf32, #tpu.memory_space<vmem>> -> memref<16x512xf32, #tpu.memory_space<vmem>>
    %dma_wait3A_492 = arith.constant 0 : i32
    %dma_wait3A_493 = arith.constant 0 : i32
    %dma_wait3A_494 = tpu.memref_slice %arg3[%dma_wait3A_492, %dma_wait3A_493] : memref<100000x512xf32, #tpu.memory_space<hbm>> -> memref<16x512xf32, #tpu.memory_space<hbm>>
    tpu.wait_dma2 semaphore(%arg8 : memref<!tpu.dma_semaphore, #tpu.memory_space<semaphore_mem>>) src(%dma_wait3A_494 : memref<16x512xf32, #tpu.memory_space<hbm>>) dst(%dma_wait3A_491 : memref<16x512xf32, #tpu.memory_space<vmem>>)
    %add3A_495 = arith.constant 6288 : i32
    %add3A_496 = arith.addi %mul3A_2, %add3A_495 : i32
    %dma_start3A_497 = arith.constant 1 : i32
    %dma_start3A_498 = arith.constant 0 : i32
    %dma_start3A_499 = arith.constant 0 : i32
    %dma_start3A_500 = tpu.memref_slice %arg6[%dma_start3A_497, %dma_start3A_498, %dma_start3A_499] : memref<8x16x512xf32, #tpu.memory_space<vmem>> -> memref<1x16x512xf32, #tpu.memory_space<vmem>>
    %dma_start3A_501 = tpu.memref_squeeze %dma_start3A_500 : memref<1x16x512xf32, #tpu.memory_space<vmem>> -> memref<16x512xf32, #tpu.memory_space<vmem>>
    %dma_start3A_502 = arith.constant 0 : i32
    %dma_start3A_503 = tpu.memref_slice %arg4[%add3A_496, %dma_start3A_502] : memref<204800x512xf32, #tpu.memory_space<hbm>> -> memref<16x512xf32, #tpu.memory_space<hbm>>
    %dma_start3A_504 = arith.constant 0 : i32
    %dma_start3A_505 = tpu.memref_slice %arg4[%add3A_496, %dma_start3A_504] : memref<204800x512xf32, #tpu.memory_space<hbm>> -> memref<16x512xf32, #tpu.memory_space<hbm>>
    %dma_start3A_506 = arith.constant 0 : i32
    %dma_start3A_507 = arith.constant 0 : i32
    %dma_start3A_508 = tpu.memref_slice %arg6[%dma_start3A_497, %dma_start3A_506, %dma_start3A_507] : memref<8x16x512xf32, #tpu.memory_space<vmem>> -> memref<1x16x512xf32, #tpu.memory_space<vmem>>
    %dma_start3A_509 = tpu.memref_squeeze %dma_start3A_508 : memref<1x16x512xf32, #tpu.memory_space<vmem>> -> memref<16x512xf32, #tpu.memory_space<vmem>>
    tpu.enqueue_dma source(%dma_start3A_509 : memref<16x512xf32, #tpu.memory_space<vmem>>) target(%dma_start3A_505 : memref<16x512xf32, #tpu.memory_space<hbm>>) target_semaphore(%arg16 : memref<!tpu.dma_semaphore, #tpu.memory_space<semaphore_mem>>)
    %dma_wait3A_510 = arith.constant 5 : i32
    %dma_wait3A_511 = arith.constant 0 : i32
    %dma_wait3A_512 = arith.constant 0 : i32
    %dma_wait3A_513 = tpu.memref_slice %arg6[%dma_wait3A_510, %dma_wait3A_511, %dma_wait3A_512] : memref<8x16x512xf32, #tpu.memory_space<vmem>> -> memref<1x16x512xf32, #tpu.memory_space<vmem>>
    %dma_wait3A_514 = tpu.memref_squeeze %dma_wait3A_513 : memref<1x16x512xf32, #tpu.memory_space<vmem>> -> memref<16x512xf32, #tpu.memory_space<vmem>>
    %dma_wait3A_515 = arith.constant 0 : i32
    %dma_wait3A_516 = arith.constant 0 : i32
    %dma_wait3A_517 = tpu.memref_slice %arg4[%dma_wait3A_515, %dma_wait3A_516] : memref<204800x512xf32, #tpu.memory_space<hbm>> -> memref<16x512xf32, #tpu.memory_space<hbm>>
    %dma_wait3A_518 = arith.constant 0 : i32
    %dma_wait3A_519 = arith.constant 0 : i32
    %dma_wait3A_520 = tpu.memref_slice %arg4[%dma_wait3A_518, %dma_wait3A_519] : memref<204800x512xf32, #tpu.memory_space<hbm>> -> memref<16x512xf32, #tpu.memory_space<hbm>>
    %dma_wait3A_521 = arith.constant 0 : i32
    %dma_wait3A_522 = arith.constant 0 : i32
    %dma_wait3A_523 = tpu.memref_slice %arg6[%dma_wait3A_510, %dma_wait3A_521, %dma_wait3A_522] : memref<8x16x512xf32, #tpu.memory_space<vmem>> -> memref<1x16x512xf32, #tpu.memory_space<vmem>>
    %dma_wait3A_524 = tpu.memref_squeeze %dma_wait3A_523 : memref<1x16x512xf32, #tpu.memory_space<vmem>> -> memref<16x512xf32, #tpu.memory_space<vmem>>
    tpu.wait_dma2 semaphore(%arg20 : memref<!tpu.dma_semaphore, #tpu.memory_space<semaphore_mem>>) src(%dma_wait3A_524 : memref<16x512xf32, #tpu.memory_space<vmem>>) dst(%dma_wait3A_520 : memref<16x512xf32, #tpu.memory_space<hbm>>)
    %dma_start3A_525 = arith.constant 5 : i32
    %dma_start3A_526 = arith.constant 0 : i32
    %dma_start3A_527 = arith.constant 0 : i32
    %dma_start3A_528 = tpu.memref_slice %arg6[%dma_start3A_525, %dma_start3A_526, %dma_start3A_527] : memref<8x16x512xf32, #tpu.memory_space<vmem>> -> memref<1x16x512xf32, #tpu.memory_space<vmem>>
    %dma_start3A_529 = tpu.memref_squeeze %dma_start3A_528 : memref<1x16x512xf32, #tpu.memory_space<vmem>> -> memref<16x512xf32, #tpu.memory_space<vmem>>
    %dma_start3A_530 = arith.constant 6352 : i32
    %dma_start3A_531 = tpu.memref_slice %arg5[%dma_start3A_530] : memref<6400xi32, #tpu.memory_space<vmem>> -> memref<16xi32, #tpu.memory_space<vmem>>
    %dma_start3A_532 = arith.constant 0 : i32
    %dma_start3A_533 = arith.constant 0 : i32
    %dma_start3A_534 = tpu.memref_slice %arg3[%dma_start3A_532, %dma_start3A_533] : memref<100000x512xf32, #tpu.memory_space<hbm>> -> memref<100000x512xf32, #tpu.memory_space<hbm>>
    tpu.enqueue_indirect_dma source(%dma_start3A_534 : memref<100000x512xf32, #tpu.memory_space<hbm>>) target(%dma_start3A_529 : memref<16x512xf32, #tpu.memory_space<vmem>>) offsets(%dma_start3A_531 : memref<16xi32, #tpu.memory_space<vmem>>) semaphore(%arg12 : memref<!tpu.dma_semaphore, #tpu.memory_space<semaphore_mem>>)
    %dma_wait3A_535 = arith.constant 2 : i32
    %dma_wait3A_536 = arith.constant 0 : i32
    %dma_wait3A_537 = arith.constant 0 : i32
    %dma_wait3A_538 = tpu.memref_slice %arg6[%dma_wait3A_535, %dma_wait3A_536, %dma_wait3A_537] : memref<8x16x512xf32, #tpu.memory_space<vmem>> -> memref<1x16x512xf32, #tpu.memory_space<vmem>>
    %dma_wait3A_539 = tpu.memref_squeeze %dma_wait3A_538 : memref<1x16x512xf32, #tpu.memory_space<vmem>> -> memref<16x512xf32, #tpu.memory_space<vmem>>
    %dma_wait3A_540 = arith.constant 0 : i32
    %dma_wait3A_541 = arith.constant 0 : i32
    %dma_wait3A_542 = tpu.memref_slice %arg3[%dma_wait3A_540, %dma_wait3A_541] : memref<100000x512xf32, #tpu.memory_space<hbm>> -> memref<16x512xf32, #tpu.memory_space<hbm>>
    %dma_wait3A_543 = arith.constant 0 : i32
    %dma_wait3A_544 = arith.constant 0 : i32
    %dma_wait3A_545 = tpu.memref_slice %arg6[%dma_wait3A_535, %dma_wait3A_543, %dma_wait3A_544] : memref<8x16x512xf32, #tpu.memory_space<vmem>> -> memref<1x16x512xf32, #tpu.memory_space<vmem>>
    %dma_wait3A_546 = tpu.memref_squeeze %dma_wait3A_545 : memref<1x16x512xf32, #tpu.memory_space<vmem>> -> memref<16x512xf32, #tpu.memory_space<vmem>>
    %dma_wait3A_547 = arith.constant 0 : i32
    %dma_wait3A_548 = arith.constant 0 : i32
    %dma_wait3A_549 = tpu.memref_slice %arg3[%dma_wait3A_547, %dma_wait3A_548] : memref<100000x512xf32, #tpu.memory_space<hbm>> -> memref<16x512xf32, #tpu.memory_space<hbm>>
    tpu.wait_dma2 semaphore(%arg9 : memref<!tpu.dma_semaphore, #tpu.memory_space<semaphore_mem>>) src(%dma_wait3A_549 : memref<16x512xf32, #tpu.memory_space<hbm>>) dst(%dma_wait3A_546 : memref<16x512xf32, #tpu.memory_space<vmem>>)
    %add3A_550 = arith.constant 6304 : i32
    %add3A_551 = arith.addi %mul3A_2, %add3A_550 : i32
    %dma_start3A_552 = arith.constant 2 : i32
    %dma_start3A_553 = arith.constant 0 : i32
    %dma_start3A_554 = arith.constant 0 : i32
    %dma_start3A_555 = tpu.memref_slice %arg6[%dma_start3A_552, %dma_start3A_553, %dma_start3A_554] : memref<8x16x512xf32, #tpu.memory_space<vmem>> -> memref<1x16x512xf32, #tpu.memory_space<vmem>>
    %dma_start3A_556 = tpu.memref_squeeze %dma_start3A_555 : memref<1x16x512xf32, #tpu.memory_space<vmem>> -> memref<16x512xf32, #tpu.memory_space<vmem>>
    %dma_start3A_557 = arith.constant 0 : i32
    %dma_start3A_558 = tpu.memref_slice %arg4[%add3A_551, %dma_start3A_557] : memref<204800x512xf32, #tpu.memory_space<hbm>> -> memref<16x512xf32, #tpu.memory_space<hbm>>
    %dma_start3A_559 = arith.constant 0 : i32
    %dma_start3A_560 = tpu.memref_slice %arg4[%add3A_551, %dma_start3A_559] : memref<204800x512xf32, #tpu.memory_space<hbm>> -> memref<16x512xf32, #tpu.memory_space<hbm>>
    %dma_start3A_561 = arith.constant 0 : i32
    %dma_start3A_562 = arith.constant 0 : i32
    %dma_start3A_563 = tpu.memref_slice %arg6[%dma_start3A_552, %dma_start3A_561, %dma_start3A_562] : memref<8x16x512xf32, #tpu.memory_space<vmem>> -> memref<1x16x512xf32, #tpu.memory_space<vmem>>
    %dma_start3A_564 = tpu.memref_squeeze %dma_start3A_563 : memref<1x16x512xf32, #tpu.memory_space<vmem>> -> memref<16x512xf32, #tpu.memory_space<vmem>>
    tpu.enqueue_dma source(%dma_start3A_564 : memref<16x512xf32, #tpu.memory_space<vmem>>) target(%dma_start3A_560 : memref<16x512xf32, #tpu.memory_space<hbm>>) target_semaphore(%arg17 : memref<!tpu.dma_semaphore, #tpu.memory_space<semaphore_mem>>)
    %dma_wait3A_565 = arith.constant 6 : i32
    %dma_wait3A_566 = arith.constant 0 : i32
    %dma_wait3A_567 = arith.constant 0 : i32
    %dma_wait3A_568 = tpu.memref_slice %arg6[%dma_wait3A_565, %dma_wait3A_566, %dma_wait3A_567] : memref<8x16x512xf32, #tpu.memory_space<vmem>> -> memref<1x16x512xf32, #tpu.memory_space<vmem>>
    %dma_wait3A_569 = tpu.memref_squeeze %dma_wait3A_568 : memref<1x16x512xf32, #tpu.memory_space<vmem>> -> memref<16x512xf32, #tpu.memory_space<vmem>>
    %dma_wait3A_570 = arith.constant 0 : i32
    %dma_wait3A_571 = arith.constant 0 : i32
    %dma_wait3A_572 = tpu.memref_slice %arg4[%dma_wait3A_570, %dma_wait3A_571] : memref<204800x512xf32, #tpu.memory_space<hbm>> -> memref<16x512xf32, #tpu.memory_space<hbm>>
    %dma_wait3A_573 = arith.constant 0 : i32
    %dma_wait3A_574 = arith.constant 0 : i32
    %dma_wait3A_575 = tpu.memref_slice %arg4[%dma_wait3A_573, %dma_wait3A_574] : memref<204800x512xf32, #tpu.memory_space<hbm>> -> memref<16x512xf32, #tpu.memory_space<hbm>>
    %dma_wait3A_576 = arith.constant 0 : i32
    %dma_wait3A_577 = arith.constant 0 : i32
    %dma_wait3A_578 = tpu.memref_slice %arg6[%dma_wait3A_565, %dma_wait3A_576, %dma_wait3A_577] : memref<8x16x512xf32, #tpu.memory_space<vmem>> -> memref<1x16x512xf32, #tpu.memory_space<vmem>>
    %dma_wait3A_579 = tpu.memref_squeeze %dma_wait3A_578 : memref<1x16x512xf32, #tpu.memory_space<vmem>> -> memref<16x512xf32, #tpu.memory_space<vmem>>
    tpu.wait_dma2 semaphore(%arg21 : memref<!tpu.dma_semaphore, #tpu.memory_space<semaphore_mem>>) src(%dma_wait3A_579 : memref<16x512xf32, #tpu.memory_space<vmem>>) dst(%dma_wait3A_575 : memref<16x512xf32, #tpu.memory_space<hbm>>)
    %dma_start3A_580 = arith.constant 6 : i32
    %dma_start3A_581 = arith.constant 0 : i32
    %dma_start3A_582 = arith.constant 0 : i32
    %dma_start3A_583 = tpu.memref_slice %arg6[%dma_start3A_580, %dma_start3A_581, %dma_start3A_582] : memref<8x16x512xf32, #tpu.memory_space<vmem>> -> memref<1x16x512xf32, #tpu.memory_space<vmem>>
    %dma_start3A_584 = tpu.memref_squeeze %dma_start3A_583 : memref<1x16x512xf32, #tpu.memory_space<vmem>> -> memref<16x512xf32, #tpu.memory_space<vmem>>
    %dma_start3A_585 = arith.constant 6368 : i32
    %dma_start3A_586 = tpu.memref_slice %arg5[%dma_start3A_585] : memref<6400xi32, #tpu.memory_space<vmem>> -> memref<16xi32, #tpu.memory_space<vmem>>
    %dma_start3A_587 = arith.constant 0 : i32
    %dma_start3A_588 = arith.constant 0 : i32
    %dma_start3A_589 = tpu.memref_slice %arg3[%dma_start3A_587, %dma_start3A_588] : memref<100000x512xf32, #tpu.memory_space<hbm>> -> memref<100000x512xf32, #tpu.memory_space<hbm>>
    tpu.enqueue_indirect_dma source(%dma_start3A_589 : memref<100000x512xf32, #tpu.memory_space<hbm>>) target(%dma_start3A_584 : memref<16x512xf32, #tpu.memory_space<vmem>>) offsets(%dma_start3A_586 : memref<16xi32, #tpu.memory_space<vmem>>) semaphore(%arg13 : memref<!tpu.dma_semaphore, #tpu.memory_space<semaphore_mem>>)
    %dma_wait3A_590 = arith.constant 3 : i32
    %dma_wait3A_591 = arith.constant 0 : i32
    %dma_wait3A_592 = arith.constant 0 : i32
    %dma_wait3A_593 = tpu.memref_slice %arg6[%dma_wait3A_590, %dma_wait3A_591, %dma_wait3A_592] : memref<8x16x512xf32, #tpu.memory_space<vmem>> -> memref<1x16x512xf32, #tpu.memory_space<vmem>>
    %dma_wait3A_594 = tpu.memref_squeeze %dma_wait3A_593 : memref<1x16x512xf32, #tpu.memory_space<vmem>> -> memref<16x512xf32, #tpu.memory_space<vmem>>
    %dma_wait3A_595 = arith.constant 0 : i32
    %dma_wait3A_596 = arith.constant 0 : i32
    %dma_wait3A_597 = tpu.memref_slice %arg3[%dma_wait3A_595, %dma_wait3A_596] : memref<100000x512xf32, #tpu.memory_space<hbm>> -> memref<16x512xf32, #tpu.memory_space<hbm>>
    %dma_wait3A_598 = arith.constant 0 : i32
    %dma_wait3A_599 = arith.constant 0 : i32
    %dma_wait3A_600 = tpu.memref_slice %arg6[%dma_wait3A_590, %dma_wait3A_598, %dma_wait3A_599] : memref<8x16x512xf32, #tpu.memory_space<vmem>> -> memref<1x16x512xf32, #tpu.memory_space<vmem>>
    %dma_wait3A_601 = tpu.memref_squeeze %dma_wait3A_600 : memref<1x16x512xf32, #tpu.memory_space<vmem>> -> memref<16x512xf32, #tpu.memory_space<vmem>>
    %dma_wait3A_602 = arith.constant 0 : i32
    %dma_wait3A_603 = arith.constant 0 : i32
    %dma_wait3A_604 = tpu.memref_slice %arg3[%dma_wait3A_602, %dma_wait3A_603] : memref<100000x512xf32, #tpu.memory_space<hbm>> -> memref<16x512xf32, #tpu.memory_space<hbm>>
    tpu.wait_dma2 semaphore(%arg10 : memref<!tpu.dma_semaphore, #tpu.memory_space<semaphore_mem>>) src(%dma_wait3A_604 : memref<16x512xf32, #tpu.memory_space<hbm>>) dst(%dma_wait3A_601 : memref<16x512xf32, #tpu.memory_space<vmem>>)
    %add3A_605 = arith.constant 6320 : i32
    %add3A_606 = arith.addi %mul3A_2, %add3A_605 : i32
    %dma_start3A_607 = arith.constant 3 : i32
    %dma_start3A_608 = arith.constant 0 : i32
    %dma_start3A_609 = arith.constant 0 : i32
    %dma_start3A_610 = tpu.memref_slice %arg6[%dma_start3A_607, %dma_start3A_608, %dma_start3A_609] : memref<8x16x512xf32, #tpu.memory_space<vmem>> -> memref<1x16x512xf32, #tpu.memory_space<vmem>>
    %dma_start3A_611 = tpu.memref_squeeze %dma_start3A_610 : memref<1x16x512xf32, #tpu.memory_space<vmem>> -> memref<16x512xf32, #tpu.memory_space<vmem>>
    %dma_start3A_612 = arith.constant 0 : i32
    %dma_start3A_613 = tpu.memref_slice %arg4[%add3A_606, %dma_start3A_612] : memref<204800x512xf32, #tpu.memory_space<hbm>> -> memref<16x512xf32, #tpu.memory_space<hbm>>
    %dma_start3A_614 = arith.constant 0 : i32
    %dma_start3A_615 = tpu.memref_slice %arg4[%add3A_606, %dma_start3A_614] : memref<204800x512xf32, #tpu.memory_space<hbm>> -> memref<16x512xf32, #tpu.memory_space<hbm>>
    %dma_start3A_616 = arith.constant 0 : i32
    %dma_start3A_617 = arith.constant 0 : i32
    %dma_start3A_618 = tpu.memref_slice %arg6[%dma_start3A_607, %dma_start3A_616, %dma_start3A_617] : memref<8x16x512xf32, #tpu.memory_space<vmem>> -> memref<1x16x512xf32, #tpu.memory_space<vmem>>
    %dma_start3A_619 = tpu.memref_squeeze %dma_start3A_618 : memref<1x16x512xf32, #tpu.memory_space<vmem>> -> memref<16x512xf32, #tpu.memory_space<vmem>>
    tpu.enqueue_dma source(%dma_start3A_619 : memref<16x512xf32, #tpu.memory_space<vmem>>) target(%dma_start3A_615 : memref<16x512xf32, #tpu.memory_space<hbm>>) target_semaphore(%arg18 : memref<!tpu.dma_semaphore, #tpu.memory_space<semaphore_mem>>)
    %dma_wait3A_620 = arith.constant 7 : i32
    %dma_wait3A_621 = arith.constant 0 : i32
    %dma_wait3A_622 = arith.constant 0 : i32
    %dma_wait3A_623 = tpu.memref_slice %arg6[%dma_wait3A_620, %dma_wait3A_621, %dma_wait3A_622] : memref<8x16x512xf32, #tpu.memory_space<vmem>> -> memref<1x16x512xf32, #tpu.memory_space<vmem>>
    %dma_wait3A_624 = tpu.memref_squeeze %dma_wait3A_623 : memref<1x16x512xf32, #tpu.memory_space<vmem>> -> memref<16x512xf32, #tpu.memory_space<vmem>>
    %dma_wait3A_625 = arith.constant 0 : i32
    %dma_wait3A_626 = arith.constant 0 : i32
    %dma_wait3A_627 = tpu.memref_slice %arg4[%dma_wait3A_625, %dma_wait3A_626] : memref<204800x512xf32, #tpu.memory_space<hbm>> -> memref<16x512xf32, #tpu.memory_space<hbm>>
    %dma_wait3A_628 = arith.constant 0 : i32
    %dma_wait3A_629 = arith.constant 0 : i32
    %dma_wait3A_630 = tpu.memref_slice %arg4[%dma_wait3A_628, %dma_wait3A_629] : memref<204800x512xf32, #tpu.memory_space<hbm>> -> memref<16x512xf32, #tpu.memory_space<hbm>>
    %dma_wait3A_631 = arith.constant 0 : i32
    %dma_wait3A_632 = arith.constant 0 : i32
    %dma_wait3A_633 = tpu.memref_slice %arg6[%dma_wait3A_620, %dma_wait3A_631, %dma_wait3A_632] : memref<8x16x512xf32, #tpu.memory_space<vmem>> -> memref<1x16x512xf32, #tpu.memory_space<vmem>>
    %dma_wait3A_634 = tpu.memref_squeeze %dma_wait3A_633 : memref<1x16x512xf32, #tpu.memory_space<vmem>> -> memref<16x512xf32, #tpu.memory_space<vmem>>
    tpu.wait_dma2 semaphore(%arg22 : memref<!tpu.dma_semaphore, #tpu.memory_space<semaphore_mem>>) src(%dma_wait3A_634 : memref<16x512xf32, #tpu.memory_space<vmem>>) dst(%dma_wait3A_630 : memref<16x512xf32, #tpu.memory_space<hbm>>)
    %dma_start3A_635 = arith.constant 7 : i32
    %dma_start3A_636 = arith.constant 0 : i32
    %dma_start3A_637 = arith.constant 0 : i32
    %dma_start3A_638 = tpu.memref_slice %arg6[%dma_start3A_635, %dma_start3A_636, %dma_start3A_637] : memref<8x16x512xf32, #tpu.memory_space<vmem>> -> memref<1x16x512xf32, #tpu.memory_space<vmem>>
    %dma_start3A_639 = tpu.memref_squeeze %dma_start3A_638 : memref<1x16x512xf32, #tpu.memory_space<vmem>> -> memref<16x512xf32, #tpu.memory_space<vmem>>
    %dma_start3A_640 = arith.constant 6384 : i32
    %dma_start3A_641 = tpu.memref_slice %arg5[%dma_start3A_640] : memref<6400xi32, #tpu.memory_space<vmem>> -> memref<16xi32, #tpu.memory_space<vmem>>
    %dma_start3A_642 = arith.constant 0 : i32
    %dma_start3A_643 = arith.constant 0 : i32
    %dma_start3A_644 = tpu.memref_slice %arg3[%dma_start3A_642, %dma_start3A_643] : memref<100000x512xf32, #tpu.memory_space<hbm>> -> memref<100000x512xf32, #tpu.memory_space<hbm>>
    tpu.enqueue_indirect_dma source(%dma_start3A_644 : memref<100000x512xf32, #tpu.memory_space<hbm>>) target(%dma_start3A_639 : memref<16x512xf32, #tpu.memory_space<vmem>>) offsets(%dma_start3A_641 : memref<16xi32, #tpu.memory_space<vmem>>) semaphore(%arg14 : memref<!tpu.dma_semaphore, #tpu.memory_space<semaphore_mem>>)
    %dma_wait3A_645 = arith.constant 4 : i32
    %dma_wait3A_646 = arith.constant 0 : i32
    %dma_wait3A_647 = arith.constant 0 : i32
    %dma_wait3A_648 = tpu.memref_slice %arg6[%dma_wait3A_645, %dma_wait3A_646, %dma_wait3A_647] : memref<8x16x512xf32, #tpu.memory_space<vmem>> -> memref<1x16x512xf32, #tpu.memory_space<vmem>>
    %dma_wait3A_649 = tpu.memref_squeeze %dma_wait3A_648 : memref<1x16x512xf32, #tpu.memory_space<vmem>> -> memref<16x512xf32, #tpu.memory_space<vmem>>
    %dma_wait3A_650 = arith.constant 0 : i32
    %dma_wait3A_651 = arith.constant 0 : i32
    %dma_wait3A_652 = tpu.memref_slice %arg3[%dma_wait3A_650, %dma_wait3A_651] : memref<100000x512xf32, #tpu.memory_space<hbm>> -> memref<16x512xf32, #tpu.memory_space<hbm>>
    %dma_wait3A_653 = arith.constant 0 : i32
    %dma_wait3A_654 = arith.constant 0 : i32
    %dma_wait3A_655 = tpu.memref_slice %arg6[%dma_wait3A_645, %dma_wait3A_653, %dma_wait3A_654] : memref<8x16x512xf32, #tpu.memory_space<vmem>> -> memref<1x16x512xf32, #tpu.memory_space<vmem>>
    %dma_wait3A_656 = tpu.memref_squeeze %dma_wait3A_655 : memref<1x16x512xf32, #tpu.memory_space<vmem>> -> memref<16x512xf32, #tpu.memory_space<vmem>>
    %dma_wait3A_657 = arith.constant 0 : i32
    %dma_wait3A_658 = arith.constant 0 : i32
    %dma_wait3A_659 = tpu.memref_slice %arg3[%dma_wait3A_657, %dma_wait3A_658] : memref<100000x512xf32, #tpu.memory_space<hbm>> -> memref<16x512xf32, #tpu.memory_space<hbm>>
    tpu.wait_dma2 semaphore(%arg11 : memref<!tpu.dma_semaphore, #tpu.memory_space<semaphore_mem>>) src(%dma_wait3A_659 : memref<16x512xf32, #tpu.memory_space<hbm>>) dst(%dma_wait3A_656 : memref<16x512xf32, #tpu.memory_space<vmem>>)
    %add3A_660 = arith.constant 6336 : i32
    %add3A_661 = arith.addi %mul3A_2, %add3A_660 : i32
    %dma_start3A_662 = arith.constant 4 : i32
    %dma_start3A_663 = arith.constant 0 : i32
    %dma_start3A_664 = arith.constant 0 : i32
    %dma_start3A_665 = tpu.memref_slice %arg6[%dma_start3A_662, %dma_start3A_663, %dma_start3A_664] : memref<8x16x512xf32, #tpu.memory_space<vmem>> -> memref<1x16x512xf32, #tpu.memory_space<vmem>>
    %dma_start3A_666 = tpu.memref_squeeze %dma_start3A_665 : memref<1x16x512xf32, #tpu.memory_space<vmem>> -> memref<16x512xf32, #tpu.memory_space<vmem>>
    %dma_start3A_667 = arith.constant 0 : i32
    %dma_start3A_668 = tpu.memref_slice %arg4[%add3A_661, %dma_start3A_667] : memref<204800x512xf32, #tpu.memory_space<hbm>> -> memref<16x512xf32, #tpu.memory_space<hbm>>
    %dma_start3A_669 = arith.constant 0 : i32
    %dma_start3A_670 = tpu.memref_slice %arg4[%add3A_661, %dma_start3A_669] : memref<204800x512xf32, #tpu.memory_space<hbm>> -> memref<16x512xf32, #tpu.memory_space<hbm>>
    %dma_start3A_671 = arith.constant 0 : i32
    %dma_start3A_672 = arith.constant 0 : i32
    %dma_start3A_673 = tpu.memref_slice %arg6[%dma_start3A_662, %dma_start3A_671, %dma_start3A_672] : memref<8x16x512xf32, #tpu.memory_space<vmem>> -> memref<1x16x512xf32, #tpu.memory_space<vmem>>
    %dma_start3A_674 = tpu.memref_squeeze %dma_start3A_673 : memref<1x16x512xf32, #tpu.memory_space<vmem>> -> memref<16x512xf32, #tpu.memory_space<vmem>>
    tpu.enqueue_dma source(%dma_start3A_674 : memref<16x512xf32, #tpu.memory_space<vmem>>) target(%dma_start3A_670 : memref<16x512xf32, #tpu.memory_space<hbm>>) target_semaphore(%arg19 : memref<!tpu.dma_semaphore, #tpu.memory_space<semaphore_mem>>)
    %dma_wait3A_675 = arith.constant 5 : i32
    %dma_wait3A_676 = arith.constant 0 : i32
    %dma_wait3A_677 = arith.constant 0 : i32
    %dma_wait3A_678 = tpu.memref_slice %arg6[%dma_wait3A_675, %dma_wait3A_676, %dma_wait3A_677] : memref<8x16x512xf32, #tpu.memory_space<vmem>> -> memref<1x16x512xf32, #tpu.memory_space<vmem>>
    %dma_wait3A_679 = tpu.memref_squeeze %dma_wait3A_678 : memref<1x16x512xf32, #tpu.memory_space<vmem>> -> memref<16x512xf32, #tpu.memory_space<vmem>>
    %dma_wait3A_680 = arith.constant 0 : i32
    %dma_wait3A_681 = arith.constant 0 : i32
    %dma_wait3A_682 = tpu.memref_slice %arg3[%dma_wait3A_680, %dma_wait3A_681] : memref<100000x512xf32, #tpu.memory_space<hbm>> -> memref<16x512xf32, #tpu.memory_space<hbm>>
    %dma_wait3A_683 = arith.constant 0 : i32
    %dma_wait3A_684 = arith.constant 0 : i32
    %dma_wait3A_685 = tpu.memref_slice %arg6[%dma_wait3A_675, %dma_wait3A_683, %dma_wait3A_684] : memref<8x16x512xf32, #tpu.memory_space<vmem>> -> memref<1x16x512xf32, #tpu.memory_space<vmem>>
    %dma_wait3A_686 = tpu.memref_squeeze %dma_wait3A_685 : memref<1x16x512xf32, #tpu.memory_space<vmem>> -> memref<16x512xf32, #tpu.memory_space<vmem>>
    %dma_wait3A_687 = arith.constant 0 : i32
    %dma_wait3A_688 = arith.constant 0 : i32
    %dma_wait3A_689 = tpu.memref_slice %arg3[%dma_wait3A_687, %dma_wait3A_688] : memref<100000x512xf32, #tpu.memory_space<hbm>> -> memref<16x512xf32, #tpu.memory_space<hbm>>
    tpu.wait_dma2 semaphore(%arg12 : memref<!tpu.dma_semaphore, #tpu.memory_space<semaphore_mem>>) src(%dma_wait3A_689 : memref<16x512xf32, #tpu.memory_space<hbm>>) dst(%dma_wait3A_686 : memref<16x512xf32, #tpu.memory_space<vmem>>)
    %add3A_690 = arith.constant 6352 : i32
    %add3A_691 = arith.addi %mul3A_2, %add3A_690 : i32
    %dma_start3A_692 = arith.constant 5 : i32
    %dma_start3A_693 = arith.constant 0 : i32
    %dma_start3A_694 = arith.constant 0 : i32
    %dma_start3A_695 = tpu.memref_slice %arg6[%dma_start3A_692, %dma_start3A_693, %dma_start3A_694] : memref<8x16x512xf32, #tpu.memory_space<vmem>> -> memref<1x16x512xf32, #tpu.memory_space<vmem>>
    %dma_start3A_696 = tpu.memref_squeeze %dma_start3A_695 : memref<1x16x512xf32, #tpu.memory_space<vmem>> -> memref<16x512xf32, #tpu.memory_space<vmem>>
    %dma_start3A_697 = arith.constant 0 : i32
    %dma_start3A_698 = tpu.memref_slice %arg4[%add3A_691, %dma_start3A_697] : memref<204800x512xf32, #tpu.memory_space<hbm>> -> memref<16x512xf32, #tpu.memory_space<hbm>>
    %dma_start3A_699 = arith.constant 0 : i32
    %dma_start3A_700 = tpu.memref_slice %arg4[%add3A_691, %dma_start3A_699] : memref<204800x512xf32, #tpu.memory_space<hbm>> -> memref<16x512xf32, #tpu.memory_space<hbm>>
    %dma_start3A_701 = arith.constant 0 : i32
    %dma_start3A_702 = arith.constant 0 : i32
    %dma_start3A_703 = tpu.memref_slice %arg6[%dma_start3A_692, %dma_start3A_701, %dma_start3A_702] : memref<8x16x512xf32, #tpu.memory_space<vmem>> -> memref<1x16x512xf32, #tpu.memory_space<vmem>>
    %dma_start3A_704 = tpu.memref_squeeze %dma_start3A_703 : memref<1x16x512xf32, #tpu.memory_space<vmem>> -> memref<16x512xf32, #tpu.memory_space<vmem>>
    tpu.enqueue_dma source(%dma_start3A_704 : memref<16x512xf32, #tpu.memory_space<vmem>>) target(%dma_start3A_700 : memref<16x512xf32, #tpu.memory_space<hbm>>) target_semaphore(%arg20 : memref<!tpu.dma_semaphore, #tpu.memory_space<semaphore_mem>>)
    %dma_wait3A_705 = arith.constant 6 : i32
    %dma_wait3A_706 = arith.constant 0 : i32
    %dma_wait3A_707 = arith.constant 0 : i32
    %dma_wait3A_708 = tpu.memref_slice %arg6[%dma_wait3A_705, %dma_wait3A_706, %dma_wait3A_707] : memref<8x16x512xf32, #tpu.memory_space<vmem>> -> memref<1x16x512xf32, #tpu.memory_space<vmem>>
    %dma_wait3A_709 = tpu.memref_squeeze %dma_wait3A_708 : memref<1x16x512xf32, #tpu.memory_space<vmem>> -> memref<16x512xf32, #tpu.memory_space<vmem>>
    %dma_wait3A_710 = arith.constant 0 : i32
    %dma_wait3A_711 = arith.constant 0 : i32
    %dma_wait3A_712 = tpu.memref_slice %arg3[%dma_wait3A_710, %dma_wait3A_711] : memref<100000x512xf32, #tpu.memory_space<hbm>> -> memref<16x512xf32, #tpu.memory_space<hbm>>
    %dma_wait3A_713 = arith.constant 0 : i32
    %dma_wait3A_714 = arith.constant 0 : i32
    %dma_wait3A_715 = tpu.memref_slice %arg6[%dma_wait3A_705, %dma_wait3A_713, %dma_wait3A_714] : memref<8x16x512xf32, #tpu.memory_space<vmem>> -> memref<1x16x512xf32, #tpu.memory_space<vmem>>
    %dma_wait3A_716 = tpu.memref_squeeze %dma_wait3A_715 : memref<1x16x512xf32, #tpu.memory_space<vmem>> -> memref<16x512xf32, #tpu.memory_space<vmem>>
    %dma_wait3A_717 = arith.constant 0 : i32
    %dma_wait3A_718 = arith.constant 0 : i32
    %dma_wait3A_719 = tpu.memref_slice %arg3[%dma_wait3A_717, %dma_wait3A_718] : memref<100000x512xf32, #tpu.memory_space<hbm>> -> memref<16x512xf32, #tpu.memory_space<hbm>>
    tpu.wait_dma2 semaphore(%arg13 : memref<!tpu.dma_semaphore, #tpu.memory_space<semaphore_mem>>) src(%dma_wait3A_719 : memref<16x512xf32, #tpu.memory_space<hbm>>) dst(%dma_wait3A_716 : memref<16x512xf32, #tpu.memory_space<vmem>>)
    %add3A_720 = arith.constant 6368 : i32
    %add3A_721 = arith.addi %mul3A_2, %add3A_720 : i32
    %dma_start3A_722 = arith.constant 6 : i32
    %dma_start3A_723 = arith.constant 0 : i32
    %dma_start3A_724 = arith.constant 0 : i32
    %dma_start3A_725 = tpu.memref_slice %arg6[%dma_start3A_722, %dma_start3A_723, %dma_start3A_724] : memref<8x16x512xf32, #tpu.memory_space<vmem>> -> memref<1x16x512xf32, #tpu.memory_space<vmem>>
    %dma_start3A_726 = tpu.memref_squeeze %dma_start3A_725 : memref<1x16x512xf32, #tpu.memory_space<vmem>> -> memref<16x512xf32, #tpu.memory_space<vmem>>
    %dma_start3A_727 = arith.constant 0 : i32
    %dma_start3A_728 = tpu.memref_slice %arg4[%add3A_721, %dma_start3A_727] : memref<204800x512xf32, #tpu.memory_space<hbm>> -> memref<16x512xf32, #tpu.memory_space<hbm>>
    %dma_start3A_729 = arith.constant 0 : i32
    %dma_start3A_730 = tpu.memref_slice %arg4[%add3A_721, %dma_start3A_729] : memref<204800x512xf32, #tpu.memory_space<hbm>> -> memref<16x512xf32, #tpu.memory_space<hbm>>
    %dma_start3A_731 = arith.constant 0 : i32
    %dma_start3A_732 = arith.constant 0 : i32
    %dma_start3A_733 = tpu.memref_slice %arg6[%dma_start3A_722, %dma_start3A_731, %dma_start3A_732] : memref<8x16x512xf32, #tpu.memory_space<vmem>> -> memref<1x16x512xf32, #tpu.memory_space<vmem>>
    %dma_start3A_734 = tpu.memref_squeeze %dma_start3A_733 : memref<1x16x512xf32, #tpu.memory_space<vmem>> -> memref<16x512xf32, #tpu.memory_space<vmem>>
    tpu.enqueue_dma source(%dma_start3A_734 : memref<16x512xf32, #tpu.memory_space<vmem>>) target(%dma_start3A_730 : memref<16x512xf32, #tpu.memory_space<hbm>>) target_semaphore(%arg21 : memref<!tpu.dma_semaphore, #tpu.memory_space<semaphore_mem>>)
    %dma_wait3A_735 = arith.constant 7 : i32
    %dma_wait3A_736 = arith.constant 0 : i32
    %dma_wait3A_737 = arith.constant 0 : i32
    %dma_wait3A_738 = tpu.memref_slice %arg6[%dma_wait3A_735, %dma_wait3A_736, %dma_wait3A_737] : memref<8x16x512xf32, #tpu.memory_space<vmem>> -> memref<1x16x512xf32, #tpu.memory_space<vmem>>
    %dma_wait3A_739 = tpu.memref_squeeze %dma_wait3A_738 : memref<1x16x512xf32, #tpu.memory_space<vmem>> -> memref<16x512xf32, #tpu.memory_space<vmem>>
    %dma_wait3A_740 = arith.constant 0 : i32
    %dma_wait3A_741 = arith.constant 0 : i32
    %dma_wait3A_742 = tpu.memref_slice %arg3[%dma_wait3A_740, %dma_wait3A_741] : memref<100000x512xf32, #tpu.memory_space<hbm>> -> memref<16x512xf32, #tpu.memory_space<hbm>>
    %dma_wait3A_743 = arith.constant 0 : i32
    %dma_wait3A_744 = arith.constant 0 : i32
    %dma_wait3A_745 = tpu.memref_slice %arg6[%dma_wait3A_735, %dma_wait3A_743, %dma_wait3A_744] : memref<8x16x512xf32, #tpu.memory_space<vmem>> -> memref<1x16x512xf32, #tpu.memory_space<vmem>>
    %dma_wait3A_746 = tpu.memref_squeeze %dma_wait3A_745 : memref<1x16x512xf32, #tpu.memory_space<vmem>> -> memref<16x512xf32, #tpu.memory_space<vmem>>
    %dma_wait3A_747 = arith.constant 0 : i32
    %dma_wait3A_748 = arith.constant 0 : i32
    %dma_wait3A_749 = tpu.memref_slice %arg3[%dma_wait3A_747, %dma_wait3A_748] : memref<100000x512xf32, #tpu.memory_space<hbm>> -> memref<16x512xf32, #tpu.memory_space<hbm>>
    tpu.wait_dma2 semaphore(%arg14 : memref<!tpu.dma_semaphore, #tpu.memory_space<semaphore_mem>>) src(%dma_wait3A_749 : memref<16x512xf32, #tpu.memory_space<hbm>>) dst(%dma_wait3A_746 : memref<16x512xf32, #tpu.memory_space<vmem>>)
    %add3A_750 = arith.constant 6384 : i32
    %add3A_751 = arith.addi %mul3A_2, %add3A_750 : i32
    %dma_start3A_752 = arith.constant 7 : i32
    %dma_start3A_753 = arith.constant 0 : i32
    %dma_start3A_754 = arith.constant 0 : i32
    %dma_start3A_755 = tpu.memref_slice %arg6[%dma_start3A_752, %dma_start3A_753, %dma_start3A_754] : memref<8x16x512xf32, #tpu.memory_space<vmem>> -> memref<1x16x512xf32, #tpu.memory_space<vmem>>
    %dma_start3A_756 = tpu.memref_squeeze %dma_start3A_755 : memref<1x16x512xf32, #tpu.memory_space<vmem>> -> memref<16x512xf32, #tpu.memory_space<vmem>>
    %dma_start3A_757 = arith.constant 0 : i32
    %dma_start3A_758 = tpu.memref_slice %arg4[%add3A_751, %dma_start3A_757] : memref<204800x512xf32, #tpu.memory_space<hbm>> -> memref<16x512xf32, #tpu.memory_space<hbm>>
    %dma_start3A_759 = arith.constant 0 : i32
    %dma_start3A_760 = tpu.memref_slice %arg4[%add3A_751, %dma_start3A_759] : memref<204800x512xf32, #tpu.memory_space<hbm>> -> memref<16x512xf32, #tpu.memory_space<hbm>>
    %dma_start3A_761 = arith.constant 0 : i32
    %dma_start3A_762 = arith.constant 0 : i32
    %dma_start3A_763 = tpu.memref_slice %arg6[%dma_start3A_752, %dma_start3A_761, %dma_start3A_762] : memref<8x16x512xf32, #tpu.memory_space<vmem>> -> memref<1x16x512xf32, #tpu.memory_space<vmem>>
    %dma_start3A_764 = tpu.memref_squeeze %dma_start3A_763 : memref<1x16x512xf32, #tpu.memory_space<vmem>> -> memref<16x512xf32, #tpu.memory_space<vmem>>
    tpu.enqueue_dma source(%dma_start3A_764 : memref<16x512xf32, #tpu.memory_space<vmem>>) target(%dma_start3A_760 : memref<16x512xf32, #tpu.memory_space<hbm>>) target_semaphore(%arg22 : memref<!tpu.dma_semaphore, #tpu.memory_space<semaphore_mem>>)
    %dma_wait3A_765 = arith.constant 0 : i32
    %dma_wait3A_766 = arith.constant 0 : i32
    %dma_wait3A_767 = arith.constant 0 : i32
    %dma_wait3A_768 = tpu.memref_slice %arg6[%dma_wait3A_765, %dma_wait3A_766, %dma_wait3A_767] : memref<8x16x512xf32, #tpu.memory_space<vmem>> -> memref<1x16x512xf32, #tpu.memory_space<vmem>>
    %dma_wait3A_769 = tpu.memref_squeeze %dma_wait3A_768 : memref<1x16x512xf32, #tpu.memory_space<vmem>> -> memref<16x512xf32, #tpu.memory_space<vmem>>
    %dma_wait3A_770 = arith.constant 0 : i32
    %dma_wait3A_771 = arith.constant 0 : i32
    %dma_wait3A_772 = tpu.memref_slice %arg4[%dma_wait3A_770, %dma_wait3A_771] : memref<204800x512xf32, #tpu.memory_space<hbm>> -> memref<16x512xf32, #tpu.memory_space<hbm>>
    %dma_wait3A_773 = arith.constant 0 : i32
    %dma_wait3A_774 = arith.constant 0 : i32
    %dma_wait3A_775 = tpu.memref_slice %arg4[%dma_wait3A_773, %dma_wait3A_774] : memref<204800x512xf32, #tpu.memory_space<hbm>> -> memref<16x512xf32, #tpu.memory_space<hbm>>
    %dma_wait3A_776 = arith.constant 0 : i32
    %dma_wait3A_777 = arith.constant 0 : i32
    %dma_wait3A_778 = tpu.memref_slice %arg6[%dma_wait3A_765, %dma_wait3A_776, %dma_wait3A_777] : memref<8x16x512xf32, #tpu.memory_space<vmem>> -> memref<1x16x512xf32, #tpu.memory_space<vmem>>
    %dma_wait3A_779 = tpu.memref_squeeze %dma_wait3A_778 : memref<1x16x512xf32, #tpu.memory_space<vmem>> -> memref<16x512xf32, #tpu.memory_space<vmem>>
    tpu.wait_dma2 semaphore(%arg15 : memref<!tpu.dma_semaphore, #tpu.memory_space<semaphore_mem>>) src(%dma_wait3A_779 : memref<16x512xf32, #tpu.memory_space<vmem>>) dst(%dma_wait3A_775 : memref<16x512xf32, #tpu.memory_space<hbm>>)
    %dma_wait3A_780 = arith.constant 1 : i32
    %dma_wait3A_781 = arith.constant 0 : i32
    %dma_wait3A_782 = arith.constant 0 : i32
    %dma_wait3A_783 = tpu.memref_slice %arg6[%dma_wait3A_780, %dma_wait3A_781, %dma_wait3A_782] : memref<8x16x512xf32, #tpu.memory_space<vmem>> -> memref<1x16x512xf32, #tpu.memory_space<vmem>>
    %dma_wait3A_784 = tpu.memref_squeeze %dma_wait3A_783 : memref<1x16x512xf32, #tpu.memory_space<vmem>> -> memref<16x512xf32, #tpu.memory_space<vmem>>
    %dma_wait3A_785 = arith.constant 0 : i32
    %dma_wait3A_786 = arith.constant 0 : i32
    %dma_wait3A_787 = tpu.memref_slice %arg4[%dma_wait3A_785, %dma_wait3A_786] : memref<204800x512xf32, #tpu.memory_space<hbm>> -> memref<16x512xf32, #tpu.memory_space<hbm>>
    %dma_wait3A_788 = arith.constant 0 : i32
    %dma_wait3A_789 = arith.constant 0 : i32
    %dma_wait3A_790 = tpu.memref_slice %arg4[%dma_wait3A_788, %dma_wait3A_789] : memref<204800x512xf32, #tpu.memory_space<hbm>> -> memref<16x512xf32, #tpu.memory_space<hbm>>
    %dma_wait3A_791 = arith.constant 0 : i32
    %dma_wait3A_792 = arith.constant 0 : i32
    %dma_wait3A_793 = tpu.memref_slice %arg6[%dma_wait3A_780, %dma_wait3A_791, %dma_wait3A_792] : memref<8x16x512xf32, #tpu.memory_space<vmem>> -> memref<1x16x512xf32, #tpu.memory_space<vmem>>
    %dma_wait3A_794 = tpu.memref_squeeze %dma_wait3A_793 : memref<1x16x512xf32, #tpu.memory_space<vmem>> -> memref<16x512xf32, #tpu.memory_space<vmem>>
    tpu.wait_dma2 semaphore(%arg16 : memref<!tpu.dma_semaphore, #tpu.memory_space<semaphore_mem>>) src(%dma_wait3A_794 : memref<16x512xf32, #tpu.memory_space<vmem>>) dst(%dma_wait3A_790 : memref<16x512xf32, #tpu.memory_space<hbm>>)
    %dma_wait3A_795 = arith.constant 2 : i32
    %dma_wait3A_796 = arith.constant 0 : i32
    %dma_wait3A_797 = arith.constant 0 : i32
    %dma_wait3A_798 = tpu.memref_slice %arg6[%dma_wait3A_795, %dma_wait3A_796, %dma_wait3A_797] : memref<8x16x512xf32, #tpu.memory_space<vmem>> -> memref<1x16x512xf32, #tpu.memory_space<vmem>>
    %dma_wait3A_799 = tpu.memref_squeeze %dma_wait3A_798 : memref<1x16x512xf32, #tpu.memory_space<vmem>> -> memref<16x512xf32, #tpu.memory_space<vmem>>
    %dma_wait3A_800 = arith.constant 0 : i32
    %dma_wait3A_801 = arith.constant 0 : i32
    %dma_wait3A_802 = tpu.memref_slice %arg4[%dma_wait3A_800, %dma_wait3A_801] : memref<204800x512xf32, #tpu.memory_space<hbm>> -> memref<16x512xf32, #tpu.memory_space<hbm>>
    %dma_wait3A_803 = arith.constant 0 : i32
    %dma_wait3A_804 = arith.constant 0 : i32
    %dma_wait3A_805 = tpu.memref_slice %arg4[%dma_wait3A_803, %dma_wait3A_804] : memref<204800x512xf32, #tpu.memory_space<hbm>> -> memref<16x512xf32, #tpu.memory_space<hbm>>
    %dma_wait3A_806 = arith.constant 0 : i32
    %dma_wait3A_807 = arith.constant 0 : i32
    %dma_wait3A_808 = tpu.memref_slice %arg6[%dma_wait3A_795, %dma_wait3A_806, %dma_wait3A_807] : memref<8x16x512xf32, #tpu.memory_space<vmem>> -> memref<1x16x512xf32, #tpu.memory_space<vmem>>
    %dma_wait3A_809 = tpu.memref_squeeze %dma_wait3A_808 : memref<1x16x512xf32, #tpu.memory_space<vmem>> -> memref<16x512xf32, #tpu.memory_space<vmem>>
    tpu.wait_dma2 semaphore(%arg17 : memref<!tpu.dma_semaphore, #tpu.memory_space<semaphore_mem>>) src(%dma_wait3A_809 : memref<16x512xf32, #tpu.memory_space<vmem>>) dst(%dma_wait3A_805 : memref<16x512xf32, #tpu.memory_space<hbm>>)
    %dma_wait3A_810 = arith.constant 3 : i32
    %dma_wait3A_811 = arith.constant 0 : i32
    %dma_wait3A_812 = arith.constant 0 : i32
    %dma_wait3A_813 = tpu.memref_slice %arg6[%dma_wait3A_810, %dma_wait3A_811, %dma_wait3A_812] : memref<8x16x512xf32, #tpu.memory_space<vmem>> -> memref<1x16x512xf32, #tpu.memory_space<vmem>>
    %dma_wait3A_814 = tpu.memref_squeeze %dma_wait3A_813 : memref<1x16x512xf32, #tpu.memory_space<vmem>> -> memref<16x512xf32, #tpu.memory_space<vmem>>
    %dma_wait3A_815 = arith.constant 0 : i32
    %dma_wait3A_816 = arith.constant 0 : i32
    %dma_wait3A_817 = tpu.memref_slice %arg4[%dma_wait3A_815, %dma_wait3A_816] : memref<204800x512xf32, #tpu.memory_space<hbm>> -> memref<16x512xf32, #tpu.memory_space<hbm>>
    %dma_wait3A_818 = arith.constant 0 : i32
    %dma_wait3A_819 = arith.constant 0 : i32
    %dma_wait3A_820 = tpu.memref_slice %arg4[%dma_wait3A_818, %dma_wait3A_819] : memref<204800x512xf32, #tpu.memory_space<hbm>> -> memref<16x512xf32, #tpu.memory_space<hbm>>
    %dma_wait3A_821 = arith.constant 0 : i32
    %dma_wait3A_822 = arith.constant 0 : i32
    %dma_wait3A_823 = tpu.memref_slice %arg6[%dma_wait3A_810, %dma_wait3A_821, %dma_wait3A_822] : memref<8x16x512xf32, #tpu.memory_space<vmem>> -> memref<1x16x512xf32, #tpu.memory_space<vmem>>
    %dma_wait3A_824 = tpu.memref_squeeze %dma_wait3A_823 : memref<1x16x512xf32, #tpu.memory_space<vmem>> -> memref<16x512xf32, #tpu.memory_space<vmem>>
    tpu.wait_dma2 semaphore(%arg18 : memref<!tpu.dma_semaphore, #tpu.memory_space<semaphore_mem>>) src(%dma_wait3A_824 : memref<16x512xf32, #tpu.memory_space<vmem>>) dst(%dma_wait3A_820 : memref<16x512xf32, #tpu.memory_space<hbm>>)
    %dma_wait3A_825 = arith.constant 4 : i32
    %dma_wait3A_826 = arith.constant 0 : i32
    %dma_wait3A_827 = arith.constant 0 : i32
    %dma_wait3A_828 = tpu.memref_slice %arg6[%dma_wait3A_825, %dma_wait3A_826, %dma_wait3A_827] : memref<8x16x512xf32, #tpu.memory_space<vmem>> -> memref<1x16x512xf32, #tpu.memory_space<vmem>>
    %dma_wait3A_829 = tpu.memref_squeeze %dma_wait3A_828 : memref<1x16x512xf32, #tpu.memory_space<vmem>> -> memref<16x512xf32, #tpu.memory_space<vmem>>
    %dma_wait3A_830 = arith.constant 0 : i32
    %dma_wait3A_831 = arith.constant 0 : i32
    %dma_wait3A_832 = tpu.memref_slice %arg4[%dma_wait3A_830, %dma_wait3A_831] : memref<204800x512xf32, #tpu.memory_space<hbm>> -> memref<16x512xf32, #tpu.memory_space<hbm>>
    %dma_wait3A_833 = arith.constant 0 : i32
    %dma_wait3A_834 = arith.constant 0 : i32
    %dma_wait3A_835 = tpu.memref_slice %arg4[%dma_wait3A_833, %dma_wait3A_834] : memref<204800x512xf32, #tpu.memory_space<hbm>> -> memref<16x512xf32, #tpu.memory_space<hbm>>
    %dma_wait3A_836 = arith.constant 0 : i32
    %dma_wait3A_837 = arith.constant 0 : i32
    %dma_wait3A_838 = tpu.memref_slice %arg6[%dma_wait3A_825, %dma_wait3A_836, %dma_wait3A_837] : memref<8x16x512xf32, #tpu.memory_space<vmem>> -> memref<1x16x512xf32, #tpu.memory_space<vmem>>
    %dma_wait3A_839 = tpu.memref_squeeze %dma_wait3A_838 : memref<1x16x512xf32, #tpu.memory_space<vmem>> -> memref<16x512xf32, #tpu.memory_space<vmem>>
    tpu.wait_dma2 semaphore(%arg19 : memref<!tpu.dma_semaphore, #tpu.memory_space<semaphore_mem>>) src(%dma_wait3A_839 : memref<16x512xf32, #tpu.memory_space<vmem>>) dst(%dma_wait3A_835 : memref<16x512xf32, #tpu.memory_space<hbm>>)
    %dma_wait3A_840 = arith.constant 5 : i32
    %dma_wait3A_841 = arith.constant 0 : i32
    %dma_wait3A_842 = arith.constant 0 : i32
    %dma_wait3A_843 = tpu.memref_slice %arg6[%dma_wait3A_840, %dma_wait3A_841, %dma_wait3A_842] : memref<8x16x512xf32, #tpu.memory_space<vmem>> -> memref<1x16x512xf32, #tpu.memory_space<vmem>>
    %dma_wait3A_844 = tpu.memref_squeeze %dma_wait3A_843 : memref<1x16x512xf32, #tpu.memory_space<vmem>> -> memref<16x512xf32, #tpu.memory_space<vmem>>
    %dma_wait3A_845 = arith.constant 0 : i32
    %dma_wait3A_846 = arith.constant 0 : i32
    %dma_wait3A_847 = tpu.memref_slice %arg4[%dma_wait3A_845, %dma_wait3A_846] : memref<204800x512xf32, #tpu.memory_space<hbm>> -> memref<16x512xf32, #tpu.memory_space<hbm>>
    %dma_wait3A_848 = arith.constant 0 : i32
    %dma_wait3A_849 = arith.constant 0 : i32
    %dma_wait3A_850 = tpu.memref_slice %arg4[%dma_wait3A_848, %dma_wait3A_849] : memref<204800x512xf32, #tpu.memory_space<hbm>> -> memref<16x512xf32, #tpu.memory_space<hbm>>
    %dma_wait3A_851 = arith.constant 0 : i32
    %dma_wait3A_852 = arith.constant 0 : i32
    %dma_wait3A_853 = tpu.memref_slice %arg6[%dma_wait3A_840, %dma_wait3A_851, %dma_wait3A_852] : memref<8x16x512xf32, #tpu.memory_space<vmem>> -> memref<1x16x512xf32, #tpu.memory_space<vmem>>
    %dma_wait3A_854 = tpu.memref_squeeze %dma_wait3A_853 : memref<1x16x512xf32, #tpu.memory_space<vmem>> -> memref<16x512xf32, #tpu.memory_space<vmem>>
    tpu.wait_dma2 semaphore(%arg20 : memref<!tpu.dma_semaphore, #tpu.memory_space<semaphore_mem>>) src(%dma_wait3A_854 : memref<16x512xf32, #tpu.memory_space<vmem>>) dst(%dma_wait3A_850 : memref<16x512xf32, #tpu.memory_space<hbm>>)
    %dma_wait3A_855 = arith.constant 6 : i32
    %dma_wait3A_856 = arith.constant 0 : i32
    %dma_wait3A_857 = arith.constant 0 : i32
    %dma_wait3A_858 = tpu.memref_slice %arg6[%dma_wait3A_855, %dma_wait3A_856, %dma_wait3A_857] : memref<8x16x512xf32, #tpu.memory_space<vmem>> -> memref<1x16x512xf32, #tpu.memory_space<vmem>>
    %dma_wait3A_859 = tpu.memref_squeeze %dma_wait3A_858 : memref<1x16x512xf32, #tpu.memory_space<vmem>> -> memref<16x512xf32, #tpu.memory_space<vmem>>
    %dma_wait3A_860 = arith.constant 0 : i32
    %dma_wait3A_861 = arith.constant 0 : i32
    %dma_wait3A_862 = tpu.memref_slice %arg4[%dma_wait3A_860, %dma_wait3A_861] : memref<204800x512xf32, #tpu.memory_space<hbm>> -> memref<16x512xf32, #tpu.memory_space<hbm>>
    %dma_wait3A_863 = arith.constant 0 : i32
    %dma_wait3A_864 = arith.constant 0 : i32
    %dma_wait3A_865 = tpu.memref_slice %arg4[%dma_wait3A_863, %dma_wait3A_864] : memref<204800x512xf32, #tpu.memory_space<hbm>> -> memref<16x512xf32, #tpu.memory_space<hbm>>
    %dma_wait3A_866 = arith.constant 0 : i32
    %dma_wait3A_867 = arith.constant 0 : i32
    %dma_wait3A_868 = tpu.memref_slice %arg6[%dma_wait3A_855, %dma_wait3A_866, %dma_wait3A_867] : memref<8x16x512xf32, #tpu.memory_space<vmem>> -> memref<1x16x512xf32, #tpu.memory_space<vmem>>
    %dma_wait3A_869 = tpu.memref_squeeze %dma_wait3A_868 : memref<1x16x512xf32, #tpu.memory_space<vmem>> -> memref<16x512xf32, #tpu.memory_space<vmem>>
    tpu.wait_dma2 semaphore(%arg21 : memref<!tpu.dma_semaphore, #tpu.memory_space<semaphore_mem>>) src(%dma_wait3A_869 : memref<16x512xf32, #tpu.memory_space<vmem>>) dst(%dma_wait3A_865 : memref<16x512xf32, #tpu.memory_space<hbm>>)
    %dma_wait3A_870 = arith.constant 7 : i32
    %dma_wait3A_871 = arith.constant 0 : i32
    %dma_wait3A_872 = arith.constant 0 : i32
    %dma_wait3A_873 = tpu.memref_slice %arg6[%dma_wait3A_870, %dma_wait3A_871, %dma_wait3A_872] : memref<8x16x512xf32, #tpu.memory_space<vmem>> -> memref<1x16x512xf32, #tpu.memory_space<vmem>>
    %dma_wait3A_874 = tpu.memref_squeeze %dma_wait3A_873 : memref<1x16x512xf32, #tpu.memory_space<vmem>> -> memref<16x512xf32, #tpu.memory_space<vmem>>
    %dma_wait3A_875 = arith.constant 0 : i32
    %dma_wait3A_876 = arith.constant 0 : i32
    %dma_wait3A_877 = tpu.memref_slice %arg4[%dma_wait3A_875, %dma_wait3A_876] : memref<204800x512xf32, #tpu.memory_space<hbm>> -> memref<16x512xf32, #tpu.memory_space<hbm>>
    %dma_wait3A_878 = arith.constant 0 : i32
    %dma_wait3A_879 = arith.constant 0 : i32
    %dma_wait3A_880 = tpu.memref_slice %arg4[%dma_wait3A_878, %dma_wait3A_879] : memref<204800x512xf32, #tpu.memory_space<hbm>> -> memref<16x512xf32, #tpu.memory_space<hbm>>
    %dma_wait3A_881 = arith.constant 0 : i32
    %dma_wait3A_882 = arith.constant 0 : i32
    %dma_wait3A_883 = tpu.memref_slice %arg6[%dma_wait3A_870, %dma_wait3A_881, %dma_wait3A_882] : memref<8x16x512xf32, #tpu.memory_space<vmem>> -> memref<1x16x512xf32, #tpu.memory_space<vmem>>
    %dma_wait3A_884 = tpu.memref_squeeze %dma_wait3A_883 : memref<1x16x512xf32, #tpu.memory_space<vmem>> -> memref<16x512xf32, #tpu.memory_space<vmem>>
    tpu.wait_dma2 semaphore(%arg22 : memref<!tpu.dma_semaphore, #tpu.memory_space<semaphore_mem>>) src(%dma_wait3A_884 : memref<16x512xf32, #tpu.memory_space<vmem>>) dst(%dma_wait3A_880 : memref<16x512xf32, #tpu.memory_space<hbm>>)
    return
  }
}

</mosaic_0001>

<sc_bundles>
// kernel: kernel.3.cloned.1.call-start
scs
__scs_entry_jumppad:
0x0: {  	(pc) =	sbr.rel $0x88, $3  }
0x1: {  	(tag) =	ssettag $0x0;
	lr =	simm.s32 $0x1  }
0x2: {  	[smem:$0x3F9F] =	sst lr;
	_ =	strace $0xD0000000  }
0x3: {  	_ = 	snop  }
0x4: {  	_ = 	snop  }
0x5: {  	_ = 	snop  }
0x6: {  	_ = 	snop  }
0x7: {  	_ = 	snop  }
__scs_overlays_trampoline_lowered:
0x8: {  	[smem:$0x3FAE] =	sst s0  }
0x9: {  	[smem:$0x3FAF] =	sst s1  }
0xa: {  	[smem:$0x3FB0] =	sst s2  }
0xb: {  	[smem:$0x3FB1] =	sst s3  }
0xc: {  	[smem:$0x3FB2] =	sst s4  }
0xd: {  	[smem:$0x3FB3] =	sst s5  }
0xe: {  	[smem:$0x3FB4] =	sst s6  }
0xf: {  	[smem:$0x3FB5] =	sst s7  }
0x10: {  	[smem:$0x3FB6] =	sst s8  }
0x11: {  	[smem:$0x3FB7] =	sst s9;
	s0 =	simm.s32 @!p0 $0x0  }
0x12: {  	s1 =	sld [smem:$0x3F9D];
	s0 =	simm.s32 @p0 $0x1  }
0x13: {  	[smem:$0x3FB8] =	sst s0;
	s0 =	simm.s32 @!p1 $0x0  }
0x14: {  	s2 =	sld [smem:$0x3F9C];
	s0 =	simm.s32 @p1 $0x1  }
0x15: {  	[smem:$0x3FB9] =	sst s0;
	s0 =	simm.s32 @!p2 $0x0  }
0x16: {  	s3 =	sld [smem:$0x3FDB];
	s0 =	simm.s32 @p2 $0x1  }
0x17: {  	s4 =	simm.s32 $0x1BF5;
	[smem:$0x3FBB] =	sst s0  }
0x18: {  	s0 =	sld [smem:$0x3F9E];
	_ =	swait.ge [sflag:s4], $0x0  }
0x19: {  	s7 =	sld [smem:$0x3F9F]  }
0x1a: {  	s8 =	sadd.s32 $0xFFFFE003, lr  }
0x1b: {  	s9 =	sadd.s32 $0xFFFFFEF7, lr;
	s5 =	simm.s32 $0xFFFFFFFF;
	p2 =	slt.u32 s8, $0xFFFFF086  }
0x1c: {  	p1 =	slt.u32 s9, $0xF7A;
	s5 =	simm.s32 @!p2 $0x0  }
0x1d: {  	s5 =	simm.s32 @p1 $0x1;
	p0 =	seq.s32 s7, s2  }
0x1e: {  	s7 =	smul.u32 @!p0 $0xF7A, s2;
	p2 =	seq.s32 @!p0 s5, $0x0  }
0x1f: {  	s9 =	smul.u32 $0xF7A, s1;
	s8 =	simm.s32 @!p0 $0x1BF5;
	p2 =	por !p2, p0  }
0x20: {  	[sflag:s8] =	ssyncset.s32 @!p0 $0xFFFFF086;
	s6 =	sadd.s32 @!p0 s3, s7;
	s7 =	simm.s32 @!p0 $0x108  }
0x21: {  	s3 =	sadd.s32 s3, s9;
	s6 =	sadd.s32 @!p0 $0x88, s6;
	s7 =	simm.s32 @p2 $0x1082  }
0x22: {  	[simem:s7], [sflag:s8] =	dma.local @!p0 [hbm:s6], $0xF7A  }
0x23: {  	s9 =	sor.u32 $0xD0000000, s2;
	s6 =	simm.s32 $0x108;
	_ =	swait.ge @!p0 [sflag:s8], $0x0  }
0x24: {  	s3 =	sadd.s32 $0x88, s3;
	s6 =	simm.s32 @!p1 $0x1082;
	[sflag:s4] =	ssyncset.s32 $0xFFFFF086  }
0x25: {  	[simem:s6], [sflag:s4] =	dma.local [hbm:s3], $0xF7A  }
0x26: {  	[smem:$0x3F9F] =	sst s1;
	(tag) =	ssettag s2;
	_ =	strace s9  }
0x27: {  	s1 =	sld [smem:$0x3FAF]  }
0x28: {  	s2 =	sld [smem:$0x3FB0]  }
0x29: {  	s4 =	sld [smem:$0x3FB2]  }
0x2a: {  	p0 =	seq.s32 s5, $0x0;
	s5 =	sld [smem:$0x3FB3]  }
0x2b: {  	s6 =	sld [smem:$0x3FB4]  }
0x2c: {  	s7 =	sld [smem:$0x3FB5]  }
0x2d: {  	s3 =	simm.s32 $0x108;
	s8 =	sld [smem:$0x3FB6]  }
0x2e: {  	s3 =	simm.s32 @!p0 $0x1082;
	s9 =	sld [smem:$0x3FB7]  }
0x2f: {  	lr =	sadd.s32 s0, s3;
	s0 =	sld [smem:$0x3FAE]  }
0x30: {  	s3 =	sld [smem:$0x3FB1]  }
0x31: {  	[smem:$0x3FBA] =	sst s10  }
0x32: {  	s10 =	sld [smem:$0x3FB8];
	_ =	sdelay $0x3  }
0x33: {  	p0 =	seq.s32 s10, $0x1;
	s10 =	sld [smem:$0x3FBA];
	_ =	sdelay $0x3  }
0x34: {  	[smem:$0x3FBA] =	sst s10  }
0x35: {  	s10 =	sld [smem:$0x3FB9];
	_ =	sdelay $0x3  }
0x36: {  	p1 =	seq.s32 s10, $0x1;
	s10 =	sld [smem:$0x3FBA];
	_ =	sdelay $0x3  }
0x37: {  	[smem:$0x3FBA] =	sst s10  }
0x38: {  	s10 =	sld [smem:$0x3FBB]  }
0x39: {  	_ = 	snop;
	(pc) =	sbr.ind lr, $3  }
0x3a: {  	_ = 	snop  }
0x3b: {  	_ = 	snop  }
0x3c: {  	p2 =	seq.s32 s10, $0x1;
	s10 =	sld [smem:$0x3FBA]  }
0x3d: {  	_ =	shalt  }
0x3e: {  	_ =	shalt  }
0x3f: {  	_ =	shalt  }
0x40: {  	_ =	shalt  }
0x41: {  	_ =	shalt  }
0x42: {  	_ =	shalt  }
0x43: {  	_ =	shalt  }
0x44: {  	_ =	shalt  }
0x45: {  	_ =	shalt  }
0x46: {  	_ =	shalt  }
0x47: {  	_ =	shalt  }
0x48: {  	_ =	shalt  }
0x49: {  	_ =	shalt  }
0x4a: {  	_ =	shalt  }
0x4b: {  	_ =	shalt  }
0x4c: {  	_ =	shalt  }
0x4d: {  	_ =	shalt  }
0x4e: {  	_ =	shalt  }
0x4f: {  	_ =	shalt  }
0x50: {  	_ =	shalt  }
0x51: {  	_ =	shalt  }
0x52: {  	_ =	shalt  }
0x53: {  	_ =	shalt  }
0x54: {  	_ =	shalt  }
0x55: {  	_ =	shalt  }
0x56: {  	_ =	shalt  }
0x57: {  	_ =	shalt  }
0x58: {  	_ =	shalt  }
0x59: {  	_ =	shalt  }
0x5a: {  	_ =	shalt  }
0x5b: {  	_ =	shalt  }
0x5c: {  	_ =	shalt  }
0x5d: {  	_ =	shalt  }
0x5e: {  	_ =	shalt  }
0x5f: {  	_ =	shalt  }
0x60: {  	_ =	shalt  }
0x61: {  	_ =	shalt  }
0x62: {  	_ =	shalt  }
0x63: {  	_ =	shalt  }
0x64: {  	_ =	shalt  }
0x65: {  	_ =	shalt  }
0x66: {  	_ =	shalt  }
0x67: {  	_ =	shalt  }
0x68: {  	_ =	shalt  }
0x69: {  	_ =	shalt  }
0x6a: {  	_ =	shalt  }
0x6b: {  	_ =	shalt  }
0x6c: {  	_ =	shalt  }
0x6d: {  	_ =	shalt  }
0x6e: {  	_ =	shalt  }
0x6f: {  	_ =	shalt  }
0x70: {  	_ =	shalt  }
0x71: {  	_ =	shalt  }
0x72: {  	_ =	shalt  }
0x73: {  	_ =	shalt  }
0x74: {  	_ =	shalt  }
0x75: {  	_ =	shalt  }
0x76: {  	_ =	shalt  }
0x77: {  	_ =	shalt  }
0x78: {  	_ =	shalt  }
0x79: {  	_ =	shalt  }
0x7a: {  	_ =	shalt  }
0x7b: {  	_ =	shalt  }
0x7c: {  	_ =	shalt  }
0x7d: {  	_ =	shalt  }
0x7e: {  	_ =	shalt  }
0x7f: {  	_ =	shalt  }
0x80: {  	_ =	shalt  }
0x81: {  	_ =	shalt  }
0x82: {  	_ =	shalt  }
0x83: {  	_ =	shalt  }
0x84: {  	_ =	shalt  }
0x85: {  	_ =	shalt  }
0x86: {  	_ =	shalt  }
0x87: {  	_ =	shalt  }
.Lfunc_end0:
.L_simem_size_0:
called_computation_lowered:
.L_overlay_start_0:
0x88: {  	s2 =	sld [smem:$0x3FD9]  }
0x89: {  	s3 =	sld [smem:$0x3FFE];
	_ =	sdelay $0x1  }
0x8a: {  	s1 =	srdreg.scid  }
0x8b: {  	s0 =	sand.u32 $0x1, s1  }
0x8c: {  	s17 =	sshll.u32 s0, $0xA;
	s2 =	sadd.s32 s3, s2  }
0x8d: {  	s2 =	sadd.s32 s2, s17  }
0x8e: {  	[smem:$0x3FC6] =	sst s2  }
0x8f: {  	_ = 	snop  }
0x90: {  	s2 =	sld [smem:$0x3FC8]  }
0x91: {  	s18 =	sld [smem:$0x3FD0];
	(tm) =	ssettm $0x1  }
0x92: {  	s4 =	sld [smem:$0x3FFB];
	_ =	sdelay $0x3  }
0x93: {  	_ =	strace s4  }
0x94: {  	s4 =	sld [smem:$0x3FFC];
	_ =	sdelay $0x3  }
0x95: {  	_ =	strace s4  }
0x96: {  	s4 =	sld [smem:$0x3FFD];
	_ =	sdelay $0x3  }
0x97: {  	_ =	strace s4  }
0x98: {  	_ =	strace $0x8FFFFFFF  }
0x99: {  	s19 =	sld [smem:$0x3FDB];
	_ =	sdelay $0x1  }
0x9a: {  	s5 =	simm.s32 $_scs_section_size  }
0x9b: {  	s6 =	simm.s32 $_size__tile_overlayer_lowered;
	s7 =	simm.s32 $_tile_overlayer_lowered  }
0x9c: {  	s22 =	simm.s32 $0x1BFF;
	s21 =	sshll.u32 s7, $0x1;
	s4 =	sadd.s32 s5, s19  }
0x9d: {  	s8 =	simm.s32 $0x0;
	s20 =	sshll.u32 s6, $0x1;
	s6 =	sadd.s32 s21, s4  }
0x9e: {  	[timem:s8], [sflag:s22] =	dma.local [hbm:s6], s20  }
0x9f: {  	_ =	swait.ge [sflag:s22], s20  }
0xa0: {  	s5 =	ssub.s32 $0x0, s20;
	[sflag:s22] =	ssyncset.done $0x0  }
0xa1: {  	[sflag:s22] =	ssyncadd.s32 s5;
	_ =	sdelay $0x1  }
0xa2: {  	s23 =	simm.s32 $0x1B8B  }
0xa3: {  	_ =	swait.ge [sflag:s23], $0x1  }
0xa4: {  	[sflag:s23] =	ssyncset.done $0x0  }
0xa5: {  	s25 =	simm.s32 $0x1B8E;
	s24 =	sld [smem:$0x3FFE];
	[sflag:s23] =	ssyncadd.s32 $0xFFFFFFFF  }
0xa6: {  	s26 =	simm.s32 $execute0_lowered;
	[smem:$0x3FD2] =	sst s25  }
0xa7: {  	s6 =	sshll.u32 s26, $0x1;
	_ =	strace $0x80000046;
	[dreg:$0x1] =	wrdreg $0xFFFFFFFF  }
0xa8: {  	s28 =	simm.s32 $_size_execute0_lowered;
	s4 =	sadd.s32 s4, s6;
	[dreg:$0x0] =	wrdreg $0x0  }
0xa9: {  	s6 =	sshll.u32 s28, $0x1;
	[dreg:$0x2] =	wrdreg s4  }
0xaa: {  	[dreg:$0x3] =	wrdreg s6  }
0xab: {  	[dreg:$0x4] =	wrdreg $0xC0  }
0xac: {  	_ =	task [dreg:s8], $0x5FFFF  }
0xad: {  	[dreg:$0x1] =	wrdreg $0xFFFFFFFF  }
0xae: {  	[dreg:$0x0] =	wrdreg $0x60  }
0xaf: {  	[dreg:$0x2] =	wrdreg s24  }
0xb0: {  	[dreg:$0x3] =	wrdreg s2  }
0xb1: {  	[dreg:$0x4] =	wrdreg s18  }
0xb2: {  	[dreg:$0x5] =	wrdreg $0x9  }
0xb3: {  	_ =	task.clear_ibuf [dreg:s8], $0x6FFFF;
	_ =	strace $0x90000046  }
0xb4: {  	s29 =	simm.s32 $0x9;
	_ =	strace $0x80000048  }
0xb5: {  	_ =	swait.ge [sflag:s29], $0x1  }
0xb6: {  	[sflag:s29] =	ssyncadd.s32 $0xFFFFFFFF  }
0xb7: {  	_ =	strace $0x90000048  }
0xb8: {  	_ =	sfence  }
0xb9: {  	s30 =	sld [smem:$0x0];
	_ =	sdelay $0x2  }
0xba: {  	s31 =	sshll.u32 s1, $0xD;
	s1 =	sshrl.u32 s1, $0x2  }
0xbb: {  	s3 =	sand.u32 $0x4000, s31;
	s1 =	sadd.s32 s1, s30  }
0xbc: {  	s0 =	sor.u32 s3, s0;
	s1 =	sshll.u32 s1, $0x11  }
0xbd: {  	s0 =	sor.u32 s1, s0  }
0xbe: {  	s0 =	sadd.s32 $0x8F2B, s0  }
0xbf: {  	[sflag:s0] =	ssyncadd.remote.s32 $0x1  }
0xc0: {  	_ =	sfence.sel $0xFFFF  }
0xc1: {  	[dreg:$0x0] =	wrdreg $0xFFFFFFFF;
	(pc) =	sbr.abs _section_cstart, $3  }
0xc2: {  	[dreg:$0x1] =	wrdreg $0xFFFFFFFF  }
0xc3: {  	_ =	task.clear_ibuf [dreg:s8], $0x2FFFF;
	_ =	strace $0x9FFFFFFF  }
0xc4: {  	(tm) =	ssettm $0x7FFFFFFF  }
0xc5: {  	_ =	shalt  }
tec
execute0_lowered:
.L_overlay_start_1:
0x0: {  	(tag) =	ssettag $0x1  }
0x1: {  	s0 =	rddreg [dreg:$0x0]  }
0x2: {  	s1 =	srdreg.scid;
	s2 =	rddreg [dreg:$0x1]  }
0x3: {  	s10 =	stileid.u32;
	s4 =	rddreg [dreg:$0x2]  }
0x4: {  	s29 =	simm.s32 $0x2900;
	s28 =	simm.s32 $0x6100;
	s14 =	smul.u32 $0x640000, s10  }
0x5: {  	s31 =	simm.s32 $0x6900;
	s1 =	sand.u32 $0x1, s1;
	s22 =	smul.u32 $0xC8000, s10  }
0x6: {  	s30 =	simm.s32 $0x4;
	s3 =	sshll.u32 s10, $0x1;
	s16 =	smul.u32 $0x320000, s1  }
0x7: {  	s6 =	sor.u32 s1, s3;
	s7 =	ssub.s32 $0x2, s1;
	s1 =	smul.u32 $0x64000, s1  }
0x8: {  	s10 =	simm.s32 $0x9;
	s3 =	simm.s32 $0x0;
	s5 =	smul.u32 $0x1900, s6  }
0x9: {  	[smem:$0x7FF] =	sst s3;
	s8 =	sshrl.u32 s7, $0x1;
	s9 =	smul.u32 $0x64000, s6  }
0xa: {  	s11 =	smul.u32 $0x320000, s6;
	_ =	strace $0x80000047;
	s7 =	ssub.s32 s7, s8  }
0xb: {  	s6 =	sadd.s32 s16, s14;
	s14 =	simm.s32 $0x4100;
	s9 =	sadd.s32 s4, s9  }
0xc: {  	s16 =	simm.s32 $0xB;
	s25 =	smax.u32 s7, $0x1;
	[dreg:$0x7] =	wrdreg s9  }
0xd: {  	s5 =	sshrl.u32 s5, $0x3;
	s26 =	sadd.s32 $0x400, s9;
	[dreg:$0x17] =	wrdreg s25  }
0xe: {  	s6 =	sor.u32 $0x10000, s6;
	s8 =	sadd.s32 $0x800, s9;
	[dreg:$0x8] =	wrdreg s26  }
0xf: {  	s7 =	simm.s32 $0x0;
	s12 =	sadd.s32 $0xC00, s9;
	[dreg:$0x9] =	wrdreg s8  }
0x10: {  	s0 =	sadd.s32 s5, s0;
	s13 =	sadd.s32 $0x1000, s9;
	[dreg:$0xa] =	wrdreg s12  }
0x11: {  	s5 =	sadd.s32 $0x100, s2;
	s15 =	sadd.s32 $0x1400, s9;
	[dreg:$0xb] =	wrdreg s13  }
0x12: {  	s6 =	sshrl.u32 s6, $0x3;
	s0 =	sadd.s32 $0x400, s0;
	[dreg:$0xc] =	wrdreg s15  }
0x13: {  	s25 =	simm.s32 $0xF;
	s6 =	sadd.s32 s6, s4;
	[dreg:$0x6] =	wrdreg s0  }
0x14: {  	s0 =	sshrl.u32 s11, $0x3;
	s11 =	sadd.s32 $0x1800, s9;
	[dreg:$0x4] =	wrdreg s6  }
0x15: {  	s9 =	sadd.s32 $0x1C00, s9;
	[dreg:$0xd] =	wrdreg s11;
	s0 =	sadd.s32 s4, s0  }
0x16: {  	s13 =	simm.s32 $0x1;
	[dreg:$0xe] =	wrdreg s9;
	s17 =	sadd.s32 $0x62000, s0  }
0x17: {  	s8 =	simm.s32 $0x5;
	s18 =	sadd.s32 $0x62400, s0;
	[dreg:$0xf] =	wrdreg s17  }
0x18: {  	s12 =	simm.s32 $0xA;
	s19 =	sadd.s32 $0x62800, s0;
	[dreg:$0x10] =	wrdreg s18  }
0x19: {  	s15 =	simm.s32 $0x7;
	s20 =	sadd.s32 $0x62C00, s0;
	[dreg:$0x11] =	wrdreg s19  }
0x1a: {  	s6 =	simm.s32 $0x3;
	s21 =	sadd.s32 $0x63000, s0;
	[dreg:$0x12] =	wrdreg s20  }
0x1b: {  	s4 =	sadd.s32 s22, s4;
	s23 =	sadd.s32 $0x63400, s0;
	[dreg:$0x13] =	wrdreg s21  }
0x1c: {  	s11 =	simm.s32 $0x6;
	s24 =	sadd.s32 $0x63800, s0;
	[dreg:$0x14] =	wrdreg s23  }
0x1d: {  	s22 =	simm.s32 $0xE;
	s0 =	sadd.s32 $0x63C00, s0;
	[dreg:$0x15] =	wrdreg s24  }
0x1e: {  	s26 =	sadd.s32 s1, s4;
	s4 =	simm.s32 $0x2100;
	[dreg:$0x16] =	wrdreg s0  }
0x1f: {  	v2 =	vlaneseq.u32;
	[dreg:$0x5] =	wrdreg s26;
	s0 =	simm.s32 $0x3100;
	s19 =	simm.s32 $0x4900  }
0x20: {  	vm0 =	vmmov $0xffff;
	v1 =	vshrl.u32 v2, $0x3;
	s23 =	simm.s32 $0x5100;
	s18 =	simm.s32 $0x2;
	s17 =	simm.s32 $0x8  }
0x21: {  	v0 =	vand.u32 $0x7, v2;
	v2 =	vor.u32 $0x8, v2;
	v1 =	vmul.u32 $0x8, v1;
	s20 =	simm.s32 $0xC;
	s21 =	simm.s32 $0xD;
	s26 =	simm.s32 $0x10  }
.LBB2_1:
0x22: {  	[dreg:$0x18] =	wrdreg s7  }
0x23: {  	s1 =	rddreg [dreg:$0x6];
	s24 =	simm.s32 $0x11  }
0x24: {  	[tilespmem:s3], [sflag:$0x11] =	stream.linear.gather [hbm4b:s1+s3], $0x1900, $0x38;
	[tilespmem:$0x11900] =	vst v63  }
0x25: {  	_ =	swait.ge [sflag:s24], $0x1900  }
0x26: {  	[sflag:s24] =	ssyncset.done $0x0  }
0x27: {  	[sflag:s24] =	ssyncadd.s32 $0xFFFFE700  }
0x28: {  	v3 =	vld [tilespmem:$0x0];
	_ =	sdelay $0x4  }
0x29: {  	v4 =	vshll.u32 v3, $0x2  }
0x2a: {  	v3 =	vand.u32 $0x7, v3;
	v4 =	vand.u32 $0xFFFFFFE0, v4  }
0x2b: {  	v3 =	vor.u32 v3, v4  }
0x2c: {  	v4 =	vperm.xlane v3, v0;
	_ =	sdelay $0x1  }
0x2d: {  	v4 =	vadd.s32 v1, v4;
	_ =	sdelay $0x1  }
0x2e: {  	v3 =	vperm.xlane v3, v2;
	_ =	sdelay $0x1  }
0x2f: {  	s7 =	simm.s32 $0x1900;
	v3 =	vadd.s32 v1, v3  }
0x30: {  	[tilespmem:s7], [sflag:$0x1] =	stream.indirect_vreg.gather [hbm4b:s2+s3], $0x80, v4, vm0, $0xb8;
	[tilespmem:$0x11900] =	vst v63  }
0x31: {  	_ = 	snop  }
0x32: {  	[tilespmem:s4], [sflag:$0x1] =	stream.indirect_vreg.gather [hbm4b:s5+s3], $0x80, v4, vm0, $0xb8;
	[tilespmem:$0x11900] =	vst v63  }
0x33: {  	_ = 	snop  }
0x34: {  	[tilespmem:s29], [sflag:$0x1] =	stream.indirect_vreg.gather [hbm4b:s2+s3], $0x80, v3, vm0, $0xb8;
	[tilespmem:$0x11900] =	vst v63  }
0x35: {  	_ = 	snop  }
0x36: {  	[tilespmem:s0], [sflag:$0x1] =	stream.indirect_vreg.gather [hbm4b:s5+s3], $0x80, v3, vm0, $0xb8;
	[tilespmem:$0x11900] =	vst v63  }
0x37: {  	v3 =	vld [tilespmem:$0x10];
	_ =	sdelay $0x4  }
0x38: {  	v53 =	vshll.u32 v3, $0x2  }
0x39: {  	v3 =	vand.u32 $0x7, v3;
	v4 =	vand.u32 $0xFFFFFFE0, v53  }
0x3a: {  	v3 =	vor.u32 v3, v4  }
0x3b: {  	v4 =	vperm.xlane v3, v0;
	_ =	sdelay $0x1  }
0x3c: {  	v4 =	vadd.s32 v1, v4;
	_ =	sdelay $0x1  }
0x3d: {  	v3 =	vperm.xlane v3, v2;
	_ =	sdelay $0x1  }
0x3e: {  	s9 =	simm.s32 $0x3900;
	v3 =	vadd.s32 v1, v3  }
0x3f: {  	[tilespmem:s9], [sflag:$0x2] =	stream.indirect_vreg.gather [hbm4b:s2+s3], $0x80, v4, vm0, $0xb8;
	[tilespmem:$0x11900] =	vst v63  }
0x40: {  	_ = 	snop  }
0x41: {  	[tilespmem:s14], [sflag:$0x2] =	stream.indirect_vreg.gather [hbm4b:s5+s3], $0x80, v4, vm0, $0xb8;
	[tilespmem:$0x11900] =	vst v63  }
0x42: {  	_ = 	snop  }
0x43: {  	[tilespmem:s19], [sflag:$0x2] =	stream.indirect_vreg.gather [hbm4b:s2+s3], $0x80, v3, vm0, $0xb8;
	[tilespmem:$0x11900] =	vst v63  }
0x44: {  	_ = 	snop  }
0x45: {  	[tilespmem:s23], [sflag:$0x2] =	stream.indirect_vreg.gather [hbm4b:s5+s3], $0x80, v3, vm0, $0xb8;
	[tilespmem:$0x11900] =	vst v63  }
0x46: {  	v3 =	vld [tilespmem:$0x20];
	_ =	sdelay $0x4  }
0x47: {  	v54 =	vshll.u32 v3, $0x2  }
0x48: {  	v3 =	vand.u32 $0x7, v3;
	v4 =	vand.u32 $0xFFFFFFE0, v54  }
0x49: {  	v3 =	vor.u32 v3, v4  }
0x4a: {  	v4 =	vperm.xlane v3, v0;
	_ =	sdelay $0x1  }
0x4b: {  	v4 =	vadd.s32 v1, v4;
	_ =	sdelay $0x1  }
0x4c: {  	v3 =	vperm.xlane v3, v2;
	_ =	sdelay $0x1  }
0x4d: {  	s24 =	simm.s32 $0x5900;
	v3 =	vadd.s32 v1, v3  }
0x4e: {  	[tilespmem:s24], [sflag:$0x3] =	stream.indirect_vreg.gather [hbm4b:s2+s3], $0x80, v4, vm0, $0xb8;
	[tilespmem:$0x11900] =	vst v63  }
0x4f: {  	_ = 	snop  }
0x50: {  	[tilespmem:s28], [sflag:$0x3] =	stream.indirect_vreg.gather [hbm4b:s5+s3], $0x80, v4, vm0, $0xb8;
	[tilespmem:$0x11900] =	vst v63  }
0x51: {  	_ = 	snop  }
0x52: {  	[tilespmem:s31], [sflag:$0x3] =	stream.indirect_vreg.gather [hbm4b:s2+s3], $0x80, v3, vm0, $0xb8;
	[tilespmem:$0x11900] =	vst v63  }
0x53: {  	s1 =	simm.s32 $0x7100  }
0x54: {  	[tilespmem:s1], [sflag:$0x3] =	stream.indirect_vreg.gather [hbm4b:s5+s3], $0x80, v3, vm0, $0xb8;
	[tilespmem:$0x11900] =	vst v63  }
0x55: {  	v3 =	vld [tilespmem:$0x30];
	_ =	sdelay $0x4  }
0x56: {  	v55 =	vshll.u32 v3, $0x2  }
0x57: {  	v3 =	vand.u32 $0x7, v3;
	v4 =	vand.u32 $0xFFFFFFE0, v55  }
0x58: {  	v3 =	vor.u32 v3, v4  }
0x59: {  	v4 =	vperm.xlane v3, v0;
	_ =	sdelay $0x1  }
0x5a: {  	v4 =	vadd.s32 v1, v4;
	_ =	sdelay $0x1  }
0x5b: {  	v3 =	vperm.xlane v3, v2;
	_ =	sdelay $0x1  }
0x5c: {  	s1 =	simm.s32 $0x7900;
	v3 =	vadd.s32 v1, v3  }
0x5d: {  	[tilespmem:s1], [sflag:$0x4] =	stream.indirect_vreg.gather [hbm4b:s2+s3], $0x80, v4, vm0, $0xb8;
	[tilespmem:$0x11900] =	vst v63  }
0x5e: {  	s1 =	simm.s32 $0x8100  }
0x5f: {  	[tilespmem:s1], [sflag:$0x4] =	stream.indirect_vreg.gather [hbm4b:s5+s3], $0x80, v4, vm0, $0xb8;
	[tilespmem:$0x11900] =	vst v63  }
0x60: {  	s1 =	simm.s32 $0x8900  }
0x61: {  	[tilespmem:s1], [sflag:$0x4] =	stream.indirect_vreg.gather [hbm4b:s2+s3], $0x80, v3, vm0, $0xb8;
	[tilespmem:$0x11900] =	vst v63  }
0x62: {  	s1 =	simm.s32 $0x9100  }
0x63: {  	[tilespmem:s1], [sflag:$0x4] =	stream.indirect_vreg.gather [hbm4b:s5+s3], $0x80, v3, vm0, $0xb8;
	[tilespmem:$0x11900] =	vst v63  }
0x64: {  	_ =	swait.ge [sflag:s13], $0x2000  }
0x65: {  	[sflag:s13] =	ssyncset.done $0x0  }
0x66: {  	s7 =	simm.s32 $0x1900;
	s1 =	rddreg [dreg:$0x7];
	[sflag:s13] =	ssyncadd.s32 $0xFFFFE000  }
0x67: {  	[hbm4b:s1+s3] =	stream.linear.scatter [tilespmem:s7], [sflag:$0x9], $0x2000, $0x38;
	[tilespmem:$0x11900] =	vst v63  }
0x68: {  	v3 =	vld [tilespmem:$0x40];
	_ =	sdelay $0x4  }
0x69: {  	v56 =	vshll.u32 v3, $0x2  }
0x6a: {  	v3 =	vand.u32 $0x7, v3;
	v4 =	vand.u32 $0xFFFFFFE0, v56  }
0x6b: {  	v3 =	vor.u32 v3, v4  }
0x6c: {  	v4 =	vperm.xlane v3, v0;
	_ =	sdelay $0x1  }
0x6d: {  	v4 =	vadd.s32 v1, v4;
	_ =	sdelay $0x1  }
0x6e: {  	v3 =	vperm.xlane v3, v2;
	_ =	sdelay $0x1  }
0x6f: {  	s7 =	simm.s32 $0x9900;
	v3 =	vadd.s32 v1, v3  }
0x70: {  	[tilespmem:s7], [sflag:$0x5] =	stream.indirect_vreg.gather [hbm4b:s2+s3], $0x80, v4, vm0, $0xb8;
	[tilespmem:$0x11900] =	vst v63  }
0x71: {  	s1 =	simm.s32 $0xA100  }
0x72: {  	[tilespmem:s1], [sflag:$0x5] =	stream.indirect_vreg.gather [hbm4b:s5+s3], $0x80, v4, vm0, $0xb8;
	[tilespmem:$0x11900] =	vst v63  }
0x73: {  	s1 =	simm.s32 $0xA900  }
0x74: {  	[tilespmem:s1], [sflag:$0x5] =	stream.indirect_vreg.gather [hbm4b:s2+s3], $0x80, v3, vm0, $0xb8;
	[tilespmem:$0x11900] =	vst v63  }
0x75: {  	s1 =	simm.s32 $0xB100  }
0x76: {  	[tilespmem:s1], [sflag:$0x5] =	stream.indirect_vreg.gather [hbm4b:s5+s3], $0x80, v3, vm0, $0xb8;
	[tilespmem:$0x11900] =	vst v63  }
0x77: {  	_ =	swait.ge [sflag:s18], $0x2000  }
0x78: {  	[sflag:s18] =	ssyncset.done $0x0  }
0x79: {  	s9 =	simm.s32 $0x3900;
	s1 =	rddreg [dreg:$0x8];
	[sflag:s18] =	ssyncadd.s32 $0xFFFFE000  }
0x7a: {  	[hbm4b:s1+s3] =	stream.linear.scatter [tilespmem:s9], [sflag:$0xA], $0x2000, $0x38;
	[tilespmem:$0x11900] =	vst v63  }
0x7b: {  	v3 =	vld [tilespmem:$0x50];
	_ =	sdelay $0x4  }
0x7c: {  	v57 =	vshll.u32 v3, $0x2  }
0x7d: {  	v3 =	vand.u32 $0x7, v3;
	v4 =	vand.u32 $0xFFFFFFE0, v57  }
0x7e: {  	v3 =	vor.u32 v3, v4  }
0x7f: {  	v4 =	vperm.xlane v3, v0;
	_ =	sdelay $0x1  }
0x80: {  	v4 =	vadd.s32 v1, v4;
	_ =	sdelay $0x1  }
0x81: {  	v3 =	vperm.xlane v3, v2;
	_ =	sdelay $0x1  }
0x82: {  	s9 =	simm.s32 $0xB900;
	v3 =	vadd.s32 v1, v3  }
0x83: {  	[tilespmem:s9], [sflag:$0x6] =	stream.indirect_vreg.gather [hbm4b:s2+s3], $0x80, v4, vm0, $0xb8;
	[tilespmem:$0x11900] =	vst v63  }
0x84: {  	s1 =	simm.s32 $0xC100  }
0x85: {  	[tilespmem:s1], [sflag:$0x6] =	stream.indirect_vreg.gather [hbm4b:s5+s3], $0x80, v4, vm0, $0xb8;
	[tilespmem:$0x11900] =	vst v63  }
0x86: {  	s1 =	simm.s32 $0xC900  }
0x87: {  	[tilespmem:s1], [sflag:$0x6] =	stream.indirect_vreg.gather [hbm4b:s2+s3], $0x80, v3, vm0, $0xb8;
	[tilespmem:$0x11900] =	vst v63  }
0x88: {  	s1 =	simm.s32 $0xD100  }
0x89: {  	[tilespmem:s1], [sflag:$0x6] =	stream.indirect_vreg.gather [hbm4b:s5+s3], $0x80, v3, vm0, $0xb8;
	[tilespmem:$0x11900] =	vst v63  }
0x8a: {  	_ =	swait.ge [sflag:s6], $0x2000  }
0x8b: {  	[sflag:s6] =	ssyncset.done $0x0  }
0x8c: {  	s24 =	simm.s32 $0x5900;
	s1 =	rddreg [dreg:$0x9];
	[sflag:s6] =	ssyncadd.s32 $0xFFFFE000  }
0x8d: {  	[hbm4b:s1+s3] =	stream.linear.scatter [tilespmem:s24], [sflag:$0xB], $0x2000, $0x38;
	[tilespmem:$0x11900] =	vst v63  }
0x8e: {  	v3 =	vld [tilespmem:$0x60];
	_ =	sdelay $0x4  }
0x8f: {  	v58 =	vshll.u32 v3, $0x2  }
0x90: {  	v3 =	vand.u32 $0x7, v3;
	v4 =	vand.u32 $0xFFFFFFE0, v58  }
0x91: {  	v3 =	vor.u32 v3, v4  }
0x92: {  	v4 =	vperm.xlane v3, v0;
	_ =	sdelay $0x1  }
0x93: {  	v4 =	vadd.s32 v1, v4;
	_ =	sdelay $0x1  }
0x94: {  	v3 =	vperm.xlane v3, v2;
	_ =	sdelay $0x1  }
0x95: {  	s24 =	simm.s32 $0xD900;
	v3 =	vadd.s32 v1, v3  }
0x96: {  	[tilespmem:s24], [sflag:$0x7] =	stream.indirect_vreg.gather [hbm4b:s2+s3], $0x80, v4, vm0, $0xb8;
	[tilespmem:$0x11900] =	vst v63  }
0x97: {  	s24 =	simm.s32 $0xE100  }
0x98: {  	[tilespmem:s24], [sflag:$0x7] =	stream.indirect_vreg.gather [hbm4b:s5+s3], $0x80, v4, vm0, $0xb8;
	[tilespmem:$0x11900] =	vst v63  }
0x99: {  	s24 =	simm.s32 $0xE900  }
0x9a: {  	[tilespmem:s24], [sflag:$0x7] =	stream.indirect_vreg.gather [hbm4b:s2+s3], $0x80, v3, vm0, $0xb8;
	[tilespmem:$0x11900] =	vst v63  }
0x9b: {  	s24 =	simm.s32 $0xF100  }
0x9c: {  	[tilespmem:s24], [sflag:$0x7] =	stream.indirect_vreg.gather [hbm4b:s5+s3], $0x80, v3, vm0, $0xb8;
	[tilespmem:$0x11900] =	vst v63  }
0x9d: {  	_ =	swait.ge [sflag:s30], $0x2000  }
0x9e: {  	[sflag:s30] =	ssyncset.done $0x0  }
0x9f: {  	s24 =	simm.s32 $0x7900;
	s1 =	rddreg [dreg:$0xa];
	[sflag:s30] =	ssyncadd.s32 $0xFFFFE000  }
0xa0: {  	[hbm4b:s1+s3] =	stream.linear.scatter [tilespmem:s24], [sflag:$0xC], $0x2000, $0x38;
	[tilespmem:$0x11900] =	vst v63  }
0xa1: {  	v3 =	vld [tilespmem:$0x70];
	_ =	sdelay $0x4  }
0xa2: {  	v59 =	vshll.u32 v3, $0x2  }
0xa3: {  	v3 =	vand.u32 $0x7, v3;
	v4 =	vand.u32 $0xFFFFFFE0, v59  }
0xa4: {  	v3 =	vor.u32 v3, v4  }
0xa5: {  	v4 =	vperm.xlane v3, v0;
	_ =	sdelay $0x1  }
0xa6: {  	v4 =	vadd.s32 v1, v4;
	_ =	sdelay $0x1  }
0xa7: {  	v3 =	vperm.xlane v3, v2;
	_ =	sdelay $0x1  }
0xa8: {  	s24 =	simm.s32 $0xF900;
	v3 =	vadd.s32 v1, v3  }
0xa9: {  	[tilespmem:s24], [sflag:$0x8] =	stream.indirect_vreg.gather [hbm4b:s2+s3], $0x80, v4, vm0, $0xb8;
	[tilespmem:$0x11900] =	vst v63  }
0xaa: {  	s1 =	simm.s32 $0x10100  }
0xab: {  	[tilespmem:s1], [sflag:$0x8] =	stream.indirect_vreg.gather [hbm4b:s5+s3], $0x80, v4, vm0, $0xb8;
	[tilespmem:$0x11900] =	vst v63  }
0xac: {  	s1 =	simm.s32 $0x10900  }
0xad: {  	[tilespmem:s1], [sflag:$0x8] =	stream.indirect_vreg.gather [hbm4b:s2+s3], $0x80, v3, vm0, $0xb8;
	[tilespmem:$0x11900] =	vst v63  }
0xae: {  	s1 =	simm.s32 $0x11100  }
0xaf: {  	[tilespmem:s1], [sflag:$0x8] =	stream.indirect_vreg.gather [hbm4b:s5+s3], $0x80, v3, vm0, $0xb8;
	[tilespmem:$0x11900] =	vst v63  }
0xb0: {  	_ =	swait.ge [sflag:s8], $0x2000  }
0xb1: {  	[sflag:s8] =	ssyncset.done $0x0  }
0xb2: {  	s1 =	rddreg [dreg:$0xb];
	[sflag:s8] =	ssyncadd.s32 $0xFFFFE000  }
0xb3: {  	[hbm4b:s1+s3] =	stream.linear.scatter [tilespmem:s7], [sflag:$0xD], $0x2000, $0x38;
	[tilespmem:$0x11900] =	vst v63  }
0xb4: {  	_ =	swait.ge [sflag:s10], $0x2000  }
0xb5: {  	[sflag:s10] =	ssyncset.done $0x0  }
0xb6: {  	[sflag:s10] =	ssyncadd.s32 $0xFFFFE000  }
0xb7: {  	v3 =	vld [tilespmem:$0x80];
	_ =	sdelay $0x4  }
0xb8: {  	v60 =	vshll.u32 v3, $0x2  }
0xb9: {  	v3 =	vand.u32 $0x7, v3;
	v4 =	vand.u32 $0xFFFFFFE0, v60  }
0xba: {  	v3 =	vor.u32 v3, v4  }
0xbb: {  	v4 =	vperm.xlane v3, v0;
	_ =	sdelay $0x1  }
0xbc: {  	v4 =	vadd.s32 v1, v4;
	_ =	sdelay $0x1  }
0xbd: {  	v3 =	vperm.xlane v3, v2;
	_ =	sdelay $0x1  }
0xbe: {  	s7 =	simm.s32 $0x1900;
	v3 =	vadd.s32 v1, v3  }
0xbf: {  	[tilespmem:s7], [sflag:$0x1] =	stream.indirect_vreg.gather [hbm4b:s2+s3], $0x80, v4, vm0, $0xb8;
	[tilespmem:$0x11900] =	vst v63  }
0xc0: {  	_ = 	snop  }
0xc1: {  	[tilespmem:s4], [sflag:$0x1] =	stream.indirect_vreg.gather [hbm4b:s5+s3], $0x80, v4, vm0, $0xb8;
	[tilespmem:$0x11900] =	vst v63  }
0xc2: {  	_ = 	snop  }
0xc3: {  	[tilespmem:s29], [sflag:$0x1] =	stream.indirect_vreg.gather [hbm4b:s2+s3], $0x80, v3, vm0, $0xb8;
	[tilespmem:$0x11900] =	vst v63  }
0xc4: {  	_ = 	snop  }
0xc5: {  	[tilespmem:s0], [sflag:$0x1] =	stream.indirect_vreg.gather [hbm4b:s5+s3], $0x80, v3, vm0, $0xb8;
	[tilespmem:$0x11900] =	vst v63  }
0xc6: {  	_ =	swait.ge [sflag:s11], $0x2000  }
0xc7: {  	[sflag:s11] =	ssyncset.done $0x0  }
0xc8: {  	s0 =	rddreg [dreg:$0xc];
	[sflag:s11] =	ssyncadd.s32 $0xFFFFE000  }
0xc9: {  	[hbm4b:s0+s3] =	stream.linear.scatter [tilespmem:s9], [sflag:$0xE], $0x2000, $0x38;
	[tilespmem:$0x11900] =	vst v63  }
0xca: {  	_ =	swait.ge [sflag:s12], $0x2000  }
0xcb: {  	[sflag:s12] =	ssyncset.done $0x0  }
0xcc: {  	[sflag:s12] =	ssyncadd.s32 $0xFFFFE000  }
0xcd: {  	v3 =	vld [tilespmem:$0x90];
	_ =	sdelay $0x4  }
0xce: {  	v61 =	vshll.u32 v3, $0x2  }
0xcf: {  	v3 =	vand.u32 $0x7, v3;
	v4 =	vand.u32 $0xFFFFFFE0, v61  }
0xd0: {  	v3 =	vor.u32 v3, v4  }
0xd1: {  	v4 =	vperm.xlane v3, v0;
	_ =	sdelay $0x1  }
0xd2: {  	v4 =	vadd.s32 v1, v4;
	_ =	sdelay $0x1  }
0xd3: {  	v3 =	vperm.xlane v3, v2;
	_ =	sdelay $0x1  }
0xd4: {  	s1 =	simm.s32 $0x3900;
	v3 =	vadd.s32 v1, v3  }
0xd5: {  	[tilespmem:s1], [sflag:$0x2] =	stream.indirect_vreg.gather [hbm4b:s2+s3], $0x80, v4, vm0, $0xb8;
	[tilespmem:$0x11900] =	vst v63  }
0xd6: {  	_ = 	snop  }
0xd7: {  	[tilespmem:s14], [sflag:$0x2] =	stream.indirect_vreg.gather [hbm4b:s5+s3], $0x80, v4, vm0, $0xb8;
	[tilespmem:$0x11900] =	vst v63  }
0xd8: {  	_ = 	snop  }
0xd9: {  	[tilespmem:s19], [sflag:$0x2] =	stream.indirect_vreg.gather [hbm4b:s2+s3], $0x80, v3, vm0, $0xb8;
	[tilespmem:$0x11900] =	vst v63  }
0xda: {  	_ = 	snop  }
0xdb: {  	[tilespmem:s23], [sflag:$0x2] =	stream.indirect_vreg.gather [hbm4b:s5+s3], $0x80, v3, vm0, $0xb8;
	[tilespmem:$0x11900] =	vst v63  }
0xdc: {  	_ =	swait.ge [sflag:s15], $0x2000  }
0xdd: {  	[sflag:s15] =	ssyncset.done $0x0  }
0xde: {  	s7 =	simm.s32 $0xD900;
	s4 =	rddreg [dreg:$0xd];
	[sflag:s15] =	ssyncadd.s32 $0xFFFFE000  }
0xdf: {  	[hbm4b:s4+s3] =	stream.linear.scatter [tilespmem:s7], [sflag:$0xF], $0x2000, $0x38;
	[tilespmem:$0x11900] =	vst v63  }
0xe0: {  	_ =	swait.ge [sflag:s16], $0x2000  }
0xe1: {  	[sflag:s16] =	ssyncset.done $0x0  }
0xe2: {  	[sflag:s16] =	ssyncadd.s32 $0xFFFFE000  }
0xe3: {  	v3 =	vld [tilespmem:$0xA0];
	_ =	sdelay $0x4  }
0xe4: {  	v62 =	vshll.u32 v3, $0x2  }
0xe5: {  	v3 =	vand.u32 $0x7, v3;
	v4 =	vand.u32 $0xFFFFFFE0, v62  }
0xe6: {  	v3 =	vor.u32 v3, v4  }
0xe7: {  	v4 =	vperm.xlane v3, v0;
	_ =	sdelay $0x1  }
0xe8: {  	v4 =	vadd.s32 v1, v4;
	_ =	sdelay $0x1  }
0xe9: {  	v3 =	vperm.xlane v3, v2;
	_ =	sdelay $0x1  }
0xea: {  	s9 =	simm.s32 $0x5900;
	v3 =	vadd.s32 v1, v3  }
0xeb: {  	[tilespmem:s9], [sflag:$0x3] =	stream.indirect_vreg.gather [hbm4b:s2+s3], $0x80, v4, vm0, $0xb8;
	[tilespmem:$0x11900] =	vst v63  }
0xec: {  	_ = 	snop  }
0xed: {  	[tilespmem:s28], [sflag:$0x3] =	stream.indirect_vreg.gather [hbm4b:s5+s3], $0x80, v4, vm0, $0xb8;
	[tilespmem:$0x11900] =	vst v63  }
0xee: {  	_ = 	snop  }
0xef: {  	[tilespmem:s31], [sflag:$0x3] =	stream.indirect_vreg.gather [hbm4b:s2+s3], $0x80, v3, vm0, $0xb8;
	[tilespmem:$0x11900] =	vst v63  }
0xf0: {  	s14 =	simm.s32 $0x7100  }
0xf1: {  	[tilespmem:s14], [sflag:$0x3] =	stream.indirect_vreg.gather [hbm4b:s5+s3], $0x80, v3, vm0, $0xb8;
	[tilespmem:$0x11900] =	vst v63  }
0xf2: {  	_ =	swait.ge [sflag:s17], $0x2000  }
0xf3: {  	[sflag:s17] =	ssyncset.done $0x0  }
0xf4: {  	s24 =	simm.s32 $0xF900;
	s19 =	rddreg [dreg:$0xe];
	[sflag:s17] =	ssyncadd.s32 $0xFFFFE000  }
0xf5: {  	[hbm4b:s19+s3] =	stream.linear.scatter [tilespmem:s24], [sflag:$0x10], $0x2000, $0x38;
	[tilespmem:$0x11900] =	vst v63  }
0xf6: {  	_ =	swait.ge [sflag:s20], $0x2000  }
0xf7: {  	[sflag:s20] =	ssyncset.done $0x0  }
0xf8: {  	[sflag:s20] =	ssyncadd.s32 $0xFFFFE000  }
0xf9: {  	v3 =	vld [tilespmem:$0xB0];
	_ =	sdelay $0x4  }
0xfa: {  	v63 =	vshll.u32 v3, $0x2  }
0xfb: {  	v3 =	vand.u32 $0x7, v3;
	v4 =	vand.u32 $0xFFFFFFE0, v63  }
0xfc: {  	v3 =	vor.u32 v3, v4  }
0xfd: {  	v4 =	vperm.xlane v3, v0;
	_ =	sdelay $0x1  }
0xfe: {  	v4 =	vadd.s32 v1, v4;
	_ =	sdelay $0x1  }
0xff: {  	v3 =	vperm.xlane v3, v2;
	_ =	sdelay $0x1  }
0x100: {  	s23 =	simm.s32 $0x7900;
	v3 =	vadd.s32 v1, v3  }
0x101: {  	[tilespmem:s23], [sflag:$0x4] =	stream.indirect_vreg.gather [hbm4b:s2+s3], $0x80, v4, vm0, $0xb8;
	[tilespmem:$0x11900] =	vst v63  }
0x102: {  	s24 =	simm.s32 $0x8100  }
0x103: {  	[tilespmem:s24], [sflag:$0x4] =	stream.indirect_vreg.gather [hbm4b:s5+s3], $0x80, v4, vm0, $0xb8;
	[tilespmem:$0x11900] =	vst v63  }
0x104: {  	s29 =	simm.s32 $0x8900  }
0x105: {  	[tilespmem:s29], [sflag:$0x4] =	stream.indirect_vreg.gather [hbm4b:s2+s3], $0x80, v3, vm0, $0xb8;
	[tilespmem:$0x11900] =	vst v63  }
0x106: {  	s1 =	simm.s32 $0x0;
	s28 =	simm.s32 $0x130;
	s31 =	simm.s32 $0x9100  }
0x107: {  	[tilespmem:s31], [sflag:$0x4] =	stream.indirect_vreg.gather [hbm4b:s5+s3], $0x80, v3, vm0, $0xb8;
	[tilespmem:$0x11900] =	vst v63  }
.LBB2_2:
0x108: {  	_ =	swait.ge [sflag:s13], $0x2000  }
0x109: {  	s4 =	rddreg [dreg:$0x4];
	[sflag:s13] =	ssyncset.done $0x0  }
0x10a: {  	s29 =	simm.s32 $0x1900;
	[sflag:s13] =	ssyncadd.s32 $0xFFFFE000;
	s4 =	sadd.s32 s1, s4  }
0x10b: {  	[hbm4b:s4+s3] =	stream.linear.scatter [tilespmem:s29], [sflag:$0x9], $0x2000, $0x38;
	[tilespmem:$0x11900] =	vst v63  }
0x10c: {  	_ =	swait.ge [sflag:s21], $0x2000  }
0x10d: {  	[sflag:s21] =	ssyncset.done $0x0  }
0x10e: {  	[sflag:s21] =	ssyncadd.s32 $0xFFFFE000  }
0x10f: {  	v3 =	vld [tilespmem:s28+$0xFFFFFF90];
	_ =	sdelay $0x4  }
0x110: {  	v4 =	vshll.u32 v3, $0x2  }
0x111: {  	v3 =	vand.u32 $0x7, v3;
	v4 =	vand.u32 $0xFFFFFFE0, v4  }
0x112: {  	v3 =	vor.u32 v3, v4  }
0x113: {  	v4 =	vperm.xlane v3, v0;
	_ =	sdelay $0x1  }
0x114: {  	v4 =	vadd.s32 v1, v4;
	_ =	sdelay $0x1  }
0x115: {  	v3 =	vperm.xlane v3, v2;
	_ =	sdelay $0x1  }
0x116: {  	s0 =	simm.s32 $0x9900;
	v3 =	vadd.s32 v1, v3  }
0x117: {  	[tilespmem:s0], [sflag:$0x5] =	stream.indirect_vreg.gather [hbm4b:s2+s3], $0x80, v4, vm0, $0xb8;
	[tilespmem:$0x11900] =	vst v63  }
0x118: {  	s9 =	simm.s32 $0xA100  }
0x119: {  	[tilespmem:s9], [sflag:$0x5] =	stream.indirect_vreg.gather [hbm4b:s5+s3], $0x80, v4, vm0, $0xb8;
	[tilespmem:$0x11900] =	vst v63  }
0x11a: {  	s14 =	simm.s32 $0xA900  }
0x11b: {  	[tilespmem:s14], [sflag:$0x5] =	stream.indirect_vreg.gather [hbm4b:s2+s3], $0x80, v3, vm0, $0xb8;
	[tilespmem:$0x11900] =	vst v63  }
0x11c: {  	s19 =	simm.s32 $0xB100  }
0x11d: {  	[tilespmem:s19], [sflag:$0x5] =	stream.indirect_vreg.gather [hbm4b:s5+s3], $0x80, v3, vm0, $0xb8;
	[tilespmem:$0x11900] =	vst v63  }
0x11e: {  	_ =	swait.ge [sflag:s18], $0x2000  }
0x11f: {  	s23 =	rddreg [dreg:$0x5]  }
0x120: {  	[sflag:s18] =	ssyncset.done $0x0;
	s4 =	sadd.s32 s1, s23  }
0x121: {  	s14 =	simm.s32 $0x3900;
	[sflag:s18] =	ssyncadd.s32 $0xFFFFE000;
	s7 =	sadd.s32 $0x2400, s4  }
0x122: {  	[hbm4b:s7+s3] =	stream.linear.scatter [tilespmem:s14], [sflag:$0xA], $0x2000, $0x38;
	[tilespmem:$0x11900] =	vst v63  }
0x123: {  	_ =	swait.ge [sflag:s22], $0x2000  }
0x124: {  	[sflag:s22] =	ssyncset.done $0x0  }
0x125: {  	[sflag:s22] =	ssyncadd.s32 $0xFFFFE000  }
0x126: {  	v3 =	vld [tilespmem:s28+$0xFFFFFFA0];
	_ =	sdelay $0x4  }
0x127: {  	v57 =	vshll.u32 v3, $0x2  }
0x128: {  	v3 =	vand.u32 $0x7, v3;
	v4 =	vand.u32 $0xFFFFFFE0, v57  }
0x129: {  	v3 =	vor.u32 v3, v4  }
0x12a: {  	v4 =	vperm.xlane v3, v0;
	_ =	sdelay $0x1  }
0x12b: {  	v4 =	vadd.s32 v1, v4;
	_ =	sdelay $0x1  }
0x12c: {  	v3 =	vperm.xlane v3, v2;
	_ =	sdelay $0x1  }
0x12d: {  	s19 =	simm.s32 $0xB900;
	v3 =	vadd.s32 v1, v3  }
0x12e: {  	[tilespmem:s19], [sflag:$0x6] =	stream.indirect_vreg.gather [hbm4b:s2+s3], $0x80, v4, vm0, $0xb8;
	[tilespmem:$0x11900] =	vst v63  }
0x12f: {  	s24 =	simm.s32 $0xC100  }
0x130: {  	[tilespmem:s24], [sflag:$0x6] =	stream.indirect_vreg.gather [hbm4b:s5+s3], $0x80, v4, vm0, $0xb8;
	[tilespmem:$0x11900] =	vst v63  }
0x131: {  	s31 =	simm.s32 $0xC900  }
0x132: {  	[tilespmem:s31], [sflag:$0x6] =	stream.indirect_vreg.gather [hbm4b:s2+s3], $0x80, v3, vm0, $0xb8;
	[tilespmem:$0x11900] =	vst v63  }
0x133: {  	s9 =	simm.s32 $0xD100  }
0x134: {  	[tilespmem:s9], [sflag:$0x6] =	stream.indirect_vreg.gather [hbm4b:s5+s3], $0x80, v3, vm0, $0xb8;
	[tilespmem:$0x11900] =	vst v63  }
0x135: {  	_ =	swait.ge [sflag:s6], $0x2000  }
0x136: {  	[sflag:s6] =	ssyncset.done $0x0  }
0x137: {  	s23 =	sadd.s32 $0x2800, s4;
	s24 =	simm.s32 $0x5900;
	[sflag:s6] =	ssyncadd.s32 $0xFFFFE000  }
0x138: {  	[hbm4b:s23+s3] =	stream.linear.scatter [tilespmem:s24], [sflag:$0xB], $0x2000, $0x38;
	[tilespmem:$0x11900] =	vst v63  }
0x139: {  	_ =	swait.ge [sflag:s25], $0x2000  }
0x13a: {  	[sflag:s25] =	ssyncset.done $0x0  }
0x13b: {  	[sflag:s25] =	ssyncadd.s32 $0xFFFFE000  }
0x13c: {  	v3 =	vld [tilespmem:s28+$0xFFFFFFB0];
	_ =	sdelay $0x4  }
0x13d: {  	v58 =	vshll.u32 v3, $0x2  }
0x13e: {  	v3 =	vand.u32 $0x7, v3;
	v4 =	vand.u32 $0xFFFFFFE0, v58  }
0x13f: {  	v3 =	vor.u32 v3, v4  }
0x140: {  	v4 =	vperm.xlane v3, v0;
	_ =	sdelay $0x1  }
0x141: {  	v4 =	vadd.s32 v1, v4;
	_ =	sdelay $0x1  }
0x142: {  	v3 =	vperm.xlane v3, v2;
	_ =	sdelay $0x1  }
0x143: {  	s9 =	simm.s32 $0xD900;
	v3 =	vadd.s32 v1, v3  }
0x144: {  	[tilespmem:s9], [sflag:$0x7] =	stream.indirect_vreg.gather [hbm4b:s2+s3], $0x80, v4, vm0, $0xb8;
	[tilespmem:$0x11900] =	vst v63  }
0x145: {  	s31 =	simm.s32 $0xE100  }
0x146: {  	[tilespmem:s31], [sflag:$0x7] =	stream.indirect_vreg.gather [hbm4b:s5+s3], $0x80, v4, vm0, $0xb8;
	[tilespmem:$0x11900] =	vst v63  }
0x147: {  	s23 =	simm.s32 $0xE900  }
0x148: {  	[tilespmem:s23], [sflag:$0x7] =	stream.indirect_vreg.gather [hbm4b:s2+s3], $0x80, v3, vm0, $0xb8;
	[tilespmem:$0x11900] =	vst v63  }
0x149: {  	s31 =	simm.s32 $0xF100  }
0x14a: {  	[tilespmem:s31], [sflag:$0x7] =	stream.indirect_vreg.gather [hbm4b:s5+s3], $0x80, v3, vm0, $0xb8;
	[tilespmem:$0x11900] =	vst v63  }
0x14b: {  	_ =	swait.ge [sflag:s30], $0x2000  }
0x14c: {  	[sflag:s30] =	ssyncset.done $0x0  }
0x14d: {  	s23 =	sadd.s32 $0x2C00, s4;
	s31 =	simm.s32 $0x7900;
	[sflag:s30] =	ssyncadd.s32 $0xFFFFE000  }
0x14e: {  	[hbm4b:s23+s3] =	stream.linear.scatter [tilespmem:s31], [sflag:$0xC], $0x2000, $0x38;
	[tilespmem:$0x11900] =	vst v63  }
0x14f: {  	_ =	swait.ge [sflag:s26], $0x2000  }
0x150: {  	[sflag:s26] =	ssyncset.done $0x0  }
0x151: {  	[sflag:s26] =	ssyncadd.s32 $0xFFFFE000  }
0x152: {  	v3 =	vld [tilespmem:s28+$0xFFFFFFC0];
	_ =	sdelay $0x4  }
0x153: {  	v59 =	vshll.u32 v3, $0x2  }
0x154: {  	v3 =	vand.u32 $0x7, v3;
	v4 =	vand.u32 $0xFFFFFFE0, v59  }
0x155: {  	v3 =	vor.u32 v3, v4  }
0x156: {  	v4 =	vperm.xlane v3, v0;
	_ =	sdelay $0x1  }
0x157: {  	v4 =	vadd.s32 v1, v4;
	_ =	sdelay $0x1  }
0x158: {  	v3 =	vperm.xlane v3, v2;
	_ =	sdelay $0x1  }
0x159: {  	s23 =	simm.s32 $0xF900;
	v3 =	vadd.s32 v1, v3  }
0x15a: {  	[tilespmem:s23], [sflag:$0x8] =	stream.indirect_vreg.gather [hbm4b:s2+s3], $0x80, v4, vm0, $0xb8;
	[tilespmem:$0x11900] =	vst v63  }
0x15b: {  	s7 =	simm.s32 $0x10100  }
0x15c: {  	[tilespmem:s7], [sflag:$0x8] =	stream.indirect_vreg.gather [hbm4b:s5+s3], $0x80, v4, vm0, $0xb8;
	[tilespmem:$0x11900] =	vst v63  }
0x15d: {  	s7 =	simm.s32 $0x10900  }
0x15e: {  	[tilespmem:s7], [sflag:$0x8] =	stream.indirect_vreg.gather [hbm4b:s2+s3], $0x80, v3, vm0, $0xb8;
	[tilespmem:$0x11900] =	vst v63  }
0x15f: {  	s7 =	simm.s32 $0x11100  }
0x160: {  	[tilespmem:s7], [sflag:$0x8] =	stream.indirect_vreg.gather [hbm4b:s5+s3], $0x80, v3, vm0, $0xb8;
	[tilespmem:$0x11900] =	vst v63  }
0x161: {  	_ =	swait.ge [sflag:s8], $0x2000  }
0x162: {  	[sflag:s8] =	ssyncset.done $0x0  }
0x163: {  	s7 =	sadd.s32 $0x3000, s4;
	[sflag:s8] =	ssyncadd.s32 $0xFFFFE000  }
0x164: {  	[hbm4b:s7+s3] =	stream.linear.scatter [tilespmem:s0], [sflag:$0xD], $0x2000, $0x38;
	[tilespmem:$0x11900] =	vst v63  }
0x165: {  	_ =	swait.ge [sflag:s10], $0x2000  }
0x166: {  	[sflag:s10] =	ssyncset.done $0x0  }
0x167: {  	[sflag:s10] =	ssyncadd.s32 $0xFFFFE000  }
0x168: {  	v3 =	vld [tilespmem:s28+$0xFFFFFFD0];
	_ =	sdelay $0x4  }
0x169: {  	v60 =	vshll.u32 v3, $0x2  }
0x16a: {  	v3 =	vand.u32 $0x7, v3;
	v4 =	vand.u32 $0xFFFFFFE0, v60  }
0x16b: {  	v3 =	vor.u32 v3, v4  }
0x16c: {  	v4 =	vperm.xlane v3, v0;
	_ =	sdelay $0x1  }
0x16d: {  	v4 =	vadd.s32 v1, v4;
	_ =	sdelay $0x1  }
0x16e: {  	v3 =	vperm.xlane v3, v2;
	_ =	sdelay $0x1  }
0x16f: {  	v3 =	vadd.s32 v1, v3  }
0x170: {  	[tilespmem:s29], [sflag:$0x1] =	stream.indirect_vreg.gather [hbm4b:s2+s3], $0x80, v4, vm0, $0xb8;
	[tilespmem:$0x11900] =	vst v63  }
0x171: {  	s7 =	simm.s32 $0x2100  }
0x172: {  	[tilespmem:s7], [sflag:$0x1] =	stream.indirect_vreg.gather [hbm4b:s5+s3], $0x80, v4, vm0, $0xb8;
	[tilespmem:$0x11900] =	vst v63  }
0x173: {  	s29 =	simm.s32 $0x2900  }
0x174: {  	[tilespmem:s29], [sflag:$0x1] =	stream.indirect_vreg.gather [hbm4b:s2+s3], $0x80, v3, vm0, $0xb8;
	[tilespmem:$0x11900] =	vst v63  }
0x175: {  	s7 =	simm.s32 $0x3100  }
0x176: {  	[tilespmem:s7], [sflag:$0x1] =	stream.indirect_vreg.gather [hbm4b:s5+s3], $0x80, v3, vm0, $0xb8;
	[tilespmem:$0x11900] =	vst v63  }
0x177: {  	_ =	swait.ge [sflag:s11], $0x2000  }
0x178: {  	[sflag:s11] =	ssyncset.done $0x0  }
0x179: {  	s7 =	sadd.s32 $0x3400, s4;
	[sflag:s11] =	ssyncadd.s32 $0xFFFFE000  }
0x17a: {  	[hbm4b:s7+s3] =	stream.linear.scatter [tilespmem:s19], [sflag:$0xE], $0x2000, $0x38;
	[tilespmem:$0x11900] =	vst v63  }
0x17b: {  	_ =	swait.ge [sflag:s12], $0x2000  }
0x17c: {  	[sflag:s12] =	ssyncset.done $0x0  }
0x17d: {  	[sflag:s12] =	ssyncadd.s32 $0xFFFFE000  }
0x17e: {  	v3 =	vld [tilespmem:s28+$0xFFFFFFE0];
	_ =	sdelay $0x4  }
0x17f: {  	v61 =	vshll.u32 v3, $0x2  }
0x180: {  	v3 =	vand.u32 $0x7, v3;
	v4 =	vand.u32 $0xFFFFFFE0, v61  }
0x181: {  	v3 =	vor.u32 v3, v4  }
0x182: {  	v4 =	vperm.xlane v3, v0;
	_ =	sdelay $0x1  }
0x183: {  	v4 =	vadd.s32 v1, v4;
	_ =	sdelay $0x1  }
0x184: {  	v3 =	vperm.xlane v3, v2;
	_ =	sdelay $0x1  }
0x185: {  	v3 =	vadd.s32 v1, v3  }
0x186: {  	[tilespmem:s14], [sflag:$0x2] =	stream.indirect_vreg.gather [hbm4b:s2+s3], $0x80, v4, vm0, $0xb8;
	[tilespmem:$0x11900] =	vst v63  }
0x187: {  	s14 =	simm.s32 $0x4100  }
0x188: {  	[tilespmem:s14], [sflag:$0x2] =	stream.indirect_vreg.gather [hbm4b:s5+s3], $0x80, v4, vm0, $0xb8;
	[tilespmem:$0x11900] =	vst v63  }
0x189: {  	s7 =	simm.s32 $0x4900  }
0x18a: {  	[tilespmem:s7], [sflag:$0x2] =	stream.indirect_vreg.gather [hbm4b:s2+s3], $0x80, v3, vm0, $0xb8;
	[tilespmem:$0x11900] =	vst v63  }
0x18b: {  	s7 =	simm.s32 $0x5100  }
0x18c: {  	[tilespmem:s7], [sflag:$0x2] =	stream.indirect_vreg.gather [hbm4b:s5+s3], $0x80, v3, vm0, $0xb8;
	[tilespmem:$0x11900] =	vst v63  }
0x18d: {  	_ =	swait.ge [sflag:s15], $0x2000  }
0x18e: {  	[sflag:s15] =	ssyncset.done $0x0  }
0x18f: {  	s7 =	sadd.s32 $0x3800, s4;
	[sflag:s15] =	ssyncadd.s32 $0xFFFFE000  }
0x190: {  	[hbm4b:s7+s3] =	stream.linear.scatter [tilespmem:s9], [sflag:$0xF], $0x2000, $0x38;
	[tilespmem:$0x11900] =	vst v63  }
0x191: {  	_ =	swait.ge [sflag:s16], $0x2000  }
0x192: {  	[sflag:s16] =	ssyncset.done $0x0  }
0x193: {  	[sflag:s16] =	ssyncadd.s32 $0xFFFFE000  }
0x194: {  	v3 =	vld [tilespmem:s28+$0xFFFFFFF0];
	_ =	sdelay $0x4  }
0x195: {  	v62 =	vshll.u32 v3, $0x2  }
0x196: {  	v3 =	vand.u32 $0x7, v3;
	v4 =	vand.u32 $0xFFFFFFE0, v62  }
0x197: {  	v3 =	vor.u32 v3, v4  }
0x198: {  	v4 =	vperm.xlane v3, v0;
	_ =	sdelay $0x1  }
0x199: {  	v4 =	vadd.s32 v1, v4;
	_ =	sdelay $0x1  }
0x19a: {  	v3 =	vperm.xlane v3, v2;
	_ =	sdelay $0x1  }
0x19b: {  	v3 =	vadd.s32 v1, v3  }
0x19c: {  	[tilespmem:s24], [sflag:$0x3] =	stream.indirect_vreg.gather [hbm4b:s2+s3], $0x80, v4, vm0, $0xb8;
	[tilespmem:$0x11900] =	vst v63  }
0x19d: {  	s24 =	simm.s32 $0x6100  }
0x19e: {  	[tilespmem:s24], [sflag:$0x3] =	stream.indirect_vreg.gather [hbm4b:s5+s3], $0x80, v4, vm0, $0xb8;
	[tilespmem:$0x11900] =	vst v63  }
0x19f: {  	s24 =	simm.s32 $0x6900  }
0x1a0: {  	[tilespmem:s24], [sflag:$0x3] =	stream.indirect_vreg.gather [hbm4b:s2+s3], $0x80, v3, vm0, $0xb8;
	[tilespmem:$0x11900] =	vst v63  }
0x1a1: {  	s24 =	simm.s32 $0x7100  }
0x1a2: {  	[tilespmem:s24], [sflag:$0x3] =	stream.indirect_vreg.gather [hbm4b:s5+s3], $0x80, v3, vm0, $0xb8;
	[tilespmem:$0x11900] =	vst v63  }
0x1a3: {  	_ =	swait.ge [sflag:s17], $0x2000  }
0x1a4: {  	[sflag:s17] =	ssyncset.done $0x0  }
0x1a5: {  	s4 =	sadd.s32 $0x3C00, s4;
	[sflag:s17] =	ssyncadd.s32 $0xFFFFE000  }
0x1a6: {  	[hbm4b:s4+s3] =	stream.linear.scatter [tilespmem:s23], [sflag:$0x10], $0x2000, $0x38;
	[tilespmem:$0x11900] =	vst v63  }
0x1a7: {  	_ =	swait.ge [sflag:s20], $0x2000  }
0x1a8: {  	[sflag:s20] =	ssyncset.done $0x0  }
0x1a9: {  	[sflag:s20] =	ssyncadd.s32 $0xFFFFE000  }
0x1aa: {  	v3 =	vld [tilespmem:s28+$0x0];
	_ =	sdelay $0x4  }
0x1ab: {  	v63 =	vshll.u32 v3, $0x2  }
0x1ac: {  	v3 =	vand.u32 $0x7, v3;
	v4 =	vand.u32 $0xFFFFFFE0, v63  }
0x1ad: {  	v3 =	vor.u32 v3, v4  }
0x1ae: {  	v4 =	vperm.xlane v3, v0;
	_ =	sdelay $0x1  }
0x1af: {  	v4 =	vadd.s32 v1, v4;
	_ =	sdelay $0x2  }
0x1b0: {  	v3 =	vperm.xlane v3, v2;
	_ =	sdelay $0x1  }
0x1b1: {  	v3 =	vadd.s32 v1, v3;
	[tilespmem:s31], [sflag:$0x4] =	stream.indirect_vreg.gather [hbm4b:s2+s3], $0x80, v4, vm0, $0xb8;
	[tilespmem:$0x11900] =	vst v63  }
0x1b2: {  	p0 =	sne.s32 s1, $0x5E000;
	s23 =	simm.s32 $0x8100  }
0x1b3: {  	[tilespmem:s23], [sflag:$0x4] =	stream.indirect_vreg.gather [hbm4b:s5+s3], $0x80, v4, vm0, $0xb8;
	[tilespmem:$0x11900] =	vst v63  }
.Ltmp0:
0x1b4: {  	s1 =	sadd.s32 $0x2000, s1;
	s0 =	simm.s32 $0x1900;
	(pc) =	sbr.rel @p0 .LBB2_2-.Ltmp0, $4  }
0x1b5: {  	s19 =	simm.s32 $0x3900;
	s7 =	simm.s32 $0x5900;
	s24 =	simm.s32 $0x8900  }
0x1b6: {  	[tilespmem:s24], [sflag:$0x4] =	stream.indirect_vreg.gather [hbm4b:s2+s3], $0x80, v3, vm0, $0xb8;
	[tilespmem:$0x11900] =	vst v63  }
0x1b7: {  	s4 =	simm.s32 $0x7900;
	s28 =	sadd.s32 $0x80, s28;
	s31 =	simm.s32 $0x9100  }
0x1b8: {  	[tilespmem:s31], [sflag:$0x4] =	stream.indirect_vreg.gather [hbm4b:s5+s3], $0x80, v3, vm0, $0xb8;
	[tilespmem:$0x11900] =	vst v63  }
0x1b9: {  	_ =	swait.ge [sflag:s13], $0x2000  }
0x1ba: {  	[sflag:s13] =	ssyncset.done $0x0  }
0x1bb: {  	s1 =	rddreg [dreg:$0xf];
	[sflag:s13] =	ssyncadd.s32 $0xFFFFE000  }
0x1bc: {  	[hbm4b:s1+s3] =	stream.linear.scatter [tilespmem:s0], [sflag:$0x9], $0x2000, $0x38;
	[tilespmem:$0x11900] =	vst v63  }
0x1bd: {  	_ =	swait.ge [sflag:s21], $0x2000  }
0x1be: {  	[sflag:s21] =	ssyncset.done $0x0  }
0x1bf: {  	[sflag:s21] =	ssyncadd.s32 $0xFFFFE000  }
0x1c0: {  	v3 =	vld [tilespmem:$0x18C0];
	_ =	sdelay $0x4  }
0x1c1: {  	v4 =	vshll.u32 v3, $0x2  }
0x1c2: {  	v3 =	vand.u32 $0x7, v3;
	v4 =	vand.u32 $0xFFFFFFE0, v4  }
0x1c3: {  	v3 =	vor.u32 v3, v4  }
0x1c4: {  	v4 =	vperm.xlane v3, v0;
	_ =	sdelay $0x1  }
0x1c5: {  	v4 =	vadd.s32 v1, v4;
	_ =	sdelay $0x1  }
0x1c6: {  	v3 =	vperm.xlane v3, v2;
	_ =	sdelay $0x1  }
0x1c7: {  	s0 =	simm.s32 $0x9900;
	v3 =	vadd.s32 v1, v3  }
0x1c8: {  	[tilespmem:s0], [sflag:$0x5] =	stream.indirect_vreg.gather [hbm4b:s2+s3], $0x80, v4, vm0, $0xb8;
	[tilespmem:$0x11900] =	vst v63  }
0x1c9: {  	s9 =	simm.s32 $0xA100  }
0x1ca: {  	[tilespmem:s9], [sflag:$0x5] =	stream.indirect_vreg.gather [hbm4b:s5+s3], $0x80, v4, vm0, $0xb8;
	[tilespmem:$0x11900] =	vst v63  }
0x1cb: {  	s23 =	simm.s32 $0xA900  }
0x1cc: {  	[tilespmem:s23], [sflag:$0x5] =	stream.indirect_vreg.gather [hbm4b:s2+s3], $0x80, v3, vm0, $0xb8;
	[tilespmem:$0x11900] =	vst v63  }
0x1cd: {  	s24 =	simm.s32 $0xB100  }
0x1ce: {  	[tilespmem:s24], [sflag:$0x5] =	stream.indirect_vreg.gather [hbm4b:s5+s3], $0x80, v3, vm0, $0xb8;
	[tilespmem:$0x11900] =	vst v63  }
0x1cf: {  	_ =	swait.ge [sflag:s18], $0x2000  }
0x1d0: {  	[sflag:s18] =	ssyncset.done $0x0  }
0x1d1: {  	s9 =	rddreg [dreg:$0x10];
	[sflag:s18] =	ssyncadd.s32 $0xFFFFE000  }
0x1d2: {  	[hbm4b:s9+s3] =	stream.linear.scatter [tilespmem:s19], [sflag:$0xA], $0x2000, $0x38;
	[tilespmem:$0x11900] =	vst v63  }
0x1d3: {  	_ =	swait.ge [sflag:s22], $0x2000  }
0x1d4: {  	[sflag:s22] =	ssyncset.done $0x0  }
0x1d5: {  	[sflag:s22] =	ssyncadd.s32 $0xFFFFE000  }
0x1d6: {  	v3 =	vld [tilespmem:$0x18D0];
	_ =	sdelay $0x4  }
0x1d7: {  	v61 =	vshll.u32 v3, $0x2  }
0x1d8: {  	v3 =	vand.u32 $0x7, v3;
	v4 =	vand.u32 $0xFFFFFFE0, v61  }
0x1d9: {  	v3 =	vor.u32 v3, v4  }
0x1da: {  	v4 =	vperm.xlane v3, v0;
	_ =	sdelay $0x1  }
0x1db: {  	v4 =	vadd.s32 v1, v4;
	_ =	sdelay $0x1  }
0x1dc: {  	v3 =	vperm.xlane v3, v2;
	_ =	sdelay $0x1  }
0x1dd: {  	s9 =	simm.s32 $0xB900;
	v3 =	vadd.s32 v1, v3  }
0x1de: {  	[tilespmem:s9], [sflag:$0x6] =	stream.indirect_vreg.gather [hbm4b:s2+s3], $0x80, v4, vm0, $0xb8;
	[tilespmem:$0x11900] =	vst v63  }
0x1df: {  	s19 =	simm.s32 $0xC100  }
0x1e0: {  	[tilespmem:s19], [sflag:$0x6] =	stream.indirect_vreg.gather [hbm4b:s5+s3], $0x80, v4, vm0, $0xb8;
	[tilespmem:$0x11900] =	vst v63  }
0x1e1: {  	s23 =	simm.s32 $0xC900  }
0x1e2: {  	[tilespmem:s23], [sflag:$0x6] =	stream.indirect_vreg.gather [hbm4b:s2+s3], $0x80, v3, vm0, $0xb8;
	[tilespmem:$0x11900] =	vst v63  }
0x1e3: {  	s24 =	simm.s32 $0xD100  }
0x1e4: {  	[tilespmem:s24], [sflag:$0x6] =	stream.indirect_vreg.gather [hbm4b:s5+s3], $0x80, v3, vm0, $0xb8;
	[tilespmem:$0x11900] =	vst v63  }
0x1e5: {  	_ =	swait.ge [sflag:s6], $0x2000  }
0x1e6: {  	[sflag:s6] =	ssyncset.done $0x0  }
0x1e7: {  	s19 =	rddreg [dreg:$0x11];
	[sflag:s6] =	ssyncadd.s32 $0xFFFFE000  }
0x1e8: {  	[hbm4b:s19+s3] =	stream.linear.scatter [tilespmem:s7], [sflag:$0xB], $0x2000, $0x38;
	[tilespmem:$0x11900] =	vst v63  }
0x1e9: {  	_ =	swait.ge [sflag:s25], $0x2000  }
0x1ea: {  	[sflag:s25] =	ssyncset.done $0x0  }
0x1eb: {  	[sflag:s25] =	ssyncadd.s32 $0xFFFFE000  }
0x1ec: {  	v3 =	vld [tilespmem:$0x18E0];
	_ =	sdelay $0x4  }
0x1ed: {  	v62 =	vshll.u32 v3, $0x2  }
0x1ee: {  	v3 =	vand.u32 $0x7, v3;
	v4 =	vand.u32 $0xFFFFFFE0, v62  }
0x1ef: {  	v3 =	vor.u32 v3, v4  }
0x1f0: {  	v4 =	vperm.xlane v3, v0;
	_ =	sdelay $0x1  }
0x1f1: {  	v4 =	vadd.s32 v1, v4;
	_ =	sdelay $0x1  }
0x1f2: {  	v3 =	vperm.xlane v3, v2;
	_ =	sdelay $0x1  }
0x1f3: {  	s7 =	simm.s32 $0xD900;
	v3 =	vadd.s32 v1, v3  }
0x1f4: {  	[tilespmem:s7], [sflag:$0x7] =	stream.indirect_vreg.gather [hbm4b:s2+s3], $0x80, v4, vm0, $0xb8;
	[tilespmem:$0x11900] =	vst v63  }
0x1f5: {  	s23 =	simm.s32 $0xE100  }
0x1f6: {  	[tilespmem:s23], [sflag:$0x7] =	stream.indirect_vreg.gather [hbm4b:s5+s3], $0x80, v4, vm0, $0xb8;
	[tilespmem:$0x11900] =	vst v63  }
0x1f7: {  	s24 =	simm.s32 $0xE900  }
0x1f8: {  	[tilespmem:s24], [sflag:$0x7] =	stream.indirect_vreg.gather [hbm4b:s2+s3], $0x80, v3, vm0, $0xb8;
	[tilespmem:$0x11900] =	vst v63  }
0x1f9: {  	s19 =	simm.s32 $0xF100  }
0x1fa: {  	[tilespmem:s19], [sflag:$0x7] =	stream.indirect_vreg.gather [hbm4b:s5+s3], $0x80, v3, vm0, $0xb8;
	[tilespmem:$0x11900] =	vst v63  }
0x1fb: {  	_ =	swait.ge [sflag:s30], $0x2000  }
0x1fc: {  	[sflag:s30] =	ssyncset.done $0x0  }
0x1fd: {  	s23 =	rddreg [dreg:$0x12];
	[sflag:s30] =	ssyncadd.s32 $0xFFFFE000  }
0x1fe: {  	[hbm4b:s23+s3] =	stream.linear.scatter [tilespmem:s4], [sflag:$0xC], $0x2000, $0x38;
	[tilespmem:$0x11900] =	vst v63  }
0x1ff: {  	_ =	swait.ge [sflag:s26], $0x2000  }
0x200: {  	[sflag:s26] =	ssyncset.done $0x0  }
0x201: {  	[sflag:s26] =	ssyncadd.s32 $0xFFFFE000  }
0x202: {  	v3 =	vld [tilespmem:$0x18F0];
	_ =	sdelay $0x4  }
0x203: {  	v63 =	vshll.u32 v3, $0x2  }
0x204: {  	v3 =	vand.u32 $0x7, v3;
	v4 =	vand.u32 $0xFFFFFFE0, v63  }
0x205: {  	v3 =	vor.u32 v3, v4  }
0x206: {  	v4 =	vperm.xlane v3, v0;
	_ =	sdelay $0x1  }
0x207: {  	v4 =	vadd.s32 v1, v4;
	_ =	sdelay $0x1  }
0x208: {  	v3 =	vperm.xlane v3, v2;
	_ =	sdelay $0x1  }
0x209: {  	s4 =	simm.s32 $0xF900;
	v3 =	vadd.s32 v1, v3  }
0x20a: {  	[tilespmem:s4], [sflag:$0x8] =	stream.indirect_vreg.gather [hbm4b:s2+s3], $0x80, v4, vm0, $0xb8;
	[tilespmem:$0x11900] =	vst v63  }
0x20b: {  	s24 =	simm.s32 $0x10100  }
0x20c: {  	[tilespmem:s24], [sflag:$0x8] =	stream.indirect_vreg.gather [hbm4b:s5+s3], $0x80, v4, vm0, $0xb8;
	[tilespmem:$0x11900] =	vst v63  }
0x20d: {  	s19 =	simm.s32 $0x10900  }
0x20e: {  	[tilespmem:s19], [sflag:$0x8] =	stream.indirect_vreg.gather [hbm4b:s2+s3], $0x80, v3, vm0, $0xb8;
	[tilespmem:$0x11900] =	vst v63  }
0x20f: {  	s23 =	simm.s32 $0x11100  }
0x210: {  	[tilespmem:s23], [sflag:$0x8] =	stream.indirect_vreg.gather [hbm4b:s5+s3], $0x80, v3, vm0, $0xb8;
	[tilespmem:$0x11900] =	vst v63  }
0x211: {  	_ =	swait.ge [sflag:s8], $0x2000  }
0x212: {  	[sflag:s8] =	ssyncset.done $0x0  }
0x213: {  	s24 =	rddreg [dreg:$0x13];
	[sflag:s8] =	ssyncadd.s32 $0xFFFFE000  }
0x214: {  	[hbm4b:s24+s3] =	stream.linear.scatter [tilespmem:s0], [sflag:$0xD], $0x2000, $0x38;
	[tilespmem:$0x11900] =	vst v63  }
0x215: {  	_ =	swait.ge [sflag:s11], $0x2000  }
0x216: {  	[sflag:s11] =	ssyncset.done $0x0  }
0x217: {  	s0 =	rddreg [dreg:$0x14];
	[sflag:s11] =	ssyncadd.s32 $0xFFFFE000  }
0x218: {  	[hbm4b:s0+s3] =	stream.linear.scatter [tilespmem:s9], [sflag:$0xE], $0x2000, $0x38;
	[tilespmem:$0x11900] =	vst v63  }
0x219: {  	_ =	swait.ge [sflag:s15], $0x2000  }
0x21a: {  	[sflag:s15] =	ssyncset.done $0x0  }
0x21b: {  	s9 =	rddreg [dreg:$0x15];
	[sflag:s15] =	ssyncadd.s32 $0xFFFFE000  }
0x21c: {  	[hbm4b:s9+s3] =	stream.linear.scatter [tilespmem:s7], [sflag:$0xF], $0x2000, $0x38;
	[tilespmem:$0x11900] =	vst v63  }
0x21d: {  	_ =	swait.ge [sflag:s17], $0x2000  }
0x21e: {  	[sflag:s17] =	ssyncset.done $0x0  }
0x21f: {  	s19 =	rddreg [dreg:$0x16];
	[sflag:s17] =	ssyncadd.s32 $0xFFFFE000  }
0x220: {  	[hbm4b:s19+s3] =	stream.linear.scatter [tilespmem:s4], [sflag:$0x10], $0x2000, $0x38;
	[tilespmem:$0x11900] =	vst v63  }
0x221: {  	_ =	swait.ge [sflag:s10], $0x2000  }
0x222: {  	[sflag:s10] =	ssyncset.done $0x0  }
0x223: {  	[sflag:s10] =	ssyncadd.s32 $0xFFFFE000  }
0x224: {  	_ =	swait.ge [sflag:s12], $0x2000  }
0x225: {  	[sflag:s12] =	ssyncset.done $0x0  }
0x226: {  	[sflag:s12] =	ssyncadd.s32 $0xFFFFE000  }
0x227: {  	_ =	swait.ge [sflag:s16], $0x2000  }
0x228: {  	[sflag:s16] =	ssyncset.done $0x0  }
0x229: {  	[sflag:s16] =	ssyncadd.s32 $0xFFFFE000  }
0x22a: {  	_ =	swait.ge [sflag:s20], $0x2000  }
0x22b: {  	[sflag:s20] =	ssyncset.done $0x0  }
0x22c: {  	[sflag:s20] =	ssyncadd.s32 $0xFFFFE000  }
0x22d: {  	_ =	swait.ge [sflag:s21], $0x2000  }
0x22e: {  	[sflag:s21] =	ssyncset.done $0x0  }
0x22f: {  	[sflag:s21] =	ssyncadd.s32 $0xFFFFE000  }
0x230: {  	_ =	swait.ge [sflag:s22], $0x2000  }
0x231: {  	[sflag:s22] =	ssyncset.done $0x0  }
0x232: {  	[sflag:s22] =	ssyncadd.s32 $0xFFFFE000  }
0x233: {  	_ =	swait.ge [sflag:s25], $0x2000  }
0x234: {  	[sflag:s25] =	ssyncset.done $0x0  }
0x235: {  	[sflag:s25] =	ssyncadd.s32 $0xFFFFE000  }
0x236: {  	_ =	swait.ge [sflag:s26], $0x2000  }
0x237: {  	s23 =	rddreg [dreg:$0x18]  }
0x238: {  	s24 =	rddreg [dreg:$0x17];
	s7 =	sadd.s32 $0x1, s23  }
0x239: {  	p0 =	sne.s32 s7, s24  }
.Ltmp1:
0x23a: {  	_ = 	snop;
	(pc) =	sbr.rel @p0 .LBB2_1-.Ltmp1, $4  }
0x23b: {  	_ = 	snop  }
0x23c: {  	s28 =	simm.s32 $0x6100;
	s31 =	simm.s32 $0x6900  }
0x23d: {  	s0 =	simm.s32 $0x3100;
	s4 =	simm.s32 $0x2100;
	[sflag:s26] =	ssyncset.done $0x0  }
0x23e: {  	s19 =	simm.s32 $0x4900;
	[sflag:s26] =	ssyncadd.s32 $0xFFFFE000;
	s23 =	simm.s32 $0x5100  }
0x23f: {  	_ =	sfence.sel $0x180000  }
0x240: {  	[bflag:$0x0] =	sbarrier.arrive $0xFFFF  }
0x241: {  	_ =	strace $0x90000047  }
0x242: {  	s0 =	stileid.u32;
	[bflag:$0x2] =	sbarrier.arrive $0xFFFF  }
0x243: {  	p0 =	sne.s32 s0, $0x0;
	s0 =	rddreg [dreg:$0x3]  }
0x244: {  	s0 =	sadd.s32 @!p0 $0x100000, s0  }
0x245: {  	[sflag:s0] =	ssyncadd.tile.s32 @!p0 $0x1;
	_ =	shalt  }
.Lfunc_end2:
_tile_overlayer_lowered:
.L_overlay_start_2:
0x246: {  	(tag) =	ssettag $0x2  }
0x247: {  	s0 =	rddreg [dreg:$0x0];
	s2 =	stileid.u32  }
0x248: {  	s1 =	rddreg [dreg:$0x1];
	p0 =	sne.s32 s2, $0x0  }
0x249: {  	s3 =	rddreg [dreg:$0x2];
	[bflag:$0x3] =	sbarrier.arrive $0xFFFF;
	s2 =	simm.s32 @!p0 $0x1C11  }
0x24a: {  	[timem:s3], [sflag:s2] =	dma.local @!p0 [hbm:s0], s1  }
0x24b: {  	s0 =	simm.s32 @!p0 $0x11  }
0x24c: {  	_ =	swait.ge @!p0 [sflag:s0], s1  }
0x24d: {  	s1 =	ssub.s32 @!p0 $0x0, s1;
	[sflag:s0] =	ssyncset.done @!p0 $0x0  }
0x24e: {  	[sflag:s0] =	ssyncadd.s32 @!p0 s1  }
0x24f: {  	[bflag:$0x3] =	sbarrier.arrive $0xFFFF  }
0x250: {  	_ =	shalt  }

</sc_bundles>
